<compile_context>
chip_gen: v7x
topology: tpu7x:2x2x1
jax: 0.10.2.dev20260603
libtpu: 0.0.44.dev20260713+nightly
codegen_flags: <defaults>
</compile_context>

<pallas_src>
import functools

import jax
import jax.numpy as jnp
from jax import lax
from jax.experimental import pallas as pl
from jax.experimental.pallas import tpu as pltpu
from jax.experimental.pallas import tpu_sc as plsc

_EB = 80
_ROW_BLK = 2000


@functools.cache
def _sc_aggregate(n, e, d, dt=jnp.float32):
    info = plsc.get_sparse_core_info()
    nc, ns = info.num_cores, info.num_subcores
    nw = nc * ns
    steps = e // nw // _EB
    assert steps % 4 == 1
    rpt = (n // ns) // 8 * 8
    tail = n - rpt * ns
    zrows = 48
    lanes = 32 if dt == jnp.bfloat16 else 16
    mesh = plsc.VectorSubcoreMesh(core_axis_name="c", subcore_axis_name="s")

    @functools.partial(
        pl.kernel,
        out_type=(jax.ShapeDtypeStruct((n, d), dt),
                  jax.ShapeDtypeStruct((n, d), dt)),
        mesh=mesh,
        scratch_types=[
            pltpu.VMEM((steps, _EB), jnp.int32),
            pltpu.VMEM((steps, _EB), jnp.int32),
            pltpu.VMEM((_EB, d), dt),
            pltpu.VMEM((_EB, d), dt),
            pltpu.VMEM((_EB, d), dt),
            pltpu.VMEM((_EB, d), dt),
            pltpu.VMEM((zrows, d), dt),
            pltpu.VMEM_SHARED((n, d), dt),
            pltpu.SemaphoreType.DMA,
            pltpu.SemaphoreType.DMA,
            pltpu.SemaphoreType.DMA,
            pltpu.SemaphoreType.DMA,
            pltpu.SemaphoreType.DMA,
            pltpu.SemaphoreType.DMA,
            pltpu.SemaphoreType.DMA,
            pltpu.SemaphoreType.DMA,
        ],
        compiler_params=pltpu.CompilerParams(use_tc_tiling_on_sc=False),
    )
    def agg(y_hbm, e4_hbm, out0, out1,
            src_v, dst_v, r0, r1, r2, r3, zbuf, acc_sh,
            g0, g1, g2, g3, s0, s1, s2, s3):
        rows = (r0, r1, r2, r3)
        gsem = (g0, g1, g2, g3)
        ssem = (s0, s1, s2, s3)
        c = lax.axis_index("c")
        s = lax.axis_index("s")
        wid = c * ns + s

        pltpu.async_copy(e4_hbm.at[0, wid], src_v, gsem[0])
        pltpu.async_copy(e4_hbm.at[1, wid], dst_v, gsem[1])

        def _zrow(r, carry):
            for k in range(d // lanes):
                zbuf[r, pl.ds(k * lanes, lanes)] = jnp.zeros((lanes,), dt)
            return carry
        lax.fori_loop(0, zrows, _zrow, 0)

        def _zcp(k, carry):
            pltpu.sync_copy(zbuf, acc_sh.at[pl.ds(s * rpt + k * zrows, zrows)])
            return carry
        lax.fori_loop(0, rpt // zrows, _zcp, 0)

        @pl.when(s == ns - 1)
        def _():
            pltpu.sync_copy(zbuf.at[pl.ds(0, tail)],
                            acc_sh.at[pl.ds(ns * rpt, tail)])
        pltpu.make_async_copy(e4_hbm.at[0, wid], src_v, gsem[0]).wait()
        pltpu.make_async_copy(e4_hbm.at[1, wid], dst_v, gsem[1]).wait()
        plsc.subcore_barrier()

        def g_start(step, b):
            pltpu.async_copy(y_hbm.at[src_v.at[step]], rows[b], gsem[b])

        def g_wait(step, b):
            pltpu.make_async_copy(
                y_hbm.at[src_v.at[step]], rows[b], gsem[b]).wait()

        def s_start(step, b):
            pltpu.async_copy(
                rows[b], acc_sh.at[dst_v.at[step]], ssem[b], add=True)

        def s_wait(step, b):
            pltpu.make_async_copy(
                rows[b], acc_sh.at[dst_v.at[step]], ssem[b]).wait()

        for k in range(3):
            g_start(k, k)
        g_wait(0, 0)
        s_start(0, 0)
        g_start(3, 3)

        def _grp(g, carry):
            base = 1 + 4 * g
            for k in range(4):
                st = base + k
                b = (1 + k) % 4
                bn = k % 4
                g_wait(st, b)
                s_start(st, b)
                s_wait(st - 1, bn)
                g_start(st + 3, bn)
            return carry
        lax.fori_loop(0, (steps - 5) // 4, _grp, 0)

        t = steps - 4
        g_wait(t, (t + 0) % 4); s_start(t, t % 4)
        s_wait(t - 1, (t + 3) % 4); g_start(t + 3, (t + 3) % 4)
        for k in range(1, 4):
            g_wait(t + k, (t + k) % 4)
            s_start(t + k, (t + k) % 4)
        for k in range(0, 4):
            s_wait(t + k, (t + k) % 4)

        plsc.subcore_barrier()
        sl = pl.ds(s * rpt, rpt)
        sl_t = pl.ds(ns * rpt, tail)

        @pl.when(c == 0)
        def _():
            pltpu.sync_copy(acc_sh.at[sl], out0.at[sl])

            @pl.when(s == ns - 1)
            def _():
                pltpu.sync_copy(acc_sh.at[sl_t], out0.at[sl_t])

        @pl.when(c == 1)
        def _():
            pltpu.sync_copy(acc_sh.at[sl], out1.at[sl])

            @pl.when(s == ns - 1)
            def _():
                pltpu.sync_copy(acc_sh.at[sl_t], out1.at[sl_t])

    return agg


def _dot(a, b):
    return jnp.dot(a, b, preferred_element_type=jnp.float32,
                   precision=lax.Precision.DEFAULT)


def _dot_exact(a, b):
    return jnp.dot(a, b, preferred_element_type=jnp.float32,
                   precision=lax.Precision.HIGHEST)


def _pad_ones(z, width):
    rows = z.shape[0]
    ones = jnp.ones((rows, 1), jnp.float32)
    zeros = jnp.zeros((rows, width - z.shape[1] - 1), jnp.float32)
    return jnp.concatenate([z, ones, zeros], axis=1)


def _mm_body(x_ref, w_ref, b_ref, o_ref):
    y = _dot(x_ref[...], w_ref[...]) + b_ref[...]
    o_ref[...] = _pad_ones(y, o_ref.shape[1]).astype(o_ref.dtype)


def _combine_mm_body(dcol, p0_ref, p1_ref, y_ref, w_ref, b_ref, o_ref):
    acc = p0_ref[...].astype(jnp.float32) + p1_ref[...].astype(jnp.float32)
    deg = acc[:, dcol:dcol + 1]
    mean = acc / jnp.maximum(deg, 1.0)
    h = jnp.maximum(
        jnp.where(deg > 0, mean, y_ref[...].astype(jnp.float32)), 0.0)
    z = _dot(h[:, :dcol], w_ref[...]) + b_ref[...]
    o_ref[...] = _pad_ones(z, o_ref.shape[1]).astype(o_ref.dtype)


def _readout_head_body(nsteps, dcol, p0_ref, p1_ref, y_ref, gid_ref,
                       self_ref, wbil_ref, f1w_ref, f1b_ref, f2w_ref,
                       f2b_ref, f3w_ref, f3b_ref, g1_ref, bb1_ref,
                       g2_ref, bb2_ref, o_ref, m_acc):
    i = pl.program_id(0)

    @pl.when(i == 0)
    def _():
        m_acc[...] = jnp.zeros_like(m_acc)

    acc = p0_ref[...].astype(jnp.float32) + p1_ref[...].astype(jnp.float32)
    deg = acc[:, dcol:dcol + 1]
    mean = acc / jnp.maximum(deg, 1.0)
    h2 = jnp.maximum(
        jnp.where(deg > 0, mean, y_ref[...].astype(jnp.float32)), 0.0)

    gids = gid_ref[0, 0, :]
    seg = lax.broadcasted_iota(jnp.int32, (16, h2.shape[0]), 0)
    oht = (gids[None, :] == seg).astype(jnp.float32)
    m_acc[...] += _dot_exact(oht, h2)

    @pl.when(i == nsteps - 1)
    def _():
        m = m_acc[...]
        cnt = m[:, dcol:dcol + 1]
        hg = m[:, :dcol] / jnp.maximum(cnt, 1.0)
        a = _dot(hg, wbil_ref[...]) * self_ref[...]
        z = _dot(a, f1w_ref[...]) + f1b_ref[...]
        mu = jnp.mean(z, axis=0, keepdims=True)
        var = jnp.mean((z - mu) ** 2, axis=0, keepdims=True)
        z = g1_ref[...] * (z - mu) / jnp.sqrt(var + 1e-5) + bb1_ref[...]
        z = jnp.maximum(z, 0.0)
        z = _dot(z, f2w_ref[...]) + f2b_ref[...]
        mu = jnp.mean(z, axis=0, keepdims=True)
        var = jnp.mean((z - mu) ** 2, axis=0, keepdims=True)
        z = g2_ref[...] * (z - mu) / jnp.sqrt(var + 1e-5) + bb2_ref[...]
        z = jnp.maximum(z, 0.0)
        o_ref[...] = _dot(z, f3w_ref[...]) + f3b_ref[...]


def _full(shape):
    return pl.BlockSpec(shape, lambda i: tuple(0 for _ in shape))


def kernel(x, edge_index, graph_ids, self_feat, W1, b1, W2, b2, Wbil,
           fc1_W, fc1_b, fc2_W, fc2_b, fc3_W, fc3_b,
           bn1_g, bn1_b, bn2_g, bn2_b):
    n, din = x.shape
    e = edge_index.shape[1]
    d1 = W1.shape[1]
    d1p = ((d1 + 1 + 31) // 32) * 32
    d2 = W2.shape[1]
    d2p = ((d2 + 1 + 31) // 32) * 32
    agg_dt = jnp.bfloat16
    nblk = n // _ROW_BLK

    e4 = edge_index.astype(jnp.int32).reshape(2, 32, e // 32 // _EB, _EB)
    gid3 = graph_ids.astype(jnp.int32).reshape(nblk, 1, _ROW_BLK)

    row = lambda shape: pl.BlockSpec(shape, lambda i: (i, 0))

    y1 = pl.pallas_call(
        _mm_body,
        grid=(nblk,),
        in_specs=[row((_ROW_BLK, din)), _full((din, d1)), _full((1, d1))],
        out_specs=row((_ROW_BLK, d1p)),
        out_shape=jax.ShapeDtypeStruct((n, d1p), agg_dt),
    )(x, W1, b1.reshape(1, -1))

    p0, p1 = _sc_aggregate(n, e, d1p, agg_dt)(y1, e4)

    y2 = pl.pallas_call(
        functools.partial(_combine_mm_body, d1),
        grid=(nblk,),
        in_specs=[row((_ROW_BLK, d1p)), row((_ROW_BLK, d1p)),
                  row((_ROW_BLK, d1p)), _full((d1, d2)), _full((1, d2))],
        out_specs=row((_ROW_BLK, d2p)),
        out_shape=jax.ShapeDtypeStruct((n, d2p), agg_dt),
    )(p0, p1, y1, W2, b2.reshape(1, -1))

    q0, q1 = _sc_aggregate(n, e, d2p, agg_dt)(y2, e4)

    out = pl.pallas_call(
        functools.partial(_readout_head_body, nblk, d2),
        grid=(nblk,),
        in_specs=[row((_ROW_BLK, d2p)), row((_ROW_BLK, d2p)),
                  row((_ROW_BLK, d2p)),
                  pl.BlockSpec((1, 1, _ROW_BLK), lambda i: (i, 0, 0)),
                  _full(self_feat.shape), _full(Wbil.shape),
                  _full(fc1_W.shape), _full((1, fc1_b.shape[0])),
                  _full(fc2_W.shape), _full((1, fc2_b.shape[0])),
                  _full(fc3_W.shape), _full((1, fc3_b.shape[0])),
                  _full((1, bn1_g.shape[0])), _full((1, bn1_b.shape[0])),
                  _full((1, bn2_g.shape[0])), _full((1, bn2_b.shape[0]))],
        out_specs=_full((16, fc3_W.shape[1])),
        out_shape=jax.ShapeDtypeStruct((16, fc3_W.shape[1]), jnp.float32),
        scratch_shapes=[pltpu.VMEM((16, d2p), jnp.float32)],
    )(q0, q1, y2, gid3, self_feat, Wbil,
      fc1_W, fc1_b.reshape(1, -1), fc2_W, fc2_b.reshape(1, -1),
      fc3_W, fc3_b.reshape(1, -1),
      bn1_g.reshape(1, -1), bn1_b.reshape(1, -1),
      bn2_g.reshape(1, -1), bn2_b.reshape(1, -1))
    return out

# --- scband reference (transcript-rebuilt; emitter-appended) ---
"""Pipeline reference for scband-bilinear-net-3-84954453115059 (READ-ONLY COPY).

The authoritative reference and input builder live on the scoring server;
editing this copy changes nothing except your own understanding.
"""

import jax, jax.numpy as jnp
import numpy as np

N_NODES = 10000
N_EDGES = 320000
DIM_IN = 128
DIM_OUT = 10
DIM_SELF = 64
N_GRAPHS = 16


def setup_inputs(seed: int = 0) -> dict:
    key = jax.random.key(seed)
    ks = jax.random.split(key, 20)
    x = jax.random.normal(ks[0], (N_NODES, DIM_IN), dtype=jnp.float32)
    edge_index = jax.random.randint(ks[1], (2, N_EDGES), 0, N_NODES, dtype=jnp.int64)
    graph_ids = jnp.sort(jax.random.randint(ks[2], (N_NODES,), 0, N_GRAPHS, dtype=jnp.int64))
    self_feat = jax.random.normal(ks[3], (N_GRAPHS, DIM_SELF), dtype=jnp.float32)
    # parameters (torch Linear stored transposed: [in, out])
    W1 = jax.random.normal(ks[4], (DIM_IN, 100), dtype=jnp.float32) * (1.0 / np.sqrt(DIM_IN))
    b1 = jnp.zeros((100,), dtype=jnp.float32)
    W2 = jax.random.normal(ks[5], (100, 20), dtype=jnp.float32) * 0.1
    b2 = jnp.zeros((20,), dtype=jnp.float32)
    Wbil = jax.random.normal(ks[6], (20, DIM_SELF), dtype=jnp.float32)
    fc1_W = jax.random.normal(ks[7], (DIM_SELF, 32), dtype=jnp.float32) * (1.0 / np.sqrt(DIM_SELF))
    fc1_b = jnp.zeros((32,), dtype=jnp.float32)
    fc2_W = jax.random.normal(ks[8], (32, 8), dtype=jnp.float32) * (1.0 / np.sqrt(32))
    fc2_b = jnp.zeros((8,), dtype=jnp.float32)
    fc3_W = jax.random.normal(ks[9], (8, DIM_OUT), dtype=jnp.float32) * (1.0 / np.sqrt(8))
    fc3_b = jnp.zeros((DIM_OUT,), dtype=jnp.float32)
    bn1_g = jnp.ones((32,), dtype=jnp.float32)
    bn1_b = jnp.zeros((32,), dtype=jnp.float32)
    bn2_g = jnp.ones((8,), dtype=jnp.float32)
    bn2_b = jnp.zeros((8,), dtype=jnp.float32)
    return {"x": x, "edge_index": edge_index, "graph_ids": graph_ids, "self_feat": self_feat,
            "W1": W1, "b1": b1, "W2": W2, "b2": b2, "Wbil": Wbil,
            "fc1_W": fc1_W, "fc1_b": fc1_b, "fc2_W": fc2_W, "fc2_b": fc2_b,
            "fc3_W": fc3_W, "fc3_b": fc3_b,
            "bn1_g": bn1_g, "bn1_b": bn1_b, "bn2_g": bn2_g, "bn2_b": bn2_b}


def _gcn_layer(h, src, dst, W, b, n_nodes):
    # DGL update_all(copy_u, mean): mean of incoming neighbor messages.
    # Nodes with no in-edges keep their existing 'h' (set to the input feature).
    msg = jnp.take(h, src, axis=0)
    agg = jax.ops.segment_sum(msg, dst, num_segments=n_nodes)
    deg = jax.ops.segment_sum(jnp.ones_like(dst, dtype=h.dtype), dst, num_segments=n_nodes)
    mean = agg / jnp.maximum(deg, 1.0)[:, None]
    h_new = jnp.where((deg > 0)[:, None], mean, h)
    # apply_nodes: Linear on every node
    return h_new @ W + b


def _batchnorm(x, gamma, beta, eps=1e-5):
    mu = jnp.mean(x, axis=0)
    var = jnp.var(x, axis=0)
    return gamma * (x - mu) / jnp.sqrt(var + eps) + beta


def reference(x, edge_index, graph_ids, self_feat, W1, b1, W2, b2, Wbil,
              fc1_W, fc1_b, fc2_W, fc2_b, fc3_W, fc3_b,
              bn1_g, bn1_b, bn2_g, bn2_b):
    n_nodes = x.shape[0]
    src = edge_index[0]
    dst = edge_index[1]
    h = jax.nn.relu(_gcn_layer(x, src, dst, W1, b1, n_nodes))
    h = jax.nn.relu(_gcn_layer(h, src, dst, W2, b2, n_nodes))
    # dgl.mean_nodes: per-graph mean readout
    cnt = jax.ops.segment_sum(jnp.ones((n_nodes,), dtype=h.dtype), graph_ids, num_segments=N_GRAPHS)
    hg = jax.ops.segment_sum(h, graph_ids, num_segments=N_GRAPHS) / jnp.maximum(cnt, 1.0)[:, None]
    A = hg @ Wbil
    hg2 = A * self_feat
    out = jax.nn.relu(_batchnorm(hg2 @ fc1_W + fc1_b, bn1_g, bn1_b))
    # dropout is identity in eval mode
    out = jax.nn.relu(_batchnorm(out @ fc2_W + fc2_b, bn2_g, bn2_b))
    out = out @ fc3_W + fc3_b
    return out

if __name__ == "__main__":
    import jax
    _d = setup_inputs()
    print(jax.jit(kernel)(*tuple(_d.values())))

</pallas_src>

<mosaic_0001>
#map = affine_map<(d0, d1) -> (0, 0)>
#map1 = affine_map<(d0, d1) -> (0, 0, 0, 0)>
module attributes {stable_mosaic.version = 14 : i64} {
  func.func @agg(%arg0: i32, %arg1: i32, %arg2: memref<10000x32xbf16, #tpu.memory_space<hbm>>, %arg3: memref<2x32x125x80xi32, #tpu.memory_space<hbm>>, %arg4: memref<10000x32xbf16, #tpu.memory_space<hbm>>, %arg5: memref<10000x32xbf16, #tpu.memory_space<hbm>>, %arg6: memref<125x80xi32, #tpu.memory_space<vmem>>, %arg7: memref<125x80xi32, #tpu.memory_space<vmem>>, %arg8: memref<80x32xbf16, #tpu.memory_space<vmem>>, %arg9: memref<80x32xbf16, #tpu.memory_space<vmem>>, %arg10: memref<80x32xbf16, #tpu.memory_space<vmem>>, %arg11: memref<80x32xbf16, #tpu.memory_space<vmem>>, %arg12: memref<48x32xbf16, #tpu.memory_space<vmem>>, %arg13: memref<10000x32xbf16, #tpu.memory_space<vmem_shared>>, %arg14: memref<!tpu.dma_semaphore, #tpu.memory_space<semaphore_mem>>, %arg15: memref<!tpu.dma_semaphore, #tpu.memory_space<semaphore_mem>>, %arg16: memref<!tpu.dma_semaphore, #tpu.memory_space<semaphore_mem>>, %arg17: memref<!tpu.dma_semaphore, #tpu.memory_space<semaphore_mem>>, %arg18: memref<!tpu.dma_semaphore, #tpu.memory_space<semaphore_mem>>, %arg19: memref<!tpu.dma_semaphore, #tpu.memory_space<semaphore_mem>>, %arg20: memref<!tpu.dma_semaphore, #tpu.memory_space<semaphore_mem>>, %arg21: memref<!tpu.dma_semaphore, #tpu.memory_space<semaphore_mem>>) attributes {dimension_semantics = [#tpu.dimension_semantics<core_parallel>, #tpu.dimension_semantics<subcore_parallel>], iteration_bounds = array<i64: 2, 16>, scalar_prefetch = 0 : i64, scratch_operands = 16 : i64, tpu.core_type = #tpu.core_type<sc_vector_subcore>, window_params = [{transform_indices = #map}, {transform_indices = #map1}, {transform_indices = #map}, {transform_indices = #map}]} {
    %mul3A = arith.constant 16 : i32
    %mul3A_0 = arith.muli %arg0, %mul3A : i32
    %add3A = arith.addi %mul3A_0, %arg1 : i32
    %dma_start3A = arith.constant 0 : i32
    %dma_start3A_1 = arith.constant 0 : i32
    %dma_start3A_2 = arith.constant 0 : i32
    %dma_start3A_3 = tpu.memref_slice %arg3[%dma_start3A, %add3A, %dma_start3A_1, %dma_start3A_2] : memref<2x32x125x80xi32, #tpu.memory_space<hbm>> -> memref<1x1x125x80xi32, #tpu.memory_space<hbm>>
    %dma_start3A_4 = tpu.memref_squeeze %dma_start3A_3 : memref<1x1x125x80xi32, #tpu.memory_space<hbm>> -> memref<125x80xi32, #tpu.memory_space<hbm>>
    %dma_start3A_5 = arith.constant 0 : i32
    %dma_start3A_6 = arith.constant 0 : i32
    %dma_start3A_7 = tpu.memref_slice %arg3[%dma_start3A, %add3A, %dma_start3A_5, %dma_start3A_6] : memref<2x32x125x80xi32, #tpu.memory_space<hbm>> -> memref<1x1x125x80xi32, #tpu.memory_space<hbm>>
    %dma_start3A_8 = tpu.memref_squeeze %dma_start3A_7 : memref<1x1x125x80xi32, #tpu.memory_space<hbm>> -> memref<125x80xi32, #tpu.memory_space<hbm>>
    tpu.enqueue_dma source(%dma_start3A_8 : memref<125x80xi32, #tpu.memory_space<hbm>>) target(%arg6 : memref<125x80xi32, #tpu.memory_space<vmem>>) target_semaphore(%arg14 : memref<!tpu.dma_semaphore, #tpu.memory_space<semaphore_mem>>)
    %dma_start3A_9 = arith.constant 1 : i32
    %dma_start3A_10 = arith.constant 0 : i32
    %dma_start3A_11 = arith.constant 0 : i32
    %dma_start3A_12 = tpu.memref_slice %arg3[%dma_start3A_9, %add3A, %dma_start3A_10, %dma_start3A_11] : memref<2x32x125x80xi32, #tpu.memory_space<hbm>> -> memref<1x1x125x80xi32, #tpu.memory_space<hbm>>
    %dma_start3A_13 = tpu.memref_squeeze %dma_start3A_12 : memref<1x1x125x80xi32, #tpu.memory_space<hbm>> -> memref<125x80xi32, #tpu.memory_space<hbm>>
    %dma_start3A_14 = arith.constant 0 : i32
    %dma_start3A_15 = arith.constant 0 : i32
    %dma_start3A_16 = tpu.memref_slice %arg3[%dma_start3A_9, %add3A, %dma_start3A_14, %dma_start3A_15] : memref<2x32x125x80xi32, #tpu.memory_space<hbm>> -> memref<1x1x125x80xi32, #tpu.memory_space<hbm>>
    %dma_start3A_17 = tpu.memref_squeeze %dma_start3A_16 : memref<1x1x125x80xi32, #tpu.memory_space<hbm>> -> memref<125x80xi32, #tpu.memory_space<hbm>>
    tpu.enqueue_dma source(%dma_start3A_17 : memref<125x80xi32, #tpu.memory_space<hbm>>) target(%arg7 : memref<125x80xi32, #tpu.memory_space<vmem>>) target_semaphore(%arg15 : memref<!tpu.dma_semaphore, #tpu.memory_space<semaphore_mem>>)
    %scan3A = arith.constant 0 : i32
    %scan3A_18 = arith.constant 0 : i32
    %scan3A_19 = arith.constant 48 : i32
    %scan3A_20 = arith.addi %scan3A_18, %scan3A_19 : i32
    %scan3A_21 = arith.constant 1 : i32
    scf.for %scan3A_207 = %scan3A_18 to %scan3A_20 step %scan3A_21  : i32 {
      %broadcast_in_dim3A = arith.constant 0.000000e+00 : bf16
      %broadcast_in_dim3A_208 = vector.broadcast %broadcast_in_dim3A : bf16 to vector<32xbf16>
      %swap3A = arith.index_cast %scan3A_207 : i32 to index
      %swap3A_209 = arith.constant 0 : index
      %swap3A_210 = tpu.vector_load %arg12[%swap3A, %swap3A_209] {strides = array<i32>} : memref<48x32xbf16, #tpu.memory_space<vmem>>, vector<1x32xbf16>,
      %swap3A_211 = vector.shape_cast %swap3A_210 : vector<1x32xbf16> to vector<32xbf16>
      %swap3A_212 = vector.shape_cast %broadcast_in_dim3A_208 : vector<32xbf16> to vector<1x32xbf16>
      tpu.vector_store %arg12[%swap3A, %swap3A_209], %swap3A_212 {strides = array<i32>} : memref<48x32xbf16, #tpu.memory_space<vmem>>, vector<1x32xbf16>,
    }
    %scan3A_22 = arith.constant 48 : i32
    %scan3A_23 = arith.constant 0 : i32
    %scan3A_24 = arith.constant 0 : i32
    %scan3A_25 = arith.constant 13 : i32
    %scan3A_26 = arith.addi %scan3A_24, %scan3A_25 : i32
    %scan3A_27 = arith.constant 1 : i32
    scf.for %scan3A_207 = %scan3A_24 to %scan3A_26 step %scan3A_27  : i32 {
      %mul3A_208 = arith.constant 624 : i32
      %mul3A_209 = arith.muli %arg1, %mul3A_208 : i32
      %mul3A_210 = arith.constant 48 : i32
      %mul3A_211 = arith.muli %scan3A_207, %mul3A_210 : i32
      %add3A_212 = arith.addi %mul3A_209, %mul3A_211 : i32
      "tpu.region"() ({
        %run_scoped3A = tpu.sem_alloc : memref<!tpu.dma_semaphore, #tpu.memory_space<semaphore_mem>>
        %dma_start3A_213 = arith.constant 0 : i32
        %dma_start3A_214 = tpu.memref_slice %arg13[%add3A_212, %dma_start3A_213] : memref<10000x32xbf16, #tpu.memory_space<vmem_shared>> -> memref<48x32xbf16, #tpu.memory_space<vmem_shared>>
        %dma_start3A_215 = arith.constant 0 : i32
        %dma_start3A_216 = tpu.memref_slice %arg13[%add3A_212, %dma_start3A_215] : memref<10000x32xbf16, #tpu.memory_space<vmem_shared>> -> memref<48x32xbf16, #tpu.memory_space<vmem_shared>>
        tpu.enqueue_dma source(%arg12 : memref<48x32xbf16, #tpu.memory_space<vmem>>) target(%dma_start3A_216 : memref<48x32xbf16, #tpu.memory_space<vmem_shared>>) target_semaphore(%run_scoped3A : memref<!tpu.dma_semaphore, #tpu.memory_space<semaphore_mem>>)
        %dma_wait3A_217 = arith.constant 0 : i32
        %dma_wait3A_218 = tpu.memref_slice %arg13[%add3A_212, %dma_wait3A_217] : memref<10000x32xbf16, #tpu.memory_space<vmem_shared>> -> memref<48x32xbf16, #tpu.memory_space<vmem_shared>>
        %dma_wait3A_219 = arith.constant 0 : i32
        %dma_wait3A_220 = tpu.memref_slice %arg13[%add3A_212, %dma_wait3A_219] : memref<10000x32xbf16, #tpu.memory_space<vmem_shared>> -> memref<48x32xbf16, #tpu.memory_space<vmem_shared>>
        tpu.wait_dma2 semaphore(%run_scoped3A : memref<!tpu.dma_semaphore, #tpu.memory_space<semaphore_mem>>) src(%arg12 : memref<48x32xbf16, #tpu.memory_space<vmem>>) dst(%dma_wait3A_220 : memref<48x32xbf16, #tpu.memory_space<vmem_shared>>)
        tpu.yield
      }) : () -> ()
    }
    %scan3A_28 = arith.constant 13 : i32
    %eq3A = arith.constant 15 : i32
    %eq3A_29 = arith.cmpi eq, %arg1, %eq3A : i32
    %convert_element_type3A = arith.extui %eq3A_29 : i1 to i32
    %cond3A = arith.constant 0 : i32
    %cond3A_30 = arith.cmpi ne, %convert_element_type3A, %cond3A : i32
    scf.if %cond3A_30 {
      "tpu.region"() ({
        %run_scoped3A = tpu.sem_alloc : memref<!tpu.dma_semaphore, #tpu.memory_space<semaphore_mem>>
        %dma_start3A_207 = arith.constant 0 : i32
        %dma_start3A_208 = arith.constant 0 : i32
        %dma_start3A_209 = tpu.memref_slice %arg12[%dma_start3A_207, %dma_start3A_208] : memref<48x32xbf16, #tpu.memory_space<vmem>> -> memref<16x32xbf16, #tpu.memory_space<vmem>>
        %dma_start3A_210 = arith.constant 9984 : i32
        %dma_start3A_211 = arith.constant 0 : i32
        %dma_start3A_212 = tpu.memref_slice %arg13[%dma_start3A_210, %dma_start3A_211] : memref<10000x32xbf16, #tpu.memory_space<vmem_shared>> -> memref<16x32xbf16, #tpu.memory_space<vmem_shared>>
        %dma_start3A_213 = arith.constant 9984 : i32
        %dma_start3A_214 = arith.constant 0 : i32
        %dma_start3A_215 = tpu.memref_slice %arg13[%dma_start3A_213, %dma_start3A_214] : memref<10000x32xbf16, #tpu.memory_space<vmem_shared>> -> memref<16x32xbf16, #tpu.memory_space<vmem_shared>>
        %dma_start3A_216 = arith.constant 0 : i32
        %dma_start3A_217 = arith.constant 0 : i32
        %dma_start3A_218 = tpu.memref_slice %arg12[%dma_start3A_216, %dma_start3A_217] : memref<48x32xbf16, #tpu.memory_space<vmem>> -> memref<16x32xbf16, #tpu.memory_space<vmem>>
        tpu.enqueue_dma source(%dma_start3A_218 : memref<16x32xbf16, #tpu.memory_space<vmem>>) target(%dma_start3A_215 : memref<16x32xbf16, #tpu.memory_space<vmem_shared>>) target_semaphore(%run_scoped3A : memref<!tpu.dma_semaphore, #tpu.memory_space<semaphore_mem>>)
        %dma_wait3A_219 = arith.constant 0 : i32
        %dma_wait3A_220 = arith.constant 0 : i32
        %dma_wait3A_221 = tpu.memref_slice %arg12[%dma_wait3A_219, %dma_wait3A_220] : memref<48x32xbf16, #tpu.memory_space<vmem>> -> memref<16x32xbf16, #tpu.memory_space<vmem>>
        %dma_wait3A_222 = arith.constant 9984 : i32
        %dma_wait3A_223 = arith.constant 0 : i32
        %dma_wait3A_224 = tpu.memref_slice %arg13[%dma_wait3A_222, %dma_wait3A_223] : memref<10000x32xbf16, #tpu.memory_space<vmem_shared>> -> memref<16x32xbf16, #tpu.memory_space<vmem_shared>>
        %dma_wait3A_225 = arith.constant 9984 : i32
        %dma_wait3A_226 = arith.constant 0 : i32
        %dma_wait3A_227 = tpu.memref_slice %arg13[%dma_wait3A_225, %dma_wait3A_226] : memref<10000x32xbf16, #tpu.memory_space<vmem_shared>> -> memref<16x32xbf16, #tpu.memory_space<vmem_shared>>
        %dma_wait3A_228 = arith.constant 0 : i32
        %dma_wait3A_229 = arith.constant 0 : i32
        %dma_wait3A_230 = tpu.memref_slice %arg12[%dma_wait3A_228, %dma_wait3A_229] : memref<48x32xbf16, #tpu.memory_space<vmem>> -> memref<16x32xbf16, #tpu.memory_space<vmem>>
        tpu.wait_dma2 semaphore(%run_scoped3A : memref<!tpu.dma_semaphore, #tpu.memory_space<semaphore_mem>>) src(%dma_wait3A_230 : memref<16x32xbf16, #tpu.memory_space<vmem>>) dst(%dma_wait3A_227 : memref<16x32xbf16, #tpu.memory_space<vmem_shared>>)
        tpu.yield
      }) : () -> ()
    } else {
    }
    %dma_wait3A = arith.constant 0 : i32
    %dma_wait3A_31 = arith.constant 0 : i32
    %dma_wait3A_32 = arith.constant 0 : i32
    %dma_wait3A_33 = tpu.memref_slice %arg3[%dma_wait3A, %add3A, %dma_wait3A_31, %dma_wait3A_32] : memref<2x32x125x80xi32, #tpu.memory_space<hbm>> -> memref<1x1x125x80xi32, #tpu.memory_space<hbm>>
    %dma_wait3A_34 = tpu.memref_squeeze %dma_wait3A_33 : memref<1x1x125x80xi32, #tpu.memory_space<hbm>> -> memref<125x80xi32, #tpu.memory_space<hbm>>
    %dma_wait3A_35 = arith.constant 0 : i32
    %dma_wait3A_36 = arith.constant 0 : i32
    %dma_wait3A_37 = tpu.memref_slice %arg3[%dma_wait3A, %add3A, %dma_wait3A_35, %dma_wait3A_36] : memref<2x32x125x80xi32, #tpu.memory_space<hbm>> -> memref<1x1x125x80xi32, #tpu.memory_space<hbm>>
    %dma_wait3A_38 = tpu.memref_squeeze %dma_wait3A_37 : memref<1x1x125x80xi32, #tpu.memory_space<hbm>> -> memref<125x80xi32, #tpu.memory_space<hbm>>
    tpu.wait_dma2 semaphore(%arg14 : memref<!tpu.dma_semaphore, #tpu.memory_space<semaphore_mem>>) src(%dma_wait3A_38 : memref<125x80xi32, #tpu.memory_space<hbm>>) dst(%arg6 : memref<125x80xi32, #tpu.memory_space<vmem>>)
    %dma_wait3A_39 = arith.constant 1 : i32
    %dma_wait3A_40 = arith.constant 0 : i32
    %dma_wait3A_41 = arith.constant 0 : i32
    %dma_wait3A_42 = tpu.memref_slice %arg3[%dma_wait3A_39, %add3A, %dma_wait3A_40, %dma_wait3A_41] : memref<2x32x125x80xi32, #tpu.memory_space<hbm>> -> memref<1x1x125x80xi32, #tpu.memory_space<hbm>>
    %dma_wait3A_43 = tpu.memref_squeeze %dma_wait3A_42 : memref<1x1x125x80xi32, #tpu.memory_space<hbm>> -> memref<125x80xi32, #tpu.memory_space<hbm>>
    %dma_wait3A_44 = arith.constant 0 : i32
    %dma_wait3A_45 = arith.constant 0 : i32
    %dma_wait3A_46 = tpu.memref_slice %arg3[%dma_wait3A_39, %add3A, %dma_wait3A_44, %dma_wait3A_45] : memref<2x32x125x80xi32, #tpu.memory_space<hbm>> -> memref<1x1x125x80xi32, #tpu.memory_space<hbm>>
    %dma_wait3A_47 = tpu.memref_squeeze %dma_wait3A_46 : memref<1x1x125x80xi32, #tpu.memory_space<hbm>> -> memref<125x80xi32, #tpu.memory_space<hbm>>
    tpu.wait_dma2 semaphore(%arg15 : memref<!tpu.dma_semaphore, #tpu.memory_space<semaphore_mem>>) src(%dma_wait3A_47 : memref<125x80xi32, #tpu.memory_space<hbm>>) dst(%arg7 : memref<125x80xi32, #tpu.memory_space<vmem>>)
    %barrier3A = arith.constant 0 : index
    tpu.barrier barrier_id(%barrier3A)
    %dma_start3A_48 = arith.constant 0 : i32
    %dma_start3A_49 = arith.constant 0 : i32
    %dma_start3A_50 = tpu.memref_slice %arg6[%dma_start3A_48, %dma_start3A_49] : memref<125x80xi32, #tpu.memory_space<vmem>> -> memref<1x80xi32, #tpu.memory_space<vmem>>
    %dma_start3A_51 = tpu.memref_squeeze %dma_start3A_50 : memref<1x80xi32, #tpu.memory_space<vmem>> -> memref<80xi32, #tpu.memory_space<vmem>>
    %dma_start3A_52 = arith.constant 0 : i32
    %dma_start3A_53 = arith.constant 0 : i32
    %dma_start3A_54 = tpu.memref_slice %arg2[%dma_start3A_52, %dma_start3A_53] : memref<10000x32xbf16, #tpu.memory_space<hbm>> -> memref<10000x32xbf16, #tpu.memory_space<hbm>>
    tpu.enqueue_indirect_dma source(%dma_start3A_54 : memref<10000x32xbf16, #tpu.memory_space<hbm>>) target(%arg8 : memref<80x32xbf16, #tpu.memory_space<vmem>>) offsets(%dma_start3A_51 : memref<80xi32, #tpu.memory_space<vmem>>) semaphore(%arg14 : memref<!tpu.dma_semaphore, #tpu.memory_space<semaphore_mem>>)
    %dma_start3A_55 = arith.constant 1 : i32
    %dma_start3A_56 = arith.constant 0 : i32
    %dma_start3A_57 = tpu.memref_slice %arg6[%dma_start3A_55, %dma_start3A_56] : memref<125x80xi32, #tpu.memory_space<vmem>> -> memref<1x80xi32, #tpu.memory_space<vmem>>
    %dma_start3A_58 = tpu.memref_squeeze %dma_start3A_57 : memref<1x80xi32, #tpu.memory_space<vmem>> -> memref<80xi32, #tpu.memory_space<vmem>>
    %dma_start3A_59 = arith.constant 0 : i32
    %dma_start3A_60 = arith.constant 0 : i32
    %dma_start3A_61 = tpu.memref_slice %arg2[%dma_start3A_59, %dma_start3A_60] : memref<10000x32xbf16, #tpu.memory_space<hbm>> -> memref<10000x32xbf16, #tpu.memory_space<hbm>>
    tpu.enqueue_indirect_dma source(%dma_start3A_61 : memref<10000x32xbf16, #tpu.memory_space<hbm>>) target(%arg9 : memref<80x32xbf16, #tpu.memory_space<vmem>>) offsets(%dma_start3A_58 : memref<80xi32, #tpu.memory_space<vmem>>) semaphore(%arg15 : memref<!tpu.dma_semaphore, #tpu.memory_space<semaphore_mem>>)
    %dma_start3A_62 = arith.constant 2 : i32
    %dma_start3A_63 = arith.constant 0 : i32
    %dma_start3A_64 = tpu.memref_slice %arg6[%dma_start3A_62, %dma_start3A_63] : memref<125x80xi32, #tpu.memory_space<vmem>> -> memref<1x80xi32, #tpu.memory_space<vmem>>
    %dma_start3A_65 = tpu.memref_squeeze %dma_start3A_64 : memref<1x80xi32, #tpu.memory_space<vmem>> -> memref<80xi32, #tpu.memory_space<vmem>>
    %dma_start3A_66 = arith.constant 0 : i32
    %dma_start3A_67 = arith.constant 0 : i32
    %dma_start3A_68 = tpu.memref_slice %arg2[%dma_start3A_66, %dma_start3A_67] : memref<10000x32xbf16, #tpu.memory_space<hbm>> -> memref<10000x32xbf16, #tpu.memory_space<hbm>>
    tpu.enqueue_indirect_dma source(%dma_start3A_68 : memref<10000x32xbf16, #tpu.memory_space<hbm>>) target(%arg10 : memref<80x32xbf16, #tpu.memory_space<vmem>>) offsets(%dma_start3A_65 : memref<80xi32, #tpu.memory_space<vmem>>) semaphore(%arg16 : memref<!tpu.dma_semaphore, #tpu.memory_space<semaphore_mem>>)
    %dma_wait3A_69 = arith.constant 0 : i32
    %dma_wait3A_70 = arith.constant 0 : i32
    %dma_wait3A_71 = tpu.memref_slice %arg6[%dma_wait3A_69, %dma_wait3A_70] : memref<125x80xi32, #tpu.memory_space<vmem>> -> memref<1x80xi32, #tpu.memory_space<vmem>>
    %dma_wait3A_72 = tpu.memref_squeeze %dma_wait3A_71 : memref<1x80xi32, #tpu.memory_space<vmem>> -> memref<80xi32, #tpu.memory_space<vmem>>
    %dma_wait3A_73 = arith.constant 0 : i32
    %dma_wait3A_74 = arith.constant 0 : i32
    %dma_wait3A_75 = tpu.memref_slice %arg2[%dma_wait3A_73, %dma_wait3A_74] : memref<10000x32xbf16, #tpu.memory_space<hbm>> -> memref<10000x32xbf16, #tpu.memory_space<hbm>>
    tpu.wait_indirect_dma semaphore(%arg14 : memref<!tpu.dma_semaphore, #tpu.memory_space<semaphore_mem>>) src(%dma_wait3A_75 : memref<10000x32xbf16, #tpu.memory_space<hbm>>) dst(%arg8 : memref<80x32xbf16, #tpu.memory_space<vmem>>)
    %dma_start3A_76 = arith.constant 0 : i32
    %dma_start3A_77 = arith.constant 0 : i32
    %dma_start3A_78 = tpu.memref_slice %arg7[%dma_start3A_76, %dma_start3A_77] : memref<125x80xi32, #tpu.memory_space<vmem>> -> memref<1x80xi32, #tpu.memory_space<vmem>>
    %dma_start3A_79 = tpu.memref_squeeze %dma_start3A_78 : memref<1x80xi32, #tpu.memory_space<vmem>> -> memref<80xi32, #tpu.memory_space<vmem>>
    %dma_start3A_80 = arith.constant 0 : i32
    %dma_start3A_81 = arith.constant 0 : i32
    %dma_start3A_82 = tpu.memref_slice %arg13[%dma_start3A_80, %dma_start3A_81] : memref<10000x32xbf16, #tpu.memory_space<vmem_shared>> -> memref<10000x32xbf16, #tpu.memory_space<vmem_shared>>
    tpu.enqueue_indirect_dma source(%arg8 : memref<80x32xbf16, #tpu.memory_space<vmem>>) target(%dma_start3A_82 : memref<10000x32xbf16, #tpu.memory_space<vmem_shared>>) offsets(%dma_start3A_79 : memref<80xi32, #tpu.memory_space<vmem>>) semaphore(%arg18 : memref<!tpu.dma_semaphore, #tpu.memory_space<semaphore_mem>>) {add = true}
    %dma_start3A_83 = arith.constant 3 : i32
    %dma_start3A_84 = arith.constant 0 : i32
    %dma_start3A_85 = tpu.memref_slice %arg6[%dma_start3A_83, %dma_start3A_84] : memref<125x80xi32, #tpu.memory_space<vmem>> -> memref<1x80xi32, #tpu.memory_space<vmem>>
    %dma_start3A_86 = tpu.memref_squeeze %dma_start3A_85 : memref<1x80xi32, #tpu.memory_space<vmem>> -> memref<80xi32, #tpu.memory_space<vmem>>
    %dma_start3A_87 = arith.constant 0 : i32
    %dma_start3A_88 = arith.constant 0 : i32
    %dma_start3A_89 = tpu.memref_slice %arg2[%dma_start3A_87, %dma_start3A_88] : memref<10000x32xbf16, #tpu.memory_space<hbm>> -> memref<10000x32xbf16, #tpu.memory_space<hbm>>
    tpu.enqueue_indirect_dma source(%dma_start3A_89 : memref<10000x32xbf16, #tpu.memory_space<hbm>>) target(%arg11 : memref<80x32xbf16, #tpu.memory_space<vmem>>) offsets(%dma_start3A_86 : memref<80xi32, #tpu.memory_space<vmem>>) semaphore(%arg17 : memref<!tpu.dma_semaphore, #tpu.memory_space<semaphore_mem>>)
    %scan3A_90 = arith.constant 0 : i32
    %scan3A_91 = arith.constant 0 : i32
    %scan3A_92 = arith.constant 30 : i32
    %scan3A_93 = arith.addi %scan3A_91, %scan3A_92 : i32
    %scan3A_94 = arith.constant 1 : i32
    scf.for %scan3A_207 = %scan3A_91 to %scan3A_93 step %scan3A_94  : i32 {
      %mul3A_208 = arith.constant 4 : i32
      %mul3A_209 = arith.muli %mul3A_208, %scan3A_207 : i32
      %add3A_210 = arith.constant 1 : i32
      %add3A_211 = arith.addi %add3A_210, %mul3A_209 : i32
      %add3A_212 = arith.constant 0 : i32
      %add3A_213 = arith.addi %add3A_211, %add3A_212 : i32
      %dma_wait3A_214 = arith.constant 0 : i32
      %dma_wait3A_215 = tpu.memref_slice %arg6[%add3A_213, %dma_wait3A_214] : memref<125x80xi32, #tpu.memory_space<vmem>> -> memref<1x80xi32, #tpu.memory_space<vmem>>
      %dma_wait3A_216 = tpu.memref_squeeze %dma_wait3A_215 : memref<1x80xi32, #tpu.memory_space<vmem>> -> memref<80xi32, #tpu.memory_space<vmem>>
      %dma_wait3A_217 = arith.constant 0 : i32
      %dma_wait3A_218 = arith.constant 0 : i32
      %dma_wait3A_219 = tpu.memref_slice %arg2[%dma_wait3A_217, %dma_wait3A_218] : memref<10000x32xbf16, #tpu.memory_space<hbm>> -> memref<10000x32xbf16, #tpu.memory_space<hbm>>
      tpu.wait_indirect_dma semaphore(%arg15 : memref<!tpu.dma_semaphore, #tpu.memory_space<semaphore_mem>>) src(%dma_wait3A_219 : memref<10000x32xbf16, #tpu.memory_space<hbm>>) dst(%arg9 : memref<80x32xbf16, #tpu.memory_space<vmem>>)
      %dma_start3A_220 = arith.constant 0 : i32
      %dma_start3A_221 = tpu.memref_slice %arg7[%add3A_213, %dma_start3A_220] : memref<125x80xi32, #tpu.memory_space<vmem>> -> memref<1x80xi32, #tpu.memory_space<vmem>>
      %dma_start3A_222 = tpu.memref_squeeze %dma_start3A_221 : memref<1x80xi32, #tpu.memory_space<vmem>> -> memref<80xi32, #tpu.memory_space<vmem>>
      %dma_start3A_223 = arith.constant 0 : i32
      %dma_start3A_224 = arith.constant 0 : i32
      %dma_start3A_225 = tpu.memref_slice %arg13[%dma_start3A_223, %dma_start3A_224] : memref<10000x32xbf16, #tpu.memory_space<vmem_shared>> -> memref<10000x32xbf16, #tpu.memory_space<vmem_shared>>
      tpu.enqueue_indirect_dma source(%arg9 : memref<80x32xbf16, #tpu.memory_space<vmem>>) target(%dma_start3A_225 : memref<10000x32xbf16, #tpu.memory_space<vmem_shared>>) offsets(%dma_start3A_222 : memref<80xi32, #tpu.memory_space<vmem>>) semaphore(%arg19 : memref<!tpu.dma_semaphore, #tpu.memory_space<semaphore_mem>>) {add = true}
      %sub3A = arith.constant 1 : i32
      %sub3A_226 = arith.subi %add3A_213, %sub3A : i32
      %dma_wait3A_227 = arith.constant 0 : i32
      %dma_wait3A_228 = tpu.memref_slice %arg7[%sub3A_226, %dma_wait3A_227] : memref<125x80xi32, #tpu.memory_space<vmem>> -> memref<1x80xi32, #tpu.memory_space<vmem>>
      %dma_wait3A_229 = tpu.memref_squeeze %dma_wait3A_228 : memref<1x80xi32, #tpu.memory_space<vmem>> -> memref<80xi32, #tpu.memory_space<vmem>>
      %dma_wait3A_230 = arith.constant 0 : i32
      %dma_wait3A_231 = arith.constant 0 : i32
      %dma_wait3A_232 = tpu.memref_slice %arg13[%dma_wait3A_230, %dma_wait3A_231] : memref<10000x32xbf16, #tpu.memory_space<vmem_shared>> -> memref<10000x32xbf16, #tpu.memory_space<vmem_shared>>
      tpu.wait_indirect_dma semaphore(%arg18 : memref<!tpu.dma_semaphore, #tpu.memory_space<semaphore_mem>>) src(%arg8 : memref<80x32xbf16, #tpu.memory_space<vmem>>) dst(%dma_wait3A_232 : memref<10000x32xbf16, #tpu.memory_space<vmem_shared>>)
      %add3A_233 = arith.constant 3 : i32
      %add3A_234 = arith.addi %add3A_213, %add3A_233 : i32
      %dma_start3A_235 = arith.constant 0 : i32
      %dma_start3A_236 = tpu.memref_slice %arg6[%add3A_234, %dma_start3A_235] : memref<125x80xi32, #tpu.memory_space<vmem>> -> memref<1x80xi32, #tpu.memory_space<vmem>>
      %dma_start3A_237 = tpu.memref_squeeze %dma_start3A_236 : memref<1x80xi32, #tpu.memory_space<vmem>> -> memref<80xi32, #tpu.memory_space<vmem>>
      %dma_start3A_238 = arith.constant 0 : i32
      %dma_start3A_239 = arith.constant 0 : i32
      %dma_start3A_240 = tpu.memref_slice %arg2[%dma_start3A_238, %dma_start3A_239] : memref<10000x32xbf16, #tpu.memory_space<hbm>> -> memref<10000x32xbf16, #tpu.memory_space<hbm>>
      tpu.enqueue_indirect_dma source(%dma_start3A_240 : memref<10000x32xbf16, #tpu.memory_space<hbm>>) target(%arg8 : memref<80x32xbf16, #tpu.memory_space<vmem>>) offsets(%dma_start3A_237 : memref<80xi32, #tpu.memory_space<vmem>>) semaphore(%arg14 : memref<!tpu.dma_semaphore, #tpu.memory_space<semaphore_mem>>)
      %add3A_241 = arith.constant 1 : i32
      %add3A_242 = arith.addi %add3A_211, %add3A_241 : i32
      %dma_wait3A_243 = arith.constant 0 : i32
      %dma_wait3A_244 = tpu.memref_slice %arg6[%add3A_242, %dma_wait3A_243] : memref<125x80xi32, #tpu.memory_space<vmem>> -> memref<1x80xi32, #tpu.memory_space<vmem>>
      %dma_wait3A_245 = tpu.memref_squeeze %dma_wait3A_244 : memref<1x80xi32, #tpu.memory_space<vmem>> -> memref<80xi32, #tpu.memory_space<vmem>>
      %dma_wait3A_246 = arith.constant 0 : i32
      %dma_wait3A_247 = arith.constant 0 : i32
      %dma_wait3A_248 = tpu.memref_slice %arg2[%dma_wait3A_246, %dma_wait3A_247] : memref<10000x32xbf16, #tpu.memory_space<hbm>> -> memref<10000x32xbf16, #tpu.memory_space<hbm>>
      tpu.wait_indirect_dma semaphore(%arg16 : memref<!tpu.dma_semaphore, #tpu.memory_space<semaphore_mem>>) src(%dma_wait3A_248 : memref<10000x32xbf16, #tpu.memory_space<hbm>>) dst(%arg10 : memref<80x32xbf16, #tpu.memory_space<vmem>>)
      %dma_start3A_249 = arith.constant 0 : i32
      %dma_start3A_250 = tpu.memref_slice %arg7[%add3A_242, %dma_start3A_249] : memref<125x80xi32, #tpu.memory_space<vmem>> -> memref<1x80xi32, #tpu.memory_space<vmem>>
      %dma_start3A_251 = tpu.memref_squeeze %dma_start3A_250 : memref<1x80xi32, #tpu.memory_space<vmem>> -> memref<80xi32, #tpu.memory_space<vmem>>
      %dma_start3A_252 = arith.constant 0 : i32
      %dma_start3A_253 = arith.constant 0 : i32
      %dma_start3A_254 = tpu.memref_slice %arg13[%dma_start3A_252, %dma_start3A_253] : memref<10000x32xbf16, #tpu.memory_space<vmem_shared>> -> memref<10000x32xbf16, #tpu.memory_space<vmem_shared>>
      tpu.enqueue_indirect_dma source(%arg10 : memref<80x32xbf16, #tpu.memory_space<vmem>>) target(%dma_start3A_254 : memref<10000x32xbf16, #tpu.memory_space<vmem_shared>>) offsets(%dma_start3A_251 : memref<80xi32, #tpu.memory_space<vmem>>) semaphore(%arg20 : memref<!tpu.dma_semaphore, #tpu.memory_space<semaphore_mem>>) {add = true}
      %sub3A_255 = arith.constant 1 : i32
      %sub3A_256 = arith.subi %add3A_242, %sub3A_255 : i32
      %dma_wait3A_257 = arith.constant 0 : i32
      %dma_wait3A_258 = tpu.memref_slice %arg7[%sub3A_256, %dma_wait3A_257] : memref<125x80xi32, #tpu.memory_space<vmem>> -> memref<1x80xi32, #tpu.memory_space<vmem>>
      %dma_wait3A_259 = tpu.memref_squeeze %dma_wait3A_258 : memref<1x80xi32, #tpu.memory_space<vmem>> -> memref<80xi32, #tpu.memory_space<vmem>>
      %dma_wait3A_260 = arith.constant 0 : i32
      %dma_wait3A_261 = arith.constant 0 : i32
      %dma_wait3A_262 = tpu.memref_slice %arg13[%dma_wait3A_260, %dma_wait3A_261] : memref<10000x32xbf16, #tpu.memory_space<vmem_shared>> -> memref<10000x32xbf16, #tpu.memory_space<vmem_shared>>
      tpu.wait_indirect_dma semaphore(%arg19 : memref<!tpu.dma_semaphore, #tpu.memory_space<semaphore_mem>>) src(%arg9 : memref<80x32xbf16, #tpu.memory_space<vmem>>) dst(%dma_wait3A_262 : memref<10000x32xbf16, #tpu.memory_space<vmem_shared>>)
      %add3A_263 = arith.constant 3 : i32
      %add3A_264 = arith.addi %add3A_242, %add3A_263 : i32
      %dma_start3A_265 = arith.constant 0 : i32
      %dma_start3A_266 = tpu.memref_slice %arg6[%add3A_264, %dma_start3A_265] : memref<125x80xi32, #tpu.memory_space<vmem>> -> memref<1x80xi32, #tpu.memory_space<vmem>>
      %dma_start3A_267 = tpu.memref_squeeze %dma_start3A_266 : memref<1x80xi32, #tpu.memory_space<vmem>> -> memref<80xi32, #tpu.memory_space<vmem>>
      %dma_start3A_268 = arith.constant 0 : i32
      %dma_start3A_269 = arith.constant 0 : i32
      %dma_start3A_270 = tpu.memref_slice %arg2[%dma_start3A_268, %dma_start3A_269] : memref<10000x32xbf16, #tpu.memory_space<hbm>> -> memref<10000x32xbf16, #tpu.memory_space<hbm>>
      tpu.enqueue_indirect_dma source(%dma_start3A_270 : memref<10000x32xbf16, #tpu.memory_space<hbm>>) target(%arg9 : memref<80x32xbf16, #tpu.memory_space<vmem>>) offsets(%dma_start3A_267 : memref<80xi32, #tpu.memory_space<vmem>>) semaphore(%arg15 : memref<!tpu.dma_semaphore, #tpu.memory_space<semaphore_mem>>)
      %add3A_271 = arith.constant 2 : i32
      %add3A_272 = arith.addi %add3A_211, %add3A_271 : i32
      %dma_wait3A_273 = arith.constant 0 : i32
      %dma_wait3A_274 = tpu.memref_slice %arg6[%add3A_272, %dma_wait3A_273] : memref<125x80xi32, #tpu.memory_space<vmem>> -> memref<1x80xi32, #tpu.memory_space<vmem>>
      %dma_wait3A_275 = tpu.memref_squeeze %dma_wait3A_274 : memref<1x80xi32, #tpu.memory_space<vmem>> -> memref<80xi32, #tpu.memory_space<vmem>>
      %dma_wait3A_276 = arith.constant 0 : i32
      %dma_wait3A_277 = arith.constant 0 : i32
      %dma_wait3A_278 = tpu.memref_slice %arg2[%dma_wait3A_276, %dma_wait3A_277] : memref<10000x32xbf16, #tpu.memory_space<hbm>> -> memref<10000x32xbf16, #tpu.memory_space<hbm>>
      tpu.wait_indirect_dma semaphore(%arg17 : memref<!tpu.dma_semaphore, #tpu.memory_space<semaphore_mem>>) src(%dma_wait3A_278 : memref<10000x32xbf16, #tpu.memory_space<hbm>>) dst(%arg11 : memref<80x32xbf16, #tpu.memory_space<vmem>>)
      %dma_start3A_279 = arith.constant 0 : i32
      %dma_start3A_280 = tpu.memref_slice %arg7[%add3A_272, %dma_start3A_279] : memref<125x80xi32, #tpu.memory_space<vmem>> -> memref<1x80xi32, #tpu.memory_space<vmem>>
      %dma_start3A_281 = tpu.memref_squeeze %dma_start3A_280 : memref<1x80xi32, #tpu.memory_space<vmem>> -> memref<80xi32, #tpu.memory_space<vmem>>
      %dma_start3A_282 = arith.constant 0 : i32
      %dma_start3A_283 = arith.constant 0 : i32
      %dma_start3A_284 = tpu.memref_slice %arg13[%dma_start3A_282, %dma_start3A_283] : memref<10000x32xbf16, #tpu.memory_space<vmem_shared>> -> memref<10000x32xbf16, #tpu.memory_space<vmem_shared>>
      tpu.enqueue_indirect_dma source(%arg11 : memref<80x32xbf16, #tpu.memory_space<vmem>>) target(%dma_start3A_284 : memref<10000x32xbf16, #tpu.memory_space<vmem_shared>>) offsets(%dma_start3A_281 : memref<80xi32, #tpu.memory_space<vmem>>) semaphore(%arg21 : memref<!tpu.dma_semaphore, #tpu.memory_space<semaphore_mem>>) {add = true}
      %sub3A_285 = arith.constant 1 : i32
      %sub3A_286 = arith.subi %add3A_272, %sub3A_285 : i32
      %dma_wait3A_287 = arith.constant 0 : i32
      %dma_wait3A_288 = tpu.memref_slice %arg7[%sub3A_286, %dma_wait3A_287] : memref<125x80xi32, #tpu.memory_space<vmem>> -> memref<1x80xi32, #tpu.memory_space<vmem>>
      %dma_wait3A_289 = tpu.memref_squeeze %dma_wait3A_288 : memref<1x80xi32, #tpu.memory_space<vmem>> -> memref<80xi32, #tpu.memory_space<vmem>>
      %dma_wait3A_290 = arith.constant 0 : i32
      %dma_wait3A_291 = arith.constant 0 : i32
      %dma_wait3A_292 = tpu.memref_slice %arg13[%dma_wait3A_290, %dma_wait3A_291] : memref<10000x32xbf16, #tpu.memory_space<vmem_shared>> -> memref<10000x32xbf16, #tpu.memory_space<vmem_shared>>
      tpu.wait_indirect_dma semaphore(%arg20 : memref<!tpu.dma_semaphore, #tpu.memory_space<semaphore_mem>>) src(%arg10 : memref<80x32xbf16, #tpu.memory_space<vmem>>) dst(%dma_wait3A_292 : memref<10000x32xbf16, #tpu.memory_space<vmem_shared>>)
      %add3A_293 = arith.constant 3 : i32
      %add3A_294 = arith.addi %add3A_272, %add3A_293 : i32
      %dma_start3A_295 = arith.constant 0 : i32
      %dma_start3A_296 = tpu.memref_slice %arg6[%add3A_294, %dma_start3A_295] : memref<125x80xi32, #tpu.memory_space<vmem>> -> memref<1x80xi32, #tpu.memory_space<vmem>>
      %dma_start3A_297 = tpu.memref_squeeze %dma_start3A_296 : memref<1x80xi32, #tpu.memory_space<vmem>> -> memref<80xi32, #tpu.memory_space<vmem>>
      %dma_start3A_298 = arith.constant 0 : i32
      %dma_start3A_299 = arith.constant 0 : i32
      %dma_start3A_300 = tpu.memref_slice %arg2[%dma_start3A_298, %dma_start3A_299] : memref<10000x32xbf16, #tpu.memory_space<hbm>> -> memref<10000x32xbf16, #tpu.memory_space<hbm>>
      tpu.enqueue_indirect_dma source(%dma_start3A_300 : memref<10000x32xbf16, #tpu.memory_space<hbm>>) target(%arg10 : memref<80x32xbf16, #tpu.memory_space<vmem>>) offsets(%dma_start3A_297 : memref<80xi32, #tpu.memory_space<vmem>>) semaphore(%arg16 : memref<!tpu.dma_semaphore, #tpu.memory_space<semaphore_mem>>)
      %add3A_301 = arith.constant 3 : i32
      %add3A_302 = arith.addi %add3A_211, %add3A_301 : i32
      %dma_wait3A_303 = arith.constant 0 : i32
      %dma_wait3A_304 = tpu.memref_slice %arg6[%add3A_302, %dma_wait3A_303] : memref<125x80xi32, #tpu.memory_space<vmem>> -> memref<1x80xi32, #tpu.memory_space<vmem>>
      %dma_wait3A_305 = tpu.memref_squeeze %dma_wait3A_304 : memref<1x80xi32, #tpu.memory_space<vmem>> -> memref<80xi32, #tpu.memory_space<vmem>>
      %dma_wait3A_306 = arith.constant 0 : i32
      %dma_wait3A_307 = arith.constant 0 : i32
      %dma_wait3A_308 = tpu.memref_slice %arg2[%dma_wait3A_306, %dma_wait3A_307] : memref<10000x32xbf16, #tpu.memory_space<hbm>> -> memref<10000x32xbf16, #tpu.memory_space<hbm>>
      tpu.wait_indirect_dma semaphore(%arg14 : memref<!tpu.dma_semaphore, #tpu.memory_space<semaphore_mem>>) src(%dma_wait3A_308 : memref<10000x32xbf16, #tpu.memory_space<hbm>>) dst(%arg8 : memref<80x32xbf16, #tpu.memory_space<vmem>>)
      %dma_start3A_309 = arith.constant 0 : i32
      %dma_start3A_310 = tpu.memref_slice %arg7[%add3A_302, %dma_start3A_309] : memref<125x80xi32, #tpu.memory_space<vmem>> -> memref<1x80xi32, #tpu.memory_space<vmem>>
      %dma_start3A_311 = tpu.memref_squeeze %dma_start3A_310 : memref<1x80xi32, #tpu.memory_space<vmem>> -> memref<80xi32, #tpu.memory_space<vmem>>
      %dma_start3A_312 = arith.constant 0 : i32
      %dma_start3A_313 = arith.constant 0 : i32
      %dma_start3A_314 = tpu.memref_slice %arg13[%dma_start3A_312, %dma_start3A_313] : memref<10000x32xbf16, #tpu.memory_space<vmem_shared>> -> memref<10000x32xbf16, #tpu.memory_space<vmem_shared>>
      tpu.enqueue_indirect_dma source(%arg8 : memref<80x32xbf16, #tpu.memory_space<vmem>>) target(%dma_start3A_314 : memref<10000x32xbf16, #tpu.memory_space<vmem_shared>>) offsets(%dma_start3A_311 : memref<80xi32, #tpu.memory_space<vmem>>) semaphore(%arg18 : memref<!tpu.dma_semaphore, #tpu.memory_space<semaphore_mem>>) {add = true}
      %sub3A_315 = arith.constant 1 : i32
      %sub3A_316 = arith.subi %add3A_302, %sub3A_315 : i32
      %dma_wait3A_317 = arith.constant 0 : i32
      %dma_wait3A_318 = tpu.memref_slice %arg7[%sub3A_316, %dma_wait3A_317] : memref<125x80xi32, #tpu.memory_space<vmem>> -> memref<1x80xi32, #tpu.memory_space<vmem>>
      %dma_wait3A_319 = tpu.memref_squeeze %dma_wait3A_318 : memref<1x80xi32, #tpu.memory_space<vmem>> -> memref<80xi32, #tpu.memory_space<vmem>>
      %dma_wait3A_320 = arith.constant 0 : i32
      %dma_wait3A_321 = arith.constant 0 : i32
      %dma_wait3A_322 = tpu.memref_slice %arg13[%dma_wait3A_320, %dma_wait3A_321] : memref<10000x32xbf16, #tpu.memory_space<vmem_shared>> -> memref<10000x32xbf16, #tpu.memory_space<vmem_shared>>
      tpu.wait_indirect_dma semaphore(%arg21 : memref<!tpu.dma_semaphore, #tpu.memory_space<semaphore_mem>>) src(%arg11 : memref<80x32xbf16, #tpu.memory_space<vmem>>) dst(%dma_wait3A_322 : memref<10000x32xbf16, #tpu.memory_space<vmem_shared>>)
      %add3A_323 = arith.constant 3 : i32
      %add3A_324 = arith.addi %add3A_302, %add3A_323 : i32
      %dma_start3A_325 = arith.constant 0 : i32
      %dma_start3A_326 = tpu.memref_slice %arg6[%add3A_324, %dma_start3A_325] : memref<125x80xi32, #tpu.memory_space<vmem>> -> memref<1x80xi32, #tpu.memory_space<vmem>>
      %dma_start3A_327 = tpu.memref_squeeze %dma_start3A_326 : memref<1x80xi32, #tpu.memory_space<vmem>> -> memref<80xi32, #tpu.memory_space<vmem>>
      %dma_start3A_328 = arith.constant 0 : i32
      %dma_start3A_329 = arith.constant 0 : i32
      %dma_start3A_330 = tpu.memref_slice %arg2[%dma_start3A_328, %dma_start3A_329] : memref<10000x32xbf16, #tpu.memory_space<hbm>> -> memref<10000x32xbf16, #tpu.memory_space<hbm>>
      tpu.enqueue_indirect_dma source(%dma_start3A_330 : memref<10000x32xbf16, #tpu.memory_space<hbm>>) target(%arg11 : memref<80x32xbf16, #tpu.memory_space<vmem>>) offsets(%dma_start3A_327 : memref<80xi32, #tpu.memory_space<vmem>>) semaphore(%arg17 : memref<!tpu.dma_semaphore, #tpu.memory_space<semaphore_mem>>)
    }
    %scan3A_95 = arith.constant 30 : i32
    %dma_wait3A_96 = arith.constant 121 : i32
    %dma_wait3A_97 = arith.constant 0 : i32
    %dma_wait3A_98 = tpu.memref_slice %arg6[%dma_wait3A_96, %dma_wait3A_97] : memref<125x80xi32, #tpu.memory_space<vmem>> -> memref<1x80xi32, #tpu.memory_space<vmem>>
    %dma_wait3A_99 = tpu.memref_squeeze %dma_wait3A_98 : memref<1x80xi32, #tpu.memory_space<vmem>> -> memref<80xi32, #tpu.memory_space<vmem>>
    %dma_wait3A_100 = arith.constant 0 : i32
    %dma_wait3A_101 = arith.constant 0 : i32
    %dma_wait3A_102 = tpu.memref_slice %arg2[%dma_wait3A_100, %dma_wait3A_101] : memref<10000x32xbf16, #tpu.memory_space<hbm>> -> memref<10000x32xbf16, #tpu.memory_space<hbm>>
    tpu.wait_indirect_dma semaphore(%arg15 : memref<!tpu.dma_semaphore, #tpu.memory_space<semaphore_mem>>) src(%dma_wait3A_102 : memref<10000x32xbf16, #tpu.memory_space<hbm>>) dst(%arg9 : memref<80x32xbf16, #tpu.memory_space<vmem>>)
    %dma_start3A_103 = arith.constant 121 : i32
    %dma_start3A_104 = arith.constant 0 : i32
    %dma_start3A_105 = tpu.memref_slice %arg7[%dma_start3A_103, %dma_start3A_104] : memref<125x80xi32, #tpu.memory_space<vmem>> -> memref<1x80xi32, #tpu.memory_space<vmem>>
    %dma_start3A_106 = tpu.memref_squeeze %dma_start3A_105 : memref<1x80xi32, #tpu.memory_space<vmem>> -> memref<80xi32, #tpu.memory_space<vmem>>
    %dma_start3A_107 = arith.constant 0 : i32
    %dma_start3A_108 = arith.constant 0 : i32
    %dma_start3A_109 = tpu.memref_slice %arg13[%dma_start3A_107, %dma_start3A_108] : memref<10000x32xbf16, #tpu.memory_space<vmem_shared>> -> memref<10000x32xbf16, #tpu.memory_space<vmem_shared>>
    tpu.enqueue_indirect_dma source(%arg9 : memref<80x32xbf16, #tpu.memory_space<vmem>>) target(%dma_start3A_109 : memref<10000x32xbf16, #tpu.memory_space<vmem_shared>>) offsets(%dma_start3A_106 : memref<80xi32, #tpu.memory_space<vmem>>) semaphore(%arg19 : memref<!tpu.dma_semaphore, #tpu.memory_space<semaphore_mem>>) {add = true}
    %dma_wait3A_110 = arith.constant 120 : i32
    %dma_wait3A_111 = arith.constant 0 : i32
    %dma_wait3A_112 = tpu.memref_slice %arg7[%dma_wait3A_110, %dma_wait3A_111] : memref<125x80xi32, #tpu.memory_space<vmem>> -> memref<1x80xi32, #tpu.memory_space<vmem>>
    %dma_wait3A_113 = tpu.memref_squeeze %dma_wait3A_112 : memref<1x80xi32, #tpu.memory_space<vmem>> -> memref<80xi32, #tpu.memory_space<vmem>>
    %dma_wait3A_114 = arith.constant 0 : i32
    %dma_wait3A_115 = arith.constant 0 : i32
    %dma_wait3A_116 = tpu.memref_slice %arg13[%dma_wait3A_114, %dma_wait3A_115] : memref<10000x32xbf16, #tpu.memory_space<vmem_shared>> -> memref<10000x32xbf16, #tpu.memory_space<vmem_shared>>
    tpu.wait_indirect_dma semaphore(%arg18 : memref<!tpu.dma_semaphore, #tpu.memory_space<semaphore_mem>>) src(%arg8 : memref<80x32xbf16, #tpu.memory_space<vmem>>) dst(%dma_wait3A_116 : memref<10000x32xbf16, #tpu.memory_space<vmem_shared>>)
    %dma_start3A_117 = arith.constant 124 : i32
    %dma_start3A_118 = arith.constant 0 : i32
    %dma_start3A_119 = tpu.memref_slice %arg6[%dma_start3A_117, %dma_start3A_118] : memref<125x80xi32, #tpu.memory_space<vmem>> -> memref<1x80xi32, #tpu.memory_space<vmem>>
    %dma_start3A_120 = tpu.memref_squeeze %dma_start3A_119 : memref<1x80xi32, #tpu.memory_space<vmem>> -> memref<80xi32, #tpu.memory_space<vmem>>
    %dma_start3A_121 = arith.constant 0 : i32
    %dma_start3A_122 = arith.constant 0 : i32
    %dma_start3A_123 = tpu.memref_slice %arg2[%dma_start3A_121, %dma_start3A_122] : memref<10000x32xbf16, #tpu.memory_space<hbm>> -> memref<10000x32xbf16, #tpu.memory_space<hbm>>
    tpu.enqueue_indirect_dma source(%dma_start3A_123 : memref<10000x32xbf16, #tpu.memory_space<hbm>>) target(%arg8 : memref<80x32xbf16, #tpu.memory_space<vmem>>) offsets(%dma_start3A_120 : memref<80xi32, #tpu.memory_space<vmem>>) semaphore(%arg14 : memref<!tpu.dma_semaphore, #tpu.memory_space<semaphore_mem>>)
    %dma_wait3A_124 = arith.constant 122 : i32
    %dma_wait3A_125 = arith.constant 0 : i32
    %dma_wait3A_126 = tpu.memref_slice %arg6[%dma_wait3A_124, %dma_wait3A_125] : memref<125x80xi32, #tpu.memory_space<vmem>> -> memref<1x80xi32, #tpu.memory_space<vmem>>
    %dma_wait3A_127 = tpu.memref_squeeze %dma_wait3A_126 : memref<1x80xi32, #tpu.memory_space<vmem>> -> memref<80xi32, #tpu.memory_space<vmem>>
    %dma_wait3A_128 = arith.constant 0 : i32
    %dma_wait3A_129 = arith.constant 0 : i32
    %dma_wait3A_130 = tpu.memref_slice %arg2[%dma_wait3A_128, %dma_wait3A_129] : memref<10000x32xbf16, #tpu.memory_space<hbm>> -> memref<10000x32xbf16, #tpu.memory_space<hbm>>
    tpu.wait_indirect_dma semaphore(%arg16 : memref<!tpu.dma_semaphore, #tpu.memory_space<semaphore_mem>>) src(%dma_wait3A_130 : memref<10000x32xbf16, #tpu.memory_space<hbm>>) dst(%arg10 : memref<80x32xbf16, #tpu.memory_space<vmem>>)
    %dma_start3A_131 = arith.constant 122 : i32
    %dma_start3A_132 = arith.constant 0 : i32
    %dma_start3A_133 = tpu.memref_slice %arg7[%dma_start3A_131, %dma_start3A_132] : memref<125x80xi32, #tpu.memory_space<vmem>> -> memref<1x80xi32, #tpu.memory_space<vmem>>
    %dma_start3A_134 = tpu.memref_squeeze %dma_start3A_133 : memref<1x80xi32, #tpu.memory_space<vmem>> -> memref<80xi32, #tpu.memory_space<vmem>>
    %dma_start3A_135 = arith.constant 0 : i32
    %dma_start3A_136 = arith.constant 0 : i32
    %dma_start3A_137 = tpu.memref_slice %arg13[%dma_start3A_135, %dma_start3A_136] : memref<10000x32xbf16, #tpu.memory_space<vmem_shared>> -> memref<10000x32xbf16, #tpu.memory_space<vmem_shared>>
    tpu.enqueue_indirect_dma source(%arg10 : memref<80x32xbf16, #tpu.memory_space<vmem>>) target(%dma_start3A_137 : memref<10000x32xbf16, #tpu.memory_space<vmem_shared>>) offsets(%dma_start3A_134 : memref<80xi32, #tpu.memory_space<vmem>>) semaphore(%arg20 : memref<!tpu.dma_semaphore, #tpu.memory_space<semaphore_mem>>) {add = true}
    %dma_wait3A_138 = arith.constant 123 : i32
    %dma_wait3A_139 = arith.constant 0 : i32
    %dma_wait3A_140 = tpu.memref_slice %arg6[%dma_wait3A_138, %dma_wait3A_139] : memref<125x80xi32, #tpu.memory_space<vmem>> -> memref<1x80xi32, #tpu.memory_space<vmem>>
    %dma_wait3A_141 = tpu.memref_squeeze %dma_wait3A_140 : memref<1x80xi32, #tpu.memory_space<vmem>> -> memref<80xi32, #tpu.memory_space<vmem>>
    %dma_wait3A_142 = arith.constant 0 : i32
    %dma_wait3A_143 = arith.constant 0 : i32
    %dma_wait3A_144 = tpu.memref_slice %arg2[%dma_wait3A_142, %dma_wait3A_143] : memref<10000x32xbf16, #tpu.memory_space<hbm>> -> memref<10000x32xbf16, #tpu.memory_space<hbm>>
    tpu.wait_indirect_dma semaphore(%arg17 : memref<!tpu.dma_semaphore, #tpu.memory_space<semaphore_mem>>) src(%dma_wait3A_144 : memref<10000x32xbf16, #tpu.memory_space<hbm>>) dst(%arg11 : memref<80x32xbf16, #tpu.memory_space<vmem>>)
    %dma_start3A_145 = arith.constant 123 : i32
    %dma_start3A_146 = arith.constant 0 : i32
    %dma_start3A_147 = tpu.memref_slice %arg7[%dma_start3A_145, %dma_start3A_146] : memref<125x80xi32, #tpu.memory_space<vmem>> -> memref<1x80xi32, #tpu.memory_space<vmem>>
    %dma_start3A_148 = tpu.memref_squeeze %dma_start3A_147 : memref<1x80xi32, #tpu.memory_space<vmem>> -> memref<80xi32, #tpu.memory_space<vmem>>
    %dma_start3A_149 = arith.constant 0 : i32
    %dma_start3A_150 = arith.constant 0 : i32
    %dma_start3A_151 = tpu.memref_slice %arg13[%dma_start3A_149, %dma_start3A_150] : memref<10000x32xbf16, #tpu.memory_space<vmem_shared>> -> memref<10000x32xbf16, #tpu.memory_space<vmem_shared>>
    tpu.enqueue_indirect_dma source(%arg11 : memref<80x32xbf16, #tpu.memory_space<vmem>>) target(%dma_start3A_151 : memref<10000x32xbf16, #tpu.memory_space<vmem_shared>>) offsets(%dma_start3A_148 : memref<80xi32, #tpu.memory_space<vmem>>) semaphore(%arg21 : memref<!tpu.dma_semaphore, #tpu.memory_space<semaphore_mem>>) {add = true}
    %dma_wait3A_152 = arith.constant 124 : i32
    %dma_wait3A_153 = arith.constant 0 : i32
    %dma_wait3A_154 = tpu.memref_slice %arg6[%dma_wait3A_152, %dma_wait3A_153] : memref<125x80xi32, #tpu.memory_space<vmem>> -> memref<1x80xi32, #tpu.memory_space<vmem>>
    %dma_wait3A_155 = tpu.memref_squeeze %dma_wait3A_154 : memref<1x80xi32, #tpu.memory_space<vmem>> -> memref<80xi32, #tpu.memory_space<vmem>>
    %dma_wait3A_156 = arith.constant 0 : i32
    %dma_wait3A_157 = arith.constant 0 : i32
    %dma_wait3A_158 = tpu.memref_slice %arg2[%dma_wait3A_156, %dma_wait3A_157] : memref<10000x32xbf16, #tpu.memory_space<hbm>> -> memref<10000x32xbf16, #tpu.memory_space<hbm>>
    tpu.wait_indirect_dma semaphore(%arg14 : memref<!tpu.dma_semaphore, #tpu.memory_space<semaphore_mem>>) src(%dma_wait3A_158 : memref<10000x32xbf16, #tpu.memory_space<hbm>>) dst(%arg8 : memref<80x32xbf16, #tpu.memory_space<vmem>>)
    %dma_start3A_159 = arith.constant 124 : i32
    %dma_start3A_160 = arith.constant 0 : i32
    %dma_start3A_161 = tpu.memref_slice %arg7[%dma_start3A_159, %dma_start3A_160] : memref<125x80xi32, #tpu.memory_space<vmem>> -> memref<1x80xi32, #tpu.memory_space<vmem>>
    %dma_start3A_162 = tpu.memref_squeeze %dma_start3A_161 : memref<1x80xi32, #tpu.memory_space<vmem>> -> memref<80xi32, #tpu.memory_space<vmem>>
    %dma_start3A_163 = arith.constant 0 : i32
    %dma_start3A_164 = arith.constant 0 : i32
    %dma_start3A_165 = tpu.memref_slice %arg13[%dma_start3A_163, %dma_start3A_164] : memref<10000x32xbf16, #tpu.memory_space<vmem_shared>> -> memref<10000x32xbf16, #tpu.memory_space<vmem_shared>>
    tpu.enqueue_indirect_dma source(%arg8 : memref<80x32xbf16, #tpu.memory_space<vmem>>) target(%dma_start3A_165 : memref<10000x32xbf16, #tpu.memory_space<vmem_shared>>) offsets(%dma_start3A_162 : memref<80xi32, #tpu.memory_space<vmem>>) semaphore(%arg18 : memref<!tpu.dma_semaphore, #tpu.memory_space<semaphore_mem>>) {add = true}
    %dma_wait3A_166 = arith.constant 121 : i32
    %dma_wait3A_167 = arith.constant 0 : i32
    %dma_wait3A_168 = tpu.memref_slice %arg7[%dma_wait3A_166, %dma_wait3A_167] : memref<125x80xi32, #tpu.memory_space<vmem>> -> memref<1x80xi32, #tpu.memory_space<vmem>>
    %dma_wait3A_169 = tpu.memref_squeeze %dma_wait3A_168 : memref<1x80xi32, #tpu.memory_space<vmem>> -> memref<80xi32, #tpu.memory_space<vmem>>
    %dma_wait3A_170 = arith.constant 0 : i32
    %dma_wait3A_171 = arith.constant 0 : i32
    %dma_wait3A_172 = tpu.memref_slice %arg13[%dma_wait3A_170, %dma_wait3A_171] : memref<10000x32xbf16, #tpu.memory_space<vmem_shared>> -> memref<10000x32xbf16, #tpu.memory_space<vmem_shared>>
    tpu.wait_indirect_dma semaphore(%arg19 : memref<!tpu.dma_semaphore, #tpu.memory_space<semaphore_mem>>) src(%arg9 : memref<80x32xbf16, #tpu.memory_space<vmem>>) dst(%dma_wait3A_172 : memref<10000x32xbf16, #tpu.memory_space<vmem_shared>>)
    %dma_wait3A_173 = arith.constant 122 : i32
    %dma_wait3A_174 = arith.constant 0 : i32
    %dma_wait3A_175 = tpu.memref_slice %arg7[%dma_wait3A_173, %dma_wait3A_174] : memref<125x80xi32, #tpu.memory_space<vmem>> -> memref<1x80xi32, #tpu.memory_space<vmem>>
    %dma_wait3A_176 = tpu.memref_squeeze %dma_wait3A_175 : memref<1x80xi32, #tpu.memory_space<vmem>> -> memref<80xi32, #tpu.memory_space<vmem>>
    %dma_wait3A_177 = arith.constant 0 : i32
    %dma_wait3A_178 = arith.constant 0 : i32
    %dma_wait3A_179 = tpu.memref_slice %arg13[%dma_wait3A_177, %dma_wait3A_178] : memref<10000x32xbf16, #tpu.memory_space<vmem_shared>> -> memref<10000x32xbf16, #tpu.memory_space<vmem_shared>>
    tpu.wait_indirect_dma semaphore(%arg20 : memref<!tpu.dma_semaphore, #tpu.memory_space<semaphore_mem>>) src(%arg10 : memref<80x32xbf16, #tpu.memory_space<vmem>>) dst(%dma_wait3A_179 : memref<10000x32xbf16, #tpu.memory_space<vmem_shared>>)
    %dma_wait3A_180 = arith.constant 123 : i32
    %dma_wait3A_181 = arith.constant 0 : i32
    %dma_wait3A_182 = tpu.memref_slice %arg7[%dma_wait3A_180, %dma_wait3A_181] : memref<125x80xi32, #tpu.memory_space<vmem>> -> memref<1x80xi32, #tpu.memory_space<vmem>>
    %dma_wait3A_183 = tpu.memref_squeeze %dma_wait3A_182 : memref<1x80xi32, #tpu.memory_space<vmem>> -> memref<80xi32, #tpu.memory_space<vmem>>
    %dma_wait3A_184 = arith.constant 0 : i32
    %dma_wait3A_185 = arith.constant 0 : i32
    %dma_wait3A_186 = tpu.memref_slice %arg13[%dma_wait3A_184, %dma_wait3A_185] : memref<10000x32xbf16, #tpu.memory_space<vmem_shared>> -> memref<10000x32xbf16, #tpu.memory_space<vmem_shared>>
    tpu.wait_indirect_dma semaphore(%arg21 : memref<!tpu.dma_semaphore, #tpu.memory_space<semaphore_mem>>) src(%arg11 : memref<80x32xbf16, #tpu.memory_space<vmem>>) dst(%dma_wait3A_186 : memref<10000x32xbf16, #tpu.memory_space<vmem_shared>>)
    %dma_wait3A_187 = arith.constant 124 : i32
    %dma_wait3A_188 = arith.constant 0 : i32
    %dma_wait3A_189 = tpu.memref_slice %arg7[%dma_wait3A_187, %dma_wait3A_188] : memref<125x80xi32, #tpu.memory_space<vmem>> -> memref<1x80xi32, #tpu.memory_space<vmem>>
    %dma_wait3A_190 = tpu.memref_squeeze %dma_wait3A_189 : memref<1x80xi32, #tpu.memory_space<vmem>> -> memref<80xi32, #tpu.memory_space<vmem>>
    %dma_wait3A_191 = arith.constant 0 : i32
    %dma_wait3A_192 = arith.constant 0 : i32
    %dma_wait3A_193 = tpu.memref_slice %arg13[%dma_wait3A_191, %dma_wait3A_192] : memref<10000x32xbf16, #tpu.memory_space<vmem_shared>> -> memref<10000x32xbf16, #tpu.memory_space<vmem_shared>>
    tpu.wait_indirect_dma semaphore(%arg18 : memref<!tpu.dma_semaphore, #tpu.memory_space<semaphore_mem>>) src(%arg8 : memref<80x32xbf16, #tpu.memory_space<vmem>>) dst(%dma_wait3A_193 : memref<10000x32xbf16, #tpu.memory_space<vmem_shared>>)
    %barrier3A_194 = arith.constant 0 : index
    tpu.barrier barrier_id(%barrier3A_194)
    %mul3A_195 = arith.constant 624 : i32
    %mul3A_196 = arith.muli %arg1, %mul3A_195 : i32
    %eq3A_197 = arith.constant 0 : i32
    %eq3A_198 = arith.cmpi eq, %arg0, %eq3A_197 : i32
    %convert_element_type3A_199 = arith.extui %eq3A_198 : i1 to i32
    %cond3A_200 = arith.constant 0 : i32
    %cond3A_201 = arith.cmpi ne, %convert_element_type3A_199, %cond3A_200 : i32
    scf.if %cond3A_201 {
      "tpu.region"() ({
        %run_scoped3A = tpu.sem_alloc : memref<!tpu.dma_semaphore, #tpu.memory_space<semaphore_mem>>
        %dma_start3A_212 = arith.constant 0 : i32
        %dma_start3A_213 = tpu.memref_slice %arg4[%mul3A_196, %dma_start3A_212] : memref<10000x32xbf16, #tpu.memory_space<hbm>> -> memref<624x32xbf16, #tpu.memory_space<hbm>>
        %dma_start3A_214 = arith.constant 0 : i32
        %dma_start3A_215 = tpu.memref_slice %arg13[%mul3A_196, %dma_start3A_214] : memref<10000x32xbf16, #tpu.memory_space<vmem_shared>> -> memref<624x32xbf16, #tpu.memory_space<vmem_shared>>
        tpu.enqueue_dma source(%dma_start3A_215 : memref<624x32xbf16, #tpu.memory_space<vmem_shared>>) target(%dma_start3A_213 : memref<624x32xbf16, #tpu.memory_space<hbm>>) target_semaphore(%run_scoped3A : memref<!tpu.dma_semaphore, #tpu.memory_space<semaphore_mem>>)
        %dma_wait3A_216 = arith.constant 0 : i32
        %dma_wait3A_217 = tpu.memref_slice %arg4[%mul3A_196, %dma_wait3A_216] : memref<10000x32xbf16, #tpu.memory_space<hbm>> -> memref<624x32xbf16, #tpu.memory_space<hbm>>
        %dma_wait3A_218 = arith.constant 0 : i32
        %dma_wait3A_219 = tpu.memref_slice %arg13[%mul3A_196, %dma_wait3A_218] : memref<10000x32xbf16, #tpu.memory_space<vmem_shared>> -> memref<624x32xbf16, #tpu.memory_space<vmem_shared>>
        tpu.wait_dma2 semaphore(%run_scoped3A : memref<!tpu.dma_semaphore, #tpu.memory_space<semaphore_mem>>) src(%dma_wait3A_219 : memref<624x32xbf16, #tpu.memory_space<vmem_shared>>) dst(%dma_wait3A_217 : memref<624x32xbf16, #tpu.memory_space<hbm>>)
        tpu.yield
      }) : () -> ()
      %eq3A_207 = arith.constant 15 : i32
      %eq3A_208 = arith.cmpi eq, %arg1, %eq3A_207 : i32
      %convert_element_type3A_209 = arith.extui %eq3A_208 : i1 to i32
      %cond3A_210 = arith.constant 0 : i32
      %cond3A_211 = arith.cmpi ne, %convert_element_type3A_209, %cond3A_210 : i32
      scf.if %cond3A_211 {
        "tpu.region"() ({
          %run_scoped3A = tpu.sem_alloc : memref<!tpu.dma_semaphore, #tpu.memory_space<semaphore_mem>>
          %dma_start3A_212 = arith.constant 9984 : i32
          %dma_start3A_213 = arith.constant 0 : i32
          %dma_start3A_214 = tpu.memref_slice %arg4[%dma_start3A_212, %dma_start3A_213] : memref<10000x32xbf16, #tpu.memory_space<hbm>> -> memref<16x32xbf16, #tpu.memory_space<hbm>>
          %dma_start3A_215 = arith.constant 9984 : i32
          %dma_start3A_216 = arith.constant 0 : i32
          %dma_start3A_217 = tpu.memref_slice %arg13[%dma_start3A_215, %dma_start3A_216] : memref<10000x32xbf16, #tpu.memory_space<vmem_shared>> -> memref<16x32xbf16, #tpu.memory_space<vmem_shared>>
          tpu.enqueue_dma source(%dma_start3A_217 : memref<16x32xbf16, #tpu.memory_space<vmem_shared>>) target(%dma_start3A_214 : memref<16x32xbf16, #tpu.memory_space<hbm>>) target_semaphore(%run_scoped3A : memref<!tpu.dma_semaphore, #tpu.memory_space<semaphore_mem>>)
          %dma_wait3A_218 = arith.constant 9984 : i32
          %dma_wait3A_219 = arith.constant 0 : i32
          %dma_wait3A_220 = tpu.memref_slice %arg4[%dma_wait3A_218, %dma_wait3A_219] : memref<10000x32xbf16, #tpu.memory_space<hbm>> -> memref<16x32xbf16, #tpu.memory_space<hbm>>
          %dma_wait3A_221 = arith.constant 9984 : i32
          %dma_wait3A_222 = arith.constant 0 : i32
          %dma_wait3A_223 = tpu.memref_slice %arg13[%dma_wait3A_221, %dma_wait3A_222] : memref<10000x32xbf16, #tpu.memory_space<vmem_shared>> -> memref<16x32xbf16, #tpu.memory_space<vmem_shared>>
          tpu.wait_dma2 semaphore(%run_scoped3A : memref<!tpu.dma_semaphore, #tpu.memory_space<semaphore_mem>>) src(%dma_wait3A_223 : memref<16x32xbf16, #tpu.memory_space<vmem_shared>>) dst(%dma_wait3A_220 : memref<16x32xbf16, #tpu.memory_space<hbm>>)
          tpu.yield
        }) : () -> ()
      } else {
      }
    } else {
    }
    %eq3A_202 = arith.constant 1 : i32
    %eq3A_203 = arith.cmpi eq, %arg0, %eq3A_202 : i32
    %convert_element_type3A_204 = arith.extui %eq3A_203 : i1 to i32
    %cond3A_205 = arith.constant 0 : i32
    %cond3A_206 = arith.cmpi ne, %convert_element_type3A_204, %cond3A_205 : i32
    scf.if %cond3A_206 {
      "tpu.region"() ({
        %run_scoped3A = tpu.sem_alloc : memref<!tpu.dma_semaphore, #tpu.memory_space<semaphore_mem>>
        %dma_start3A_212 = arith.constant 0 : i32
        %dma_start3A_213 = tpu.memref_slice %arg5[%mul3A_196, %dma_start3A_212] : memref<10000x32xbf16, #tpu.memory_space<hbm>> -> memref<624x32xbf16, #tpu.memory_space<hbm>>
        %dma_start3A_214 = arith.constant 0 : i32
        %dma_start3A_215 = tpu.memref_slice %arg13[%mul3A_196, %dma_start3A_214] : memref<10000x32xbf16, #tpu.memory_space<vmem_shared>> -> memref<624x32xbf16, #tpu.memory_space<vmem_shared>>
        tpu.enqueue_dma source(%dma_start3A_215 : memref<624x32xbf16, #tpu.memory_space<vmem_shared>>) target(%dma_start3A_213 : memref<624x32xbf16, #tpu.memory_space<hbm>>) target_semaphore(%run_scoped3A : memref<!tpu.dma_semaphore, #tpu.memory_space<semaphore_mem>>)
        %dma_wait3A_216 = arith.constant 0 : i32
        %dma_wait3A_217 = tpu.memref_slice %arg5[%mul3A_196, %dma_wait3A_216] : memref<10000x32xbf16, #tpu.memory_space<hbm>> -> memref<624x32xbf16, #tpu.memory_space<hbm>>
        %dma_wait3A_218 = arith.constant 0 : i32
        %dma_wait3A_219 = tpu.memref_slice %arg13[%mul3A_196, %dma_wait3A_218] : memref<10000x32xbf16, #tpu.memory_space<vmem_shared>> -> memref<624x32xbf16, #tpu.memory_space<vmem_shared>>
        tpu.wait_dma2 semaphore(%run_scoped3A : memref<!tpu.dma_semaphore, #tpu.memory_space<semaphore_mem>>) src(%dma_wait3A_219 : memref<624x32xbf16, #tpu.memory_space<vmem_shared>>) dst(%dma_wait3A_217 : memref<624x32xbf16, #tpu.memory_space<hbm>>)
        tpu.yield
      }) : () -> ()
      %eq3A_207 = arith.constant 15 : i32
      %eq3A_208 = arith.cmpi eq, %arg1, %eq3A_207 : i32
      %convert_element_type3A_209 = arith.extui %eq3A_208 : i1 to i32
      %cond3A_210 = arith.constant 0 : i32
      %cond3A_211 = arith.cmpi ne, %convert_element_type3A_209, %cond3A_210 : i32
      scf.if %cond3A_211 {
        "tpu.region"() ({
          %run_scoped3A = tpu.sem_alloc : memref<!tpu.dma_semaphore, #tpu.memory_space<semaphore_mem>>
          %dma_start3A_212 = arith.constant 9984 : i32
          %dma_start3A_213 = arith.constant 0 : i32
          %dma_start3A_214 = tpu.memref_slice %arg5[%dma_start3A_212, %dma_start3A_213] : memref<10000x32xbf16, #tpu.memory_space<hbm>> -> memref<16x32xbf16, #tpu.memory_space<hbm>>
          %dma_start3A_215 = arith.constant 9984 : i32
          %dma_start3A_216 = arith.constant 0 : i32
          %dma_start3A_217 = tpu.memref_slice %arg13[%dma_start3A_215, %dma_start3A_216] : memref<10000x32xbf16, #tpu.memory_space<vmem_shared>> -> memref<16x32xbf16, #tpu.memory_space<vmem_shared>>
          tpu.enqueue_dma source(%dma_start3A_217 : memref<16x32xbf16, #tpu.memory_space<vmem_shared>>) target(%dma_start3A_214 : memref<16x32xbf16, #tpu.memory_space<hbm>>) target_semaphore(%run_scoped3A : memref<!tpu.dma_semaphore, #tpu.memory_space<semaphore_mem>>)
          %dma_wait3A_218 = arith.constant 9984 : i32
          %dma_wait3A_219 = arith.constant 0 : i32
          %dma_wait3A_220 = tpu.memref_slice %arg5[%dma_wait3A_218, %dma_wait3A_219] : memref<10000x32xbf16, #tpu.memory_space<hbm>> -> memref<16x32xbf16, #tpu.memory_space<hbm>>
          %dma_wait3A_221 = arith.constant 9984 : i32
          %dma_wait3A_222 = arith.constant 0 : i32
          %dma_wait3A_223 = tpu.memref_slice %arg13[%dma_wait3A_221, %dma_wait3A_222] : memref<10000x32xbf16, #tpu.memory_space<vmem_shared>> -> memref<16x32xbf16, #tpu.memory_space<vmem_shared>>
          tpu.wait_dma2 semaphore(%run_scoped3A : memref<!tpu.dma_semaphore, #tpu.memory_space<semaphore_mem>>) src(%dma_wait3A_223 : memref<16x32xbf16, #tpu.memory_space<vmem_shared>>) dst(%dma_wait3A_220 : memref<16x32xbf16, #tpu.memory_space<hbm>>)
          tpu.yield
        }) : () -> ()
      } else {
      }
    } else {
    }
    return
  }
}

#map = affine_map<(d0, d1) -> (0, 0)>
#map1 = affine_map<(d0, d1) -> (0, 0, 0, 0)>
module attributes {stable_mosaic.version = 14 : i64} {
  func.func @agg(%arg0: i32, %arg1: i32, %arg2: memref<10000x128xbf16, #tpu.memory_space<hbm>>, %arg3: memref<2x32x125x80xi32, #tpu.memory_space<hbm>>, %arg4: memref<10000x128xbf16, #tpu.memory_space<hbm>>, %arg5: memref<10000x128xbf16, #tpu.memory_space<hbm>>, %arg6: memref<125x80xi32, #tpu.memory_space<vmem>>, %arg7: memref<125x80xi32, #tpu.memory_space<vmem>>, %arg8: memref<80x128xbf16, #tpu.memory_space<vmem>>, %arg9: memref<80x128xbf16, #tpu.memory_space<vmem>>, %arg10: memref<80x128xbf16, #tpu.memory_space<vmem>>, %arg11: memref<80x128xbf16, #tpu.memory_space<vmem>>, %arg12: memref<48x128xbf16, #tpu.memory_space<vmem>>, %arg13: memref<10000x128xbf16, #tpu.memory_space<vmem_shared>>, %arg14: memref<!tpu.dma_semaphore, #tpu.memory_space<semaphore_mem>>, %arg15: memref<!tpu.dma_semaphore, #tpu.memory_space<semaphore_mem>>, %arg16: memref<!tpu.dma_semaphore, #tpu.memory_space<semaphore_mem>>, %arg17: memref<!tpu.dma_semaphore, #tpu.memory_space<semaphore_mem>>, %arg18: memref<!tpu.dma_semaphore, #tpu.memory_space<semaphore_mem>>, %arg19: memref<!tpu.dma_semaphore, #tpu.memory_space<semaphore_mem>>, %arg20: memref<!tpu.dma_semaphore, #tpu.memory_space<semaphore_mem>>, %arg21: memref<!tpu.dma_semaphore, #tpu.memory_space<semaphore_mem>>) attributes {dimension_semantics = [#tpu.dimension_semantics<core_parallel>, #tpu.dimension_semantics<subcore_parallel>], iteration_bounds = array<i64: 2, 16>, scalar_prefetch = 0 : i64, scratch_operands = 16 : i64, tpu.core_type = #tpu.core_type<sc_vector_subcore>, window_params = [{transform_indices = #map}, {transform_indices = #map1}, {transform_indices = #map}, {transform_indices = #map}]} {
    %mul3A = arith.constant 16 : i32
    %mul3A_0 = arith.muli %arg0, %mul3A : i32
    %add3A = arith.addi %mul3A_0, %arg1 : i32
    %dma_start3A = arith.constant 0 : i32
    %dma_start3A_1 = arith.constant 0 : i32
    %dma_start3A_2 = arith.constant 0 : i32
    %dma_start3A_3 = tpu.memref_slice %arg3[%dma_start3A, %add3A, %dma_start3A_1, %dma_start3A_2] : memref<2x32x125x80xi32, #tpu.memory_space<hbm>> -> memref<1x1x125x80xi32, #tpu.memory_space<hbm>>
    %dma_start3A_4 = tpu.memref_squeeze %dma_start3A_3 : memref<1x1x125x80xi32, #tpu.memory_space<hbm>> -> memref<125x80xi32, #tpu.memory_space<hbm>>
    %dma_start3A_5 = arith.constant 0 : i32
    %dma_start3A_6 = arith.constant 0 : i32
    %dma_start3A_7 = tpu.memref_slice %arg3[%dma_start3A, %add3A, %dma_start3A_5, %dma_start3A_6] : memref<2x32x125x80xi32, #tpu.memory_space<hbm>> -> memref<1x1x125x80xi32, #tpu.memory_space<hbm>>
    %dma_start3A_8 = tpu.memref_squeeze %dma_start3A_7 : memref<1x1x125x80xi32, #tpu.memory_space<hbm>> -> memref<125x80xi32, #tpu.memory_space<hbm>>
    tpu.enqueue_dma source(%dma_start3A_8 : memref<125x80xi32, #tpu.memory_space<hbm>>) target(%arg6 : memref<125x80xi32, #tpu.memory_space<vmem>>) target_semaphore(%arg14 : memref<!tpu.dma_semaphore, #tpu.memory_space<semaphore_mem>>)
    %dma_start3A_9 = arith.constant 1 : i32
    %dma_start3A_10 = arith.constant 0 : i32
    %dma_start3A_11 = arith.constant 0 : i32
    %dma_start3A_12 = tpu.memref_slice %arg3[%dma_start3A_9, %add3A, %dma_start3A_10, %dma_start3A_11] : memref<2x32x125x80xi32, #tpu.memory_space<hbm>> -> memref<1x1x125x80xi32, #tpu.memory_space<hbm>>
    %dma_start3A_13 = tpu.memref_squeeze %dma_start3A_12 : memref<1x1x125x80xi32, #tpu.memory_space<hbm>> -> memref<125x80xi32, #tpu.memory_space<hbm>>
    %dma_start3A_14 = arith.constant 0 : i32
    %dma_start3A_15 = arith.constant 0 : i32
    %dma_start3A_16 = tpu.memref_slice %arg3[%dma_start3A_9, %add3A, %dma_start3A_14, %dma_start3A_15] : memref<2x32x125x80xi32, #tpu.memory_space<hbm>> -> memref<1x1x125x80xi32, #tpu.memory_space<hbm>>
    %dma_start3A_17 = tpu.memref_squeeze %dma_start3A_16 : memref<1x1x125x80xi32, #tpu.memory_space<hbm>> -> memref<125x80xi32, #tpu.memory_space<hbm>>
    tpu.enqueue_dma source(%dma_start3A_17 : memref<125x80xi32, #tpu.memory_space<hbm>>) target(%arg7 : memref<125x80xi32, #tpu.memory_space<vmem>>) target_semaphore(%arg15 : memref<!tpu.dma_semaphore, #tpu.memory_space<semaphore_mem>>)
    %scan3A = arith.constant 0 : i32
    %scan3A_18 = arith.constant 0 : i32
    %scan3A_19 = arith.constant 48 : i32
    %scan3A_20 = arith.addi %scan3A_18, %scan3A_19 : i32
    %scan3A_21 = arith.constant 1 : i32
    scf.for %scan3A_207 = %scan3A_18 to %scan3A_20 step %scan3A_21  : i32 {
      %broadcast_in_dim3A = arith.constant 0.000000e+00 : bf16
      %broadcast_in_dim3A_208 = vector.broadcast %broadcast_in_dim3A : bf16 to vector<32xbf16>
      %swap3A = arith.index_cast %scan3A_207 : i32 to index
      %swap3A_209 = arith.constant 0 : index
      %swap3A_210 = tpu.vector_load %arg12[%swap3A, %swap3A_209] {strides = array<i32>} : memref<48x128xbf16, #tpu.memory_space<vmem>>, vector<1x32xbf16>,
      %swap3A_211 = vector.shape_cast %swap3A_210 : vector<1x32xbf16> to vector<32xbf16>
      %swap3A_212 = vector.shape_cast %broadcast_in_dim3A_208 : vector<32xbf16> to vector<1x32xbf16>
      tpu.vector_store %arg12[%swap3A, %swap3A_209], %swap3A_212 {strides = array<i32>} : memref<48x128xbf16, #tpu.memory_space<vmem>>, vector<1x32xbf16>,
      %broadcast_in_dim3A_213 = arith.constant 0.000000e+00 : bf16
      %broadcast_in_dim3A_214 = vector.broadcast %broadcast_in_dim3A_213 : bf16 to vector<32xbf16>
      %swap3A_215 = arith.index_cast %scan3A_207 : i32 to index
      %swap3A_216 = arith.constant 32 : index
      %swap3A_217 = tpu.vector_load %arg12[%swap3A_215, %swap3A_216] {strides = array<i32>} : memref<48x128xbf16, #tpu.memory_space<vmem>>, vector<1x32xbf16>,
      %swap3A_218 = vector.shape_cast %swap3A_217 : vector<1x32xbf16> to vector<32xbf16>
      %swap3A_219 = vector.shape_cast %broadcast_in_dim3A_214 : vector<32xbf16> to vector<1x32xbf16>
      tpu.vector_store %arg12[%swap3A_215, %swap3A_216], %swap3A_219 {strides = array<i32>} : memref<48x128xbf16, #tpu.memory_space<vmem>>, vector<1x32xbf16>,
      %broadcast_in_dim3A_220 = arith.constant 0.000000e+00 : bf16
      %broadcast_in_dim3A_221 = vector.broadcast %broadcast_in_dim3A_220 : bf16 to vector<32xbf16>
      %swap3A_222 = arith.index_cast %scan3A_207 : i32 to index
      %swap3A_223 = arith.constant 64 : index
      %swap3A_224 = tpu.vector_load %arg12[%swap3A_222, %swap3A_223] {strides = array<i32>} : memref<48x128xbf16, #tpu.memory_space<vmem>>, vector<1x32xbf16>,
      %swap3A_225 = vector.shape_cast %swap3A_224 : vector<1x32xbf16> to vector<32xbf16>
      %swap3A_226 = vector.shape_cast %broadcast_in_dim3A_221 : vector<32xbf16> to vector<1x32xbf16>
      tpu.vector_store %arg12[%swap3A_222, %swap3A_223], %swap3A_226 {strides = array<i32>} : memref<48x128xbf16, #tpu.memory_space<vmem>>, vector<1x32xbf16>,
      %broadcast_in_dim3A_227 = arith.constant 0.000000e+00 : bf16
      %broadcast_in_dim3A_228 = vector.broadcast %broadcast_in_dim3A_227 : bf16 to vector<32xbf16>
      %swap3A_229 = arith.index_cast %scan3A_207 : i32 to index
      %swap3A_230 = arith.constant 96 : index
      %swap3A_231 = tpu.vector_load %arg12[%swap3A_229, %swap3A_230] {strides = array<i32>} : memref<48x128xbf16, #tpu.memory_space<vmem>>, vector<1x32xbf16>,
      %swap3A_232 = vector.shape_cast %swap3A_231 : vector<1x32xbf16> to vector<32xbf16>
      %swap3A_233 = vector.shape_cast %broadcast_in_dim3A_228 : vector<32xbf16> to vector<1x32xbf16>
      tpu.vector_store %arg12[%swap3A_229, %swap3A_230], %swap3A_233 {strides = array<i32>} : memref<48x128xbf16, #tpu.memory_space<vmem>>, vector<1x32xbf16>,
    }
    %scan3A_22 = arith.constant 48 : i32
    %scan3A_23 = arith.constant 0 : i32
    %scan3A_24 = arith.constant 0 : i32
    %scan3A_25 = arith.constant 13 : i32
    %scan3A_26 = arith.addi %scan3A_24, %scan3A_25 : i32
    %scan3A_27 = arith.constant 1 : i32
    scf.for %scan3A_207 = %scan3A_24 to %scan3A_26 step %scan3A_27  : i32 {
      %mul3A_208 = arith.constant 624 : i32
      %mul3A_209 = arith.muli %arg1, %mul3A_208 : i32
      %mul3A_210 = arith.constant 48 : i32
      %mul3A_211 = arith.muli %scan3A_207, %mul3A_210 : i32
      %add3A_212 = arith.addi %mul3A_209, %mul3A_211 : i32
      "tpu.region"() ({
        %run_scoped3A = tpu.sem_alloc : memref<!tpu.dma_semaphore, #tpu.memory_space<semaphore_mem>>
        %dma_start3A_213 = arith.constant 0 : i32
        %dma_start3A_214 = tpu.memref_slice %arg13[%add3A_212, %dma_start3A_213] : memref<10000x128xbf16, #tpu.memory_space<vmem_shared>> -> memref<48x128xbf16, #tpu.memory_space<vmem_shared>>
        %dma_start3A_215 = arith.constant 0 : i32
        %dma_start3A_216 = tpu.memref_slice %arg13[%add3A_212, %dma_start3A_215] : memref<10000x128xbf16, #tpu.memory_space<vmem_shared>> -> memref<48x128xbf16, #tpu.memory_space<vmem_shared>>
        tpu.enqueue_dma source(%arg12 : memref<48x128xbf16, #tpu.memory_space<vmem>>) target(%dma_start3A_216 : memref<48x128xbf16, #tpu.memory_space<vmem_shared>>) target_semaphore(%run_scoped3A : memref<!tpu.dma_semaphore, #tpu.memory_space<semaphore_mem>>)
        %dma_wait3A_217 = arith.constant 0 : i32
        %dma_wait3A_218 = tpu.memref_slice %arg13[%add3A_212, %dma_wait3A_217] : memref<10000x128xbf16, #tpu.memory_space<vmem_shared>> -> memref<48x128xbf16, #tpu.memory_space<vmem_shared>>
        %dma_wait3A_219 = arith.constant 0 : i32
        %dma_wait3A_220 = tpu.memref_slice %arg13[%add3A_212, %dma_wait3A_219] : memref<10000x128xbf16, #tpu.memory_space<vmem_shared>> -> memref<48x128xbf16, #tpu.memory_space<vmem_shared>>
        tpu.wait_dma2 semaphore(%run_scoped3A : memref<!tpu.dma_semaphore, #tpu.memory_space<semaphore_mem>>) src(%arg12 : memref<48x128xbf16, #tpu.memory_space<vmem>>) dst(%dma_wait3A_220 : memref<48x128xbf16, #tpu.memory_space<vmem_shared>>)
        tpu.yield
      }) : () -> ()
    }
    %scan3A_28 = arith.constant 13 : i32
    %eq3A = arith.constant 15 : i32
    %eq3A_29 = arith.cmpi eq, %arg1, %eq3A : i32
    %convert_element_type3A = arith.extui %eq3A_29 : i1 to i32
    %cond3A = arith.constant 0 : i32
    %cond3A_30 = arith.cmpi ne, %convert_element_type3A, %cond3A : i32
    scf.if %cond3A_30 {
      "tpu.region"() ({
        %run_scoped3A = tpu.sem_alloc : memref<!tpu.dma_semaphore, #tpu.memory_space<semaphore_mem>>
        %dma_start3A_207 = arith.constant 0 : i32
        %dma_start3A_208 = arith.constant 0 : i32
        %dma_start3A_209 = tpu.memref_slice %arg12[%dma_start3A_207, %dma_start3A_208] : memref<48x128xbf16, #tpu.memory_space<vmem>> -> memref<16x128xbf16, #tpu.memory_space<vmem>>
        %dma_start3A_210 = arith.constant 9984 : i32
        %dma_start3A_211 = arith.constant 0 : i32
        %dma_start3A_212 = tpu.memref_slice %arg13[%dma_start3A_210, %dma_start3A_211] : memref<10000x128xbf16, #tpu.memory_space<vmem_shared>> -> memref<16x128xbf16, #tpu.memory_space<vmem_shared>>
        %dma_start3A_213 = arith.constant 9984 : i32
        %dma_start3A_214 = arith.constant 0 : i32
        %dma_start3A_215 = tpu.memref_slice %arg13[%dma_start3A_213, %dma_start3A_214] : memref<10000x128xbf16, #tpu.memory_space<vmem_shared>> -> memref<16x128xbf16, #tpu.memory_space<vmem_shared>>
        %dma_start3A_216 = arith.constant 0 : i32
        %dma_start3A_217 = arith.constant 0 : i32
        %dma_start3A_218 = tpu.memref_slice %arg12[%dma_start3A_216, %dma_start3A_217] : memref<48x128xbf16, #tpu.memory_space<vmem>> -> memref<16x128xbf16, #tpu.memory_space<vmem>>
        tpu.enqueue_dma source(%dma_start3A_218 : memref<16x128xbf16, #tpu.memory_space<vmem>>) target(%dma_start3A_215 : memref<16x128xbf16, #tpu.memory_space<vmem_shared>>) target_semaphore(%run_scoped3A : memref<!tpu.dma_semaphore, #tpu.memory_space<semaphore_mem>>)
        %dma_wait3A_219 = arith.constant 0 : i32
        %dma_wait3A_220 = arith.constant 0 : i32
        %dma_wait3A_221 = tpu.memref_slice %arg12[%dma_wait3A_219, %dma_wait3A_220] : memref<48x128xbf16, #tpu.memory_space<vmem>> -> memref<16x128xbf16, #tpu.memory_space<vmem>>
        %dma_wait3A_222 = arith.constant 9984 : i32
        %dma_wait3A_223 = arith.constant 0 : i32
        %dma_wait3A_224 = tpu.memref_slice %arg13[%dma_wait3A_222, %dma_wait3A_223] : memref<10000x128xbf16, #tpu.memory_space<vmem_shared>> -> memref<16x128xbf16, #tpu.memory_space<vmem_shared>>
        %dma_wait3A_225 = arith.constant 9984 : i32
        %dma_wait3A_226 = arith.constant 0 : i32
        %dma_wait3A_227 = tpu.memref_slice %arg13[%dma_wait3A_225, %dma_wait3A_226] : memref<10000x128xbf16, #tpu.memory_space<vmem_shared>> -> memref<16x128xbf16, #tpu.memory_space<vmem_shared>>
        %dma_wait3A_228 = arith.constant 0 : i32
        %dma_wait3A_229 = arith.constant 0 : i32
        %dma_wait3A_230 = tpu.memref_slice %arg12[%dma_wait3A_228, %dma_wait3A_229] : memref<48x128xbf16, #tpu.memory_space<vmem>> -> memref<16x128xbf16, #tpu.memory_space<vmem>>
        tpu.wait_dma2 semaphore(%run_scoped3A : memref<!tpu.dma_semaphore, #tpu.memory_space<semaphore_mem>>) src(%dma_wait3A_230 : memref<16x128xbf16, #tpu.memory_space<vmem>>) dst(%dma_wait3A_227 : memref<16x128xbf16, #tpu.memory_space<vmem_shared>>)
        tpu.yield
      }) : () -> ()
    } else {
    }
    %dma_wait3A = arith.constant 0 : i32
    %dma_wait3A_31 = arith.constant 0 : i32
    %dma_wait3A_32 = arith.constant 0 : i32
    %dma_wait3A_33 = tpu.memref_slice %arg3[%dma_wait3A, %add3A, %dma_wait3A_31, %dma_wait3A_32] : memref<2x32x125x80xi32, #tpu.memory_space<hbm>> -> memref<1x1x125x80xi32, #tpu.memory_space<hbm>>
    %dma_wait3A_34 = tpu.memref_squeeze %dma_wait3A_33 : memref<1x1x125x80xi32, #tpu.memory_space<hbm>> -> memref<125x80xi32, #tpu.memory_space<hbm>>
    %dma_wait3A_35 = arith.constant 0 : i32
    %dma_wait3A_36 = arith.constant 0 : i32
    %dma_wait3A_37 = tpu.memref_slice %arg3[%dma_wait3A, %add3A, %dma_wait3A_35, %dma_wait3A_36] : memref<2x32x125x80xi32, #tpu.memory_space<hbm>> -> memref<1x1x125x80xi32, #tpu.memory_space<hbm>>
    %dma_wait3A_38 = tpu.memref_squeeze %dma_wait3A_37 : memref<1x1x125x80xi32, #tpu.memory_space<hbm>> -> memref<125x80xi32, #tpu.memory_space<hbm>>
    tpu.wait_dma2 semaphore(%arg14 : memref<!tpu.dma_semaphore, #tpu.memory_space<semaphore_mem>>) src(%dma_wait3A_38 : memref<125x80xi32, #tpu.memory_space<hbm>>) dst(%arg6 : memref<125x80xi32, #tpu.memory_space<vmem>>)
    %dma_wait3A_39 = arith.constant 1 : i32
    %dma_wait3A_40 = arith.constant 0 : i32
    %dma_wait3A_41 = arith.constant 0 : i32
    %dma_wait3A_42 = tpu.memref_slice %arg3[%dma_wait3A_39, %add3A, %dma_wait3A_40, %dma_wait3A_41] : memref<2x32x125x80xi32, #tpu.memory_space<hbm>> -> memref<1x1x125x80xi32, #tpu.memory_space<hbm>>
    %dma_wait3A_43 = tpu.memref_squeeze %dma_wait3A_42 : memref<1x1x125x80xi32, #tpu.memory_space<hbm>> -> memref<125x80xi32, #tpu.memory_space<hbm>>
    %dma_wait3A_44 = arith.constant 0 : i32
    %dma_wait3A_45 = arith.constant 0 : i32
    %dma_wait3A_46 = tpu.memref_slice %arg3[%dma_wait3A_39, %add3A, %dma_wait3A_44, %dma_wait3A_45] : memref<2x32x125x80xi32, #tpu.memory_space<hbm>> -> memref<1x1x125x80xi32, #tpu.memory_space<hbm>>
    %dma_wait3A_47 = tpu.memref_squeeze %dma_wait3A_46 : memref<1x1x125x80xi32, #tpu.memory_space<hbm>> -> memref<125x80xi32, #tpu.memory_space<hbm>>
    tpu.wait_dma2 semaphore(%arg15 : memref<!tpu.dma_semaphore, #tpu.memory_space<semaphore_mem>>) src(%dma_wait3A_47 : memref<125x80xi32, #tpu.memory_space<hbm>>) dst(%arg7 : memref<125x80xi32, #tpu.memory_space<vmem>>)
    %barrier3A = arith.constant 0 : index
    tpu.barrier barrier_id(%barrier3A)
    %dma_start3A_48 = arith.constant 0 : i32
    %dma_start3A_49 = arith.constant 0 : i32
    %dma_start3A_50 = tpu.memref_slice %arg6[%dma_start3A_48, %dma_start3A_49] : memref<125x80xi32, #tpu.memory_space<vmem>> -> memref<1x80xi32, #tpu.memory_space<vmem>>
    %dma_start3A_51 = tpu.memref_squeeze %dma_start3A_50 : memref<1x80xi32, #tpu.memory_space<vmem>> -> memref<80xi32, #tpu.memory_space<vmem>>
    %dma_start3A_52 = arith.constant 0 : i32
    %dma_start3A_53 = arith.constant 0 : i32
    %dma_start3A_54 = tpu.memref_slice %arg2[%dma_start3A_52, %dma_start3A_53] : memref<10000x128xbf16, #tpu.memory_space<hbm>> -> memref<10000x128xbf16, #tpu.memory_space<hbm>>
    tpu.enqueue_indirect_dma source(%dma_start3A_54 : memref<10000x128xbf16, #tpu.memory_space<hbm>>) target(%arg8 : memref<80x128xbf16, #tpu.memory_space<vmem>>) offsets(%dma_start3A_51 : memref<80xi32, #tpu.memory_space<vmem>>) semaphore(%arg14 : memref<!tpu.dma_semaphore, #tpu.memory_space<semaphore_mem>>)
    %dma_start3A_55 = arith.constant 1 : i32
    %dma_start3A_56 = arith.constant 0 : i32
    %dma_start3A_57 = tpu.memref_slice %arg6[%dma_start3A_55, %dma_start3A_56] : memref<125x80xi32, #tpu.memory_space<vmem>> -> memref<1x80xi32, #tpu.memory_space<vmem>>
    %dma_start3A_58 = tpu.memref_squeeze %dma_start3A_57 : memref<1x80xi32, #tpu.memory_space<vmem>> -> memref<80xi32, #tpu.memory_space<vmem>>
    %dma_start3A_59 = arith.constant 0 : i32
    %dma_start3A_60 = arith.constant 0 : i32
    %dma_start3A_61 = tpu.memref_slice %arg2[%dma_start3A_59, %dma_start3A_60] : memref<10000x128xbf16, #tpu.memory_space<hbm>> -> memref<10000x128xbf16, #tpu.memory_space<hbm>>
    tpu.enqueue_indirect_dma source(%dma_start3A_61 : memref<10000x128xbf16, #tpu.memory_space<hbm>>) target(%arg9 : memref<80x128xbf16, #tpu.memory_space<vmem>>) offsets(%dma_start3A_58 : memref<80xi32, #tpu.memory_space<vmem>>) semaphore(%arg15 : memref<!tpu.dma_semaphore, #tpu.memory_space<semaphore_mem>>)
    %dma_start3A_62 = arith.constant 2 : i32
    %dma_start3A_63 = arith.constant 0 : i32
    %dma_start3A_64 = tpu.memref_slice %arg6[%dma_start3A_62, %dma_start3A_63] : memref<125x80xi32, #tpu.memory_space<vmem>> -> memref<1x80xi32, #tpu.memory_space<vmem>>
    %dma_start3A_65 = tpu.memref_squeeze %dma_start3A_64 : memref<1x80xi32, #tpu.memory_space<vmem>> -> memref<80xi32, #tpu.memory_space<vmem>>
    %dma_start3A_66 = arith.constant 0 : i32
    %dma_start3A_67 = arith.constant 0 : i32
    %dma_start3A_68 = tpu.memref_slice %arg2[%dma_start3A_66, %dma_start3A_67] : memref<10000x128xbf16, #tpu.memory_space<hbm>> -> memref<10000x128xbf16, #tpu.memory_space<hbm>>
    tpu.enqueue_indirect_dma source(%dma_start3A_68 : memref<10000x128xbf16, #tpu.memory_space<hbm>>) target(%arg10 : memref<80x128xbf16, #tpu.memory_space<vmem>>) offsets(%dma_start3A_65 : memref<80xi32, #tpu.memory_space<vmem>>) semaphore(%arg16 : memref<!tpu.dma_semaphore, #tpu.memory_space<semaphore_mem>>)
    %dma_wait3A_69 = arith.constant 0 : i32
    %dma_wait3A_70 = arith.constant 0 : i32
    %dma_wait3A_71 = tpu.memref_slice %arg6[%dma_wait3A_69, %dma_wait3A_70] : memref<125x80xi32, #tpu.memory_space<vmem>> -> memref<1x80xi32, #tpu.memory_space<vmem>>
    %dma_wait3A_72 = tpu.memref_squeeze %dma_wait3A_71 : memref<1x80xi32, #tpu.memory_space<vmem>> -> memref<80xi32, #tpu.memory_space<vmem>>
    %dma_wait3A_73 = arith.constant 0 : i32
    %dma_wait3A_74 = arith.constant 0 : i32
    %dma_wait3A_75 = tpu.memref_slice %arg2[%dma_wait3A_73, %dma_wait3A_74] : memref<10000x128xbf16, #tpu.memory_space<hbm>> -> memref<10000x128xbf16, #tpu.memory_space<hbm>>
    tpu.wait_indirect_dma semaphore(%arg14 : memref<!tpu.dma_semaphore, #tpu.memory_space<semaphore_mem>>) src(%dma_wait3A_75 : memref<10000x128xbf16, #tpu.memory_space<hbm>>) dst(%arg8 : memref<80x128xbf16, #tpu.memory_space<vmem>>)
    %dma_start3A_76 = arith.constant 0 : i32
    %dma_start3A_77 = arith.constant 0 : i32
    %dma_start3A_78 = tpu.memref_slice %arg7[%dma_start3A_76, %dma_start3A_77] : memref<125x80xi32, #tpu.memory_space<vmem>> -> memref<1x80xi32, #tpu.memory_space<vmem>>
    %dma_start3A_79 = tpu.memref_squeeze %dma_start3A_78 : memref<1x80xi32, #tpu.memory_space<vmem>> -> memref<80xi32, #tpu.memory_space<vmem>>
    %dma_start3A_80 = arith.constant 0 : i32
    %dma_start3A_81 = arith.constant 0 : i32
    %dma_start3A_82 = tpu.memref_slice %arg13[%dma_start3A_80, %dma_start3A_81] : memref<10000x128xbf16, #tpu.memory_space<vmem_shared>> -> memref<10000x128xbf16, #tpu.memory_space<vmem_shared>>
    tpu.enqueue_indirect_dma source(%arg8 : memref<80x128xbf16, #tpu.memory_space<vmem>>) target(%dma_start3A_82 : memref<10000x128xbf16, #tpu.memory_space<vmem_shared>>) offsets(%dma_start3A_79 : memref<80xi32, #tpu.memory_space<vmem>>) semaphore(%arg18 : memref<!tpu.dma_semaphore, #tpu.memory_space<semaphore_mem>>) {add = true}
    %dma_start3A_83 = arith.constant 3 : i32
    %dma_start3A_84 = arith.constant 0 : i32
    %dma_start3A_85 = tpu.memref_slice %arg6[%dma_start3A_83, %dma_start3A_84] : memref<125x80xi32, #tpu.memory_space<vmem>> -> memref<1x80xi32, #tpu.memory_space<vmem>>
    %dma_start3A_86 = tpu.memref_squeeze %dma_start3A_85 : memref<1x80xi32, #tpu.memory_space<vmem>> -> memref<80xi32, #tpu.memory_space<vmem>>
    %dma_start3A_87 = arith.constant 0 : i32
    %dma_start3A_88 = arith.constant 0 : i32
    %dma_start3A_89 = tpu.memref_slice %arg2[%dma_start3A_87, %dma_start3A_88] : memref<10000x128xbf16, #tpu.memory_space<hbm>> -> memref<10000x128xbf16, #tpu.memory_space<hbm>>
    tpu.enqueue_indirect_dma source(%dma_start3A_89 : memref<10000x128xbf16, #tpu.memory_space<hbm>>) target(%arg11 : memref<80x128xbf16, #tpu.memory_space<vmem>>) offsets(%dma_start3A_86 : memref<80xi32, #tpu.memory_space<vmem>>) semaphore(%arg17 : memref<!tpu.dma_semaphore, #tpu.memory_space<semaphore_mem>>)
    %scan3A_90 = arith.constant 0 : i32
    %scan3A_91 = arith.constant 0 : i32
    %scan3A_92 = arith.constant 30 : i32
    %scan3A_93 = arith.addi %scan3A_91, %scan3A_92 : i32
    %scan3A_94 = arith.constant 1 : i32
    scf.for %scan3A_207 = %scan3A_91 to %scan3A_93 step %scan3A_94  : i32 {
      %mul3A_208 = arith.constant 4 : i32
      %mul3A_209 = arith.muli %mul3A_208, %scan3A_207 : i32
      %add3A_210 = arith.constant 1 : i32
      %add3A_211 = arith.addi %add3A_210, %mul3A_209 : i32
      %add3A_212 = arith.constant 0 : i32
      %add3A_213 = arith.addi %add3A_211, %add3A_212 : i32
      %dma_wait3A_214 = arith.constant 0 : i32
      %dma_wait3A_215 = tpu.memref_slice %arg6[%add3A_213, %dma_wait3A_214] : memref<125x80xi32, #tpu.memory_space<vmem>> -> memref<1x80xi32, #tpu.memory_space<vmem>>
      %dma_wait3A_216 = tpu.memref_squeeze %dma_wait3A_215 : memref<1x80xi32, #tpu.memory_space<vmem>> -> memref<80xi32, #tpu.memory_space<vmem>>
      %dma_wait3A_217 = arith.constant 0 : i32
      %dma_wait3A_218 = arith.constant 0 : i32
      %dma_wait3A_219 = tpu.memref_slice %arg2[%dma_wait3A_217, %dma_wait3A_218] : memref<10000x128xbf16, #tpu.memory_space<hbm>> -> memref<10000x128xbf16, #tpu.memory_space<hbm>>
      tpu.wait_indirect_dma semaphore(%arg15 : memref<!tpu.dma_semaphore, #tpu.memory_space<semaphore_mem>>) src(%dma_wait3A_219 : memref<10000x128xbf16, #tpu.memory_space<hbm>>) dst(%arg9 : memref<80x128xbf16, #tpu.memory_space<vmem>>)
      %dma_start3A_220 = arith.constant 0 : i32
      %dma_start3A_221 = tpu.memref_slice %arg7[%add3A_213, %dma_start3A_220] : memref<125x80xi32, #tpu.memory_space<vmem>> -> memref<1x80xi32, #tpu.memory_space<vmem>>
      %dma_start3A_222 = tpu.memref_squeeze %dma_start3A_221 : memref<1x80xi32, #tpu.memory_space<vmem>> -> memref<80xi32, #tpu.memory_space<vmem>>
      %dma_start3A_223 = arith.constant 0 : i32
      %dma_start3A_224 = arith.constant 0 : i32
      %dma_start3A_225 = tpu.memref_slice %arg13[%dma_start3A_223, %dma_start3A_224] : memref<10000x128xbf16, #tpu.memory_space<vmem_shared>> -> memref<10000x128xbf16, #tpu.memory_space<vmem_shared>>
      tpu.enqueue_indirect_dma source(%arg9 : memref<80x128xbf16, #tpu.memory_space<vmem>>) target(%dma_start3A_225 : memref<10000x128xbf16, #tpu.memory_space<vmem_shared>>) offsets(%dma_start3A_222 : memref<80xi32, #tpu.memory_space<vmem>>) semaphore(%arg19 : memref<!tpu.dma_semaphore, #tpu.memory_space<semaphore_mem>>) {add = true}
      %sub3A = arith.constant 1 : i32
      %sub3A_226 = arith.subi %add3A_213, %sub3A : i32
      %dma_wait3A_227 = arith.constant 0 : i32
      %dma_wait3A_228 = tpu.memref_slice %arg7[%sub3A_226, %dma_wait3A_227] : memref<125x80xi32, #tpu.memory_space<vmem>> -> memref<1x80xi32, #tpu.memory_space<vmem>>
      %dma_wait3A_229 = tpu.memref_squeeze %dma_wait3A_228 : memref<1x80xi32, #tpu.memory_space<vmem>> -> memref<80xi32, #tpu.memory_space<vmem>>
      %dma_wait3A_230 = arith.constant 0 : i32
      %dma_wait3A_231 = arith.constant 0 : i32
      %dma_wait3A_232 = tpu.memref_slice %arg13[%dma_wait3A_230, %dma_wait3A_231] : memref<10000x128xbf16, #tpu.memory_space<vmem_shared>> -> memref<10000x128xbf16, #tpu.memory_space<vmem_shared>>
      tpu.wait_indirect_dma semaphore(%arg18 : memref<!tpu.dma_semaphore, #tpu.memory_space<semaphore_mem>>) src(%arg8 : memref<80x128xbf16, #tpu.memory_space<vmem>>) dst(%dma_wait3A_232 : memref<10000x128xbf16, #tpu.memory_space<vmem_shared>>)
      %add3A_233 = arith.constant 3 : i32
      %add3A_234 = arith.addi %add3A_213, %add3A_233 : i32
      %dma_start3A_235 = arith.constant 0 : i32
      %dma_start3A_236 = tpu.memref_slice %arg6[%add3A_234, %dma_start3A_235] : memref<125x80xi32, #tpu.memory_space<vmem>> -> memref<1x80xi32, #tpu.memory_space<vmem>>
      %dma_start3A_237 = tpu.memref_squeeze %dma_start3A_236 : memref<1x80xi32, #tpu.memory_space<vmem>> -> memref<80xi32, #tpu.memory_space<vmem>>
      %dma_start3A_238 = arith.constant 0 : i32
      %dma_start3A_239 = arith.constant 0 : i32
      %dma_start3A_240 = tpu.memref_slice %arg2[%dma_start3A_238, %dma_start3A_239] : memref<10000x128xbf16, #tpu.memory_space<hbm>> -> memref<10000x128xbf16, #tpu.memory_space<hbm>>
      tpu.enqueue_indirect_dma source(%dma_start3A_240 : memref<10000x128xbf16, #tpu.memory_space<hbm>>) target(%arg8 : memref<80x128xbf16, #tpu.memory_space<vmem>>) offsets(%dma_start3A_237 : memref<80xi32, #tpu.memory_space<vmem>>) semaphore(%arg14 : memref<!tpu.dma_semaphore, #tpu.memory_space<semaphore_mem>>)
      %add3A_241 = arith.constant 1 : i32
      %add3A_242 = arith.addi %add3A_211, %add3A_241 : i32
      %dma_wait3A_243 = arith.constant 0 : i32
      %dma_wait3A_244 = tpu.memref_slice %arg6[%add3A_242, %dma_wait3A_243] : memref<125x80xi32, #tpu.memory_space<vmem>> -> memref<1x80xi32, #tpu.memory_space<vmem>>
      %dma_wait3A_245 = tpu.memref_squeeze %dma_wait3A_244 : memref<1x80xi32, #tpu.memory_space<vmem>> -> memref<80xi32, #tpu.memory_space<vmem>>
      %dma_wait3A_246 = arith.constant 0 : i32
      %dma_wait3A_247 = arith.constant 0 : i32
      %dma_wait3A_248 = tpu.memref_slice %arg2[%dma_wait3A_246, %dma_wait3A_247] : memref<10000x128xbf16, #tpu.memory_space<hbm>> -> memref<10000x128xbf16, #tpu.memory_space<hbm>>
      tpu.wait_indirect_dma semaphore(%arg16 : memref<!tpu.dma_semaphore, #tpu.memory_space<semaphore_mem>>) src(%dma_wait3A_248 : memref<10000x128xbf16, #tpu.memory_space<hbm>>) dst(%arg10 : memref<80x128xbf16, #tpu.memory_space<vmem>>)
      %dma_start3A_249 = arith.constant 0 : i32
      %dma_start3A_250 = tpu.memref_slice %arg7[%add3A_242, %dma_start3A_249] : memref<125x80xi32, #tpu.memory_space<vmem>> -> memref<1x80xi32, #tpu.memory_space<vmem>>
      %dma_start3A_251 = tpu.memref_squeeze %dma_start3A_250 : memref<1x80xi32, #tpu.memory_space<vmem>> -> memref<80xi32, #tpu.memory_space<vmem>>
      %dma_start3A_252 = arith.constant 0 : i32
      %dma_start3A_253 = arith.constant 0 : i32
      %dma_start3A_254 = tpu.memref_slice %arg13[%dma_start3A_252, %dma_start3A_253] : memref<10000x128xbf16, #tpu.memory_space<vmem_shared>> -> memref<10000x128xbf16, #tpu.memory_space<vmem_shared>>
      tpu.enqueue_indirect_dma source(%arg10 : memref<80x128xbf16, #tpu.memory_space<vmem>>) target(%dma_start3A_254 : memref<10000x128xbf16, #tpu.memory_space<vmem_shared>>) offsets(%dma_start3A_251 : memref<80xi32, #tpu.memory_space<vmem>>) semaphore(%arg20 : memref<!tpu.dma_semaphore, #tpu.memory_space<semaphore_mem>>) {add = true}
      %sub3A_255 = arith.constant 1 : i32
      %sub3A_256 = arith.subi %add3A_242, %sub3A_255 : i32
      %dma_wait3A_257 = arith.constant 0 : i32
      %dma_wait3A_258 = tpu.memref_slice %arg7[%sub3A_256, %dma_wait3A_257] : memref<125x80xi32, #tpu.memory_space<vmem>> -> memref<1x80xi32, #tpu.memory_space<vmem>>
      %dma_wait3A_259 = tpu.memref_squeeze %dma_wait3A_258 : memref<1x80xi32, #tpu.memory_space<vmem>> -> memref<80xi32, #tpu.memory_space<vmem>>
      %dma_wait3A_260 = arith.constant 0 : i32
      %dma_wait3A_261 = arith.constant 0 : i32
      %dma_wait3A_262 = tpu.memref_slice %arg13[%dma_wait3A_260, %dma_wait3A_261] : memref<10000x128xbf16, #tpu.memory_space<vmem_shared>> -> memref<10000x128xbf16, #tpu.memory_space<vmem_shared>>
      tpu.wait_indirect_dma semaphore(%arg19 : memref<!tpu.dma_semaphore, #tpu.memory_space<semaphore_mem>>) src(%arg9 : memref<80x128xbf16, #tpu.memory_space<vmem>>) dst(%dma_wait3A_262 : memref<10000x128xbf16, #tpu.memory_space<vmem_shared>>)
      %add3A_263 = arith.constant 3 : i32
      %add3A_264 = arith.addi %add3A_242, %add3A_263 : i32
      %dma_start3A_265 = arith.constant 0 : i32
      %dma_start3A_266 = tpu.memref_slice %arg6[%add3A_264, %dma_start3A_265] : memref<125x80xi32, #tpu.memory_space<vmem>> -> memref<1x80xi32, #tpu.memory_space<vmem>>
      %dma_start3A_267 = tpu.memref_squeeze %dma_start3A_266 : memref<1x80xi32, #tpu.memory_space<vmem>> -> memref<80xi32, #tpu.memory_space<vmem>>
      %dma_start3A_268 = arith.constant 0 : i32
      %dma_start3A_269 = arith.constant 0 : i32
      %dma_start3A_270 = tpu.memref_slice %arg2[%dma_start3A_268, %dma_start3A_269] : memref<10000x128xbf16, #tpu.memory_space<hbm>> -> memref<10000x128xbf16, #tpu.memory_space<hbm>>
      tpu.enqueue_indirect_dma source(%dma_start3A_270 : memref<10000x128xbf16, #tpu.memory_space<hbm>>) target(%arg9 : memref<80x128xbf16, #tpu.memory_space<vmem>>) offsets(%dma_start3A_267 : memref<80xi32, #tpu.memory_space<vmem>>) semaphore(%arg15 : memref<!tpu.dma_semaphore, #tpu.memory_space<semaphore_mem>>)
      %add3A_271 = arith.constant 2 : i32
      %add3A_272 = arith.addi %add3A_211, %add3A_271 : i32
      %dma_wait3A_273 = arith.constant 0 : i32
      %dma_wait3A_274 = tpu.memref_slice %arg6[%add3A_272, %dma_wait3A_273] : memref<125x80xi32, #tpu.memory_space<vmem>> -> memref<1x80xi32, #tpu.memory_space<vmem>>
      %dma_wait3A_275 = tpu.memref_squeeze %dma_wait3A_274 : memref<1x80xi32, #tpu.memory_space<vmem>> -> memref<80xi32, #tpu.memory_space<vmem>>
      %dma_wait3A_276 = arith.constant 0 : i32
      %dma_wait3A_277 = arith.constant 0 : i32
      %dma_wait3A_278 = tpu.memref_slice %arg2[%dma_wait3A_276, %dma_wait3A_277] : memref<10000x128xbf16, #tpu.memory_space<hbm>> -> memref<10000x128xbf16, #tpu.memory_space<hbm>>
      tpu.wait_indirect_dma semaphore(%arg17 : memref<!tpu.dma_semaphore, #tpu.memory_space<semaphore_mem>>) src(%dma_wait3A_278 : memref<10000x128xbf16, #tpu.memory_space<hbm>>) dst(%arg11 : memref<80x128xbf16, #tpu.memory_space<vmem>>)
      %dma_start3A_279 = arith.constant 0 : i32
      %dma_start3A_280 = tpu.memref_slice %arg7[%add3A_272, %dma_start3A_279] : memref<125x80xi32, #tpu.memory_space<vmem>> -> memref<1x80xi32, #tpu.memory_space<vmem>>
      %dma_start3A_281 = tpu.memref_squeeze %dma_start3A_280 : memref<1x80xi32, #tpu.memory_space<vmem>> -> memref<80xi32, #tpu.memory_space<vmem>>
      %dma_start3A_282 = arith.constant 0 : i32
      %dma_start3A_283 = arith.constant 0 : i32
      %dma_start3A_284 = tpu.memref_slice %arg13[%dma_start3A_282, %dma_start3A_283] : memref<10000x128xbf16, #tpu.memory_space<vmem_shared>> -> memref<10000x128xbf16, #tpu.memory_space<vmem_shared>>
      tpu.enqueue_indirect_dma source(%arg11 : memref<80x128xbf16, #tpu.memory_space<vmem>>) target(%dma_start3A_284 : memref<10000x128xbf16, #tpu.memory_space<vmem_shared>>) offsets(%dma_start3A_281 : memref<80xi32, #tpu.memory_space<vmem>>) semaphore(%arg21 : memref<!tpu.dma_semaphore, #tpu.memory_space<semaphore_mem>>) {add = true}
      %sub3A_285 = arith.constant 1 : i32
      %sub3A_286 = arith.subi %add3A_272, %sub3A_285 : i32
      %dma_wait3A_287 = arith.constant 0 : i32
      %dma_wait3A_288 = tpu.memref_slice %arg7[%sub3A_286, %dma_wait3A_287] : memref<125x80xi32, #tpu.memory_space<vmem>> -> memref<1x80xi32, #tpu.memory_space<vmem>>
      %dma_wait3A_289 = tpu.memref_squeeze %dma_wait3A_288 : memref<1x80xi32, #tpu.memory_space<vmem>> -> memref<80xi32, #tpu.memory_space<vmem>>
      %dma_wait3A_290 = arith.constant 0 : i32
      %dma_wait3A_291 = arith.constant 0 : i32
      %dma_wait3A_292 = tpu.memref_slice %arg13[%dma_wait3A_290, %dma_wait3A_291] : memref<10000x128xbf16, #tpu.memory_space<vmem_shared>> -> memref<10000x128xbf16, #tpu.memory_space<vmem_shared>>
      tpu.wait_indirect_dma semaphore(%arg20 : memref<!tpu.dma_semaphore, #tpu.memory_space<semaphore_mem>>) src(%arg10 : memref<80x128xbf16, #tpu.memory_space<vmem>>) dst(%dma_wait3A_292 : memref<10000x128xbf16, #tpu.memory_space<vmem_shared>>)
      %add3A_293 = arith.constant 3 : i32
      %add3A_294 = arith.addi %add3A_272, %add3A_293 : i32
      %dma_start3A_295 = arith.constant 0 : i32
      %dma_start3A_296 = tpu.memref_slice %arg6[%add3A_294, %dma_start3A_295] : memref<125x80xi32, #tpu.memory_space<vmem>> -> memref<1x80xi32, #tpu.memory_space<vmem>>
      %dma_start3A_297 = tpu.memref_squeeze %dma_start3A_296 : memref<1x80xi32, #tpu.memory_space<vmem>> -> memref<80xi32, #tpu.memory_space<vmem>>
      %dma_start3A_298 = arith.constant 0 : i32
      %dma_start3A_299 = arith.constant 0 : i32
      %dma_start3A_300 = tpu.memref_slice %arg2[%dma_start3A_298, %dma_start3A_299] : memref<10000x128xbf16, #tpu.memory_space<hbm>> -> memref<10000x128xbf16, #tpu.memory_space<hbm>>
      tpu.enqueue_indirect_dma source(%dma_start3A_300 : memref<10000x128xbf16, #tpu.memory_space<hbm>>) target(%arg10 : memref<80x128xbf16, #tpu.memory_space<vmem>>) offsets(%dma_start3A_297 : memref<80xi32, #tpu.memory_space<vmem>>) semaphore(%arg16 : memref<!tpu.dma_semaphore, #tpu.memory_space<semaphore_mem>>)
      %add3A_301 = arith.constant 3 : i32
      %add3A_302 = arith.addi %add3A_211, %add3A_301 : i32
      %dma_wait3A_303 = arith.constant 0 : i32
      %dma_wait3A_304 = tpu.memref_slice %arg6[%add3A_302, %dma_wait3A_303] : memref<125x80xi32, #tpu.memory_space<vmem>> -> memref<1x80xi32, #tpu.memory_space<vmem>>
      %dma_wait3A_305 = tpu.memref_squeeze %dma_wait3A_304 : memref<1x80xi32, #tpu.memory_space<vmem>> -> memref<80xi32, #tpu.memory_space<vmem>>
      %dma_wait3A_306 = arith.constant 0 : i32
      %dma_wait3A_307 = arith.constant 0 : i32
      %dma_wait3A_308 = tpu.memref_slice %arg2[%dma_wait3A_306, %dma_wait3A_307] : memref<10000x128xbf16, #tpu.memory_space<hbm>> -> memref<10000x128xbf16, #tpu.memory_space<hbm>>
      tpu.wait_indirect_dma semaphore(%arg14 : memref<!tpu.dma_semaphore, #tpu.memory_space<semaphore_mem>>) src(%dma_wait3A_308 : memref<10000x128xbf16, #tpu.memory_space<hbm>>) dst(%arg8 : memref<80x128xbf16, #tpu.memory_space<vmem>>)
      %dma_start3A_309 = arith.constant 0 : i32
      %dma_start3A_310 = tpu.memref_slice %arg7[%add3A_302, %dma_start3A_309] : memref<125x80xi32, #tpu.memory_space<vmem>> -> memref<1x80xi32, #tpu.memory_space<vmem>>
      %dma_start3A_311 = tpu.memref_squeeze %dma_start3A_310 : memref<1x80xi32, #tpu.memory_space<vmem>> -> memref<80xi32, #tpu.memory_space<vmem>>
      %dma_start3A_312 = arith.constant 0 : i32
      %dma_start3A_313 = arith.constant 0 : i32
      %dma_start3A_314 = tpu.memref_slice %arg13[%dma_start3A_312, %dma_start3A_313] : memref<10000x128xbf16, #tpu.memory_space<vmem_shared>> -> memref<10000x128xbf16, #tpu.memory_space<vmem_shared>>
      tpu.enqueue_indirect_dma source(%arg8 : memref<80x128xbf16, #tpu.memory_space<vmem>>) target(%dma_start3A_314 : memref<10000x128xbf16, #tpu.memory_space<vmem_shared>>) offsets(%dma_start3A_311 : memref<80xi32, #tpu.memory_space<vmem>>) semaphore(%arg18 : memref<!tpu.dma_semaphore, #tpu.memory_space<semaphore_mem>>) {add = true}
      %sub3A_315 = arith.constant 1 : i32
      %sub3A_316 = arith.subi %add3A_302, %sub3A_315 : i32
      %dma_wait3A_317 = arith.constant 0 : i32
      %dma_wait3A_318 = tpu.memref_slice %arg7[%sub3A_316, %dma_wait3A_317] : memref<125x80xi32, #tpu.memory_space<vmem>> -> memref<1x80xi32, #tpu.memory_space<vmem>>
      %dma_wait3A_319 = tpu.memref_squeeze %dma_wait3A_318 : memref<1x80xi32, #tpu.memory_space<vmem>> -> memref<80xi32, #tpu.memory_space<vmem>>
      %dma_wait3A_320 = arith.constant 0 : i32
      %dma_wait3A_321 = arith.constant 0 : i32
      %dma_wait3A_322 = tpu.memref_slice %arg13[%dma_wait3A_320, %dma_wait3A_321] : memref<10000x128xbf16, #tpu.memory_space<vmem_shared>> -> memref<10000x128xbf16, #tpu.memory_space<vmem_shared>>
      tpu.wait_indirect_dma semaphore(%arg21 : memref<!tpu.dma_semaphore, #tpu.memory_space<semaphore_mem>>) src(%arg11 : memref<80x128xbf16, #tpu.memory_space<vmem>>) dst(%dma_wait3A_322 : memref<10000x128xbf16, #tpu.memory_space<vmem_shared>>)
      %add3A_323 = arith.constant 3 : i32
      %add3A_324 = arith.addi %add3A_302, %add3A_323 : i32
      %dma_start3A_325 = arith.constant 0 : i32
      %dma_start3A_326 = tpu.memref_slice %arg6[%add3A_324, %dma_start3A_325] : memref<125x80xi32, #tpu.memory_space<vmem>> -> memref<1x80xi32, #tpu.memory_space<vmem>>
      %dma_start3A_327 = tpu.memref_squeeze %dma_start3A_326 : memref<1x80xi32, #tpu.memory_space<vmem>> -> memref<80xi32, #tpu.memory_space<vmem>>
      %dma_start3A_328 = arith.constant 0 : i32
      %dma_start3A_329 = arith.constant 0 : i32
      %dma_start3A_330 = tpu.memref_slice %arg2[%dma_start3A_328, %dma_start3A_329] : memref<10000x128xbf16, #tpu.memory_space<hbm>> -> memref<10000x128xbf16, #tpu.memory_space<hbm>>
      tpu.enqueue_indirect_dma source(%dma_start3A_330 : memref<10000x128xbf16, #tpu.memory_space<hbm>>) target(%arg11 : memref<80x128xbf16, #tpu.memory_space<vmem>>) offsets(%dma_start3A_327 : memref<80xi32, #tpu.memory_space<vmem>>) semaphore(%arg17 : memref<!tpu.dma_semaphore, #tpu.memory_space<semaphore_mem>>)
    }
    %scan3A_95 = arith.constant 30 : i32
    %dma_wait3A_96 = arith.constant 121 : i32
    %dma_wait3A_97 = arith.constant 0 : i32
    %dma_wait3A_98 = tpu.memref_slice %arg6[%dma_wait3A_96, %dma_wait3A_97] : memref<125x80xi32, #tpu.memory_space<vmem>> -> memref<1x80xi32, #tpu.memory_space<vmem>>
    %dma_wait3A_99 = tpu.memref_squeeze %dma_wait3A_98 : memref<1x80xi32, #tpu.memory_space<vmem>> -> memref<80xi32, #tpu.memory_space<vmem>>
    %dma_wait3A_100 = arith.constant 0 : i32
    %dma_wait3A_101 = arith.constant 0 : i32
    %dma_wait3A_102 = tpu.memref_slice %arg2[%dma_wait3A_100, %dma_wait3A_101] : memref<10000x128xbf16, #tpu.memory_space<hbm>> -> memref<10000x128xbf16, #tpu.memory_space<hbm>>
    tpu.wait_indirect_dma semaphore(%arg15 : memref<!tpu.dma_semaphore, #tpu.memory_space<semaphore_mem>>) src(%dma_wait3A_102 : memref<10000x128xbf16, #tpu.memory_space<hbm>>) dst(%arg9 : memref<80x128xbf16, #tpu.memory_space<vmem>>)
    %dma_start3A_103 = arith.constant 121 : i32
    %dma_start3A_104 = arith.constant 0 : i32
    %dma_start3A_105 = tpu.memref_slice %arg7[%dma_start3A_103, %dma_start3A_104] : memref<125x80xi32, #tpu.memory_space<vmem>> -> memref<1x80xi32, #tpu.memory_space<vmem>>
    %dma_start3A_106 = tpu.memref_squeeze %dma_start3A_105 : memref<1x80xi32, #tpu.memory_space<vmem>> -> memref<80xi32, #tpu.memory_space<vmem>>
    %dma_start3A_107 = arith.constant 0 : i32
    %dma_start3A_108 = arith.constant 0 : i32
    %dma_start3A_109 = tpu.memref_slice %arg13[%dma_start3A_107, %dma_start3A_108] : memref<10000x128xbf16, #tpu.memory_space<vmem_shared>> -> memref<10000x128xbf16, #tpu.memory_space<vmem_shared>>
    tpu.enqueue_indirect_dma source(%arg9 : memref<80x128xbf16, #tpu.memory_space<vmem>>) target(%dma_start3A_109 : memref<10000x128xbf16, #tpu.memory_space<vmem_shared>>) offsets(%dma_start3A_106 : memref<80xi32, #tpu.memory_space<vmem>>) semaphore(%arg19 : memref<!tpu.dma_semaphore, #tpu.memory_space<semaphore_mem>>) {add = true}
    %dma_wait3A_110 = arith.constant 120 : i32
    %dma_wait3A_111 = arith.constant 0 : i32
    %dma_wait3A_112 = tpu.memref_slice %arg7[%dma_wait3A_110, %dma_wait3A_111] : memref<125x80xi32, #tpu.memory_space<vmem>> -> memref<1x80xi32, #tpu.memory_space<vmem>>
    %dma_wait3A_113 = tpu.memref_squeeze %dma_wait3A_112 : memref<1x80xi32, #tpu.memory_space<vmem>> -> memref<80xi32, #tpu.memory_space<vmem>>
    %dma_wait3A_114 = arith.constant 0 : i32
    %dma_wait3A_115 = arith.constant 0 : i32
    %dma_wait3A_116 = tpu.memref_slice %arg13[%dma_wait3A_114, %dma_wait3A_115] : memref<10000x128xbf16, #tpu.memory_space<vmem_shared>> -> memref<10000x128xbf16, #tpu.memory_space<vmem_shared>>
    tpu.wait_indirect_dma semaphore(%arg18 : memref<!tpu.dma_semaphore, #tpu.memory_space<semaphore_mem>>) src(%arg8 : memref<80x128xbf16, #tpu.memory_space<vmem>>) dst(%dma_wait3A_116 : memref<10000x128xbf16, #tpu.memory_space<vmem_shared>>)
    %dma_start3A_117 = arith.constant 124 : i32
    %dma_start3A_118 = arith.constant 0 : i32
    %dma_start3A_119 = tpu.memref_slice %arg6[%dma_start3A_117, %dma_start3A_118] : memref<125x80xi32, #tpu.memory_space<vmem>> -> memref<1x80xi32, #tpu.memory_space<vmem>>
    %dma_start3A_120 = tpu.memref_squeeze %dma_start3A_119 : memref<1x80xi32, #tpu.memory_space<vmem>> -> memref<80xi32, #tpu.memory_space<vmem>>
    %dma_start3A_121 = arith.constant 0 : i32
    %dma_start3A_122 = arith.constant 0 : i32
    %dma_start3A_123 = tpu.memref_slice %arg2[%dma_start3A_121, %dma_start3A_122] : memref<10000x128xbf16, #tpu.memory_space<hbm>> -> memref<10000x128xbf16, #tpu.memory_space<hbm>>
    tpu.enqueue_indirect_dma source(%dma_start3A_123 : memref<10000x128xbf16, #tpu.memory_space<hbm>>) target(%arg8 : memref<80x128xbf16, #tpu.memory_space<vmem>>) offsets(%dma_start3A_120 : memref<80xi32, #tpu.memory_space<vmem>>) semaphore(%arg14 : memref<!tpu.dma_semaphore, #tpu.memory_space<semaphore_mem>>)
    %dma_wait3A_124 = arith.constant 122 : i32
    %dma_wait3A_125 = arith.constant 0 : i32
    %dma_wait3A_126 = tpu.memref_slice %arg6[%dma_wait3A_124, %dma_wait3A_125] : memref<125x80xi32, #tpu.memory_space<vmem>> -> memref<1x80xi32, #tpu.memory_space<vmem>>
    %dma_wait3A_127 = tpu.memref_squeeze %dma_wait3A_126 : memref<1x80xi32, #tpu.memory_space<vmem>> -> memref<80xi32, #tpu.memory_space<vmem>>
    %dma_wait3A_128 = arith.constant 0 : i32
    %dma_wait3A_129 = arith.constant 0 : i32
    %dma_wait3A_130 = tpu.memref_slice %arg2[%dma_wait3A_128, %dma_wait3A_129] : memref<10000x128xbf16, #tpu.memory_space<hbm>> -> memref<10000x128xbf16, #tpu.memory_space<hbm>>
    tpu.wait_indirect_dma semaphore(%arg16 : memref<!tpu.dma_semaphore, #tpu.memory_space<semaphore_mem>>) src(%dma_wait3A_130 : memref<10000x128xbf16, #tpu.memory_space<hbm>>) dst(%arg10 : memref<80x128xbf16, #tpu.memory_space<vmem>>)
    %dma_start3A_131 = arith.constant 122 : i32
    %dma_start3A_132 = arith.constant 0 : i32
    %dma_start3A_133 = tpu.memref_slice %arg7[%dma_start3A_131, %dma_start3A_132] : memref<125x80xi32, #tpu.memory_space<vmem>> -> memref<1x80xi32, #tpu.memory_space<vmem>>
    %dma_start3A_134 = tpu.memref_squeeze %dma_start3A_133 : memref<1x80xi32, #tpu.memory_space<vmem>> -> memref<80xi32, #tpu.memory_space<vmem>>
    %dma_start3A_135 = arith.constant 0 : i32
    %dma_start3A_136 = arith.constant 0 : i32
    %dma_start3A_137 = tpu.memref_slice %arg13[%dma_start3A_135, %dma_start3A_136] : memref<10000x128xbf16, #tpu.memory_space<vmem_shared>> -> memref<10000x128xbf16, #tpu.memory_space<vmem_shared>>
    tpu.enqueue_indirect_dma source(%arg10 : memref<80x128xbf16, #tpu.memory_space<vmem>>) target(%dma_start3A_137 : memref<10000x128xbf16, #tpu.memory_space<vmem_shared>>) offsets(%dma_start3A_134 : memref<80xi32, #tpu.memory_space<vmem>>) semaphore(%arg20 : memref<!tpu.dma_semaphore, #tpu.memory_space<semaphore_mem>>) {add = true}
    %dma_wait3A_138 = arith.constant 123 : i32
    %dma_wait3A_139 = arith.constant 0 : i32
    %dma_wait3A_140 = tpu.memref_slice %arg6[%dma_wait3A_138, %dma_wait3A_139] : memref<125x80xi32, #tpu.memory_space<vmem>> -> memref<1x80xi32, #tpu.memory_space<vmem>>
    %dma_wait3A_141 = tpu.memref_squeeze %dma_wait3A_140 : memref<1x80xi32, #tpu.memory_space<vmem>> -> memref<80xi32, #tpu.memory_space<vmem>>
    %dma_wait3A_142 = arith.constant 0 : i32
    %dma_wait3A_143 = arith.constant 0 : i32
    %dma_wait3A_144 = tpu.memref_slice %arg2[%dma_wait3A_142, %dma_wait3A_143] : memref<10000x128xbf16, #tpu.memory_space<hbm>> -> memref<10000x128xbf16, #tpu.memory_space<hbm>>
    tpu.wait_indirect_dma semaphore(%arg17 : memref<!tpu.dma_semaphore, #tpu.memory_space<semaphore_mem>>) src(%dma_wait3A_144 : memref<10000x128xbf16, #tpu.memory_space<hbm>>) dst(%arg11 : memref<80x128xbf16, #tpu.memory_space<vmem>>)
    %dma_start3A_145 = arith.constant 123 : i32
    %dma_start3A_146 = arith.constant 0 : i32
    %dma_start3A_147 = tpu.memref_slice %arg7[%dma_start3A_145, %dma_start3A_146] : memref<125x80xi32, #tpu.memory_space<vmem>> -> memref<1x80xi32, #tpu.memory_space<vmem>>
    %dma_start3A_148 = tpu.memref_squeeze %dma_start3A_147 : memref<1x80xi32, #tpu.memory_space<vmem>> -> memref<80xi32, #tpu.memory_space<vmem>>
    %dma_start3A_149 = arith.constant 0 : i32
    %dma_start3A_150 = arith.constant 0 : i32
    %dma_start3A_151 = tpu.memref_slice %arg13[%dma_start3A_149, %dma_start3A_150] : memref<10000x128xbf16, #tpu.memory_space<vmem_shared>> -> memref<10000x128xbf16, #tpu.memory_space<vmem_shared>>
    tpu.enqueue_indirect_dma source(%arg11 : memref<80x128xbf16, #tpu.memory_space<vmem>>) target(%dma_start3A_151 : memref<10000x128xbf16, #tpu.memory_space<vmem_shared>>) offsets(%dma_start3A_148 : memref<80xi32, #tpu.memory_space<vmem>>) semaphore(%arg21 : memref<!tpu.dma_semaphore, #tpu.memory_space<semaphore_mem>>) {add = true}
    %dma_wait3A_152 = arith.constant 124 : i32
    %dma_wait3A_153 = arith.constant 0 : i32
    %dma_wait3A_154 = tpu.memref_slice %arg6[%dma_wait3A_152, %dma_wait3A_153] : memref<125x80xi32, #tpu.memory_space<vmem>> -> memref<1x80xi32, #tpu.memory_space<vmem>>
    %dma_wait3A_155 = tpu.memref_squeeze %dma_wait3A_154 : memref<1x80xi32, #tpu.memory_space<vmem>> -> memref<80xi32, #tpu.memory_space<vmem>>
    %dma_wait3A_156 = arith.constant 0 : i32
    %dma_wait3A_157 = arith.constant 0 : i32
    %dma_wait3A_158 = tpu.memref_slice %arg2[%dma_wait3A_156, %dma_wait3A_157] : memref<10000x128xbf16, #tpu.memory_space<hbm>> -> memref<10000x128xbf16, #tpu.memory_space<hbm>>
    tpu.wait_indirect_dma semaphore(%arg14 : memref<!tpu.dma_semaphore, #tpu.memory_space<semaphore_mem>>) src(%dma_wait3A_158 : memref<10000x128xbf16, #tpu.memory_space<hbm>>) dst(%arg8 : memref<80x128xbf16, #tpu.memory_space<vmem>>)
    %dma_start3A_159 = arith.constant 124 : i32
    %dma_start3A_160 = arith.constant 0 : i32
    %dma_start3A_161 = tpu.memref_slice %arg7[%dma_start3A_159, %dma_start3A_160] : memref<125x80xi32, #tpu.memory_space<vmem>> -> memref<1x80xi32, #tpu.memory_space<vmem>>
    %dma_start3A_162 = tpu.memref_squeeze %dma_start3A_161 : memref<1x80xi32, #tpu.memory_space<vmem>> -> memref<80xi32, #tpu.memory_space<vmem>>
    %dma_start3A_163 = arith.constant 0 : i32
    %dma_start3A_164 = arith.constant 0 : i32
    %dma_start3A_165 = tpu.memref_slice %arg13[%dma_start3A_163, %dma_start3A_164] : memref<10000x128xbf16, #tpu.memory_space<vmem_shared>> -> memref<10000x128xbf16, #tpu.memory_space<vmem_shared>>
    tpu.enqueue_indirect_dma source(%arg8 : memref<80x128xbf16, #tpu.memory_space<vmem>>) target(%dma_start3A_165 : memref<10000x128xbf16, #tpu.memory_space<vmem_shared>>) offsets(%dma_start3A_162 : memref<80xi32, #tpu.memory_space<vmem>>) semaphore(%arg18 : memref<!tpu.dma_semaphore, #tpu.memory_space<semaphore_mem>>) {add = true}
    %dma_wait3A_166 = arith.constant 121 : i32
    %dma_wait3A_167 = arith.constant 0 : i32
    %dma_wait3A_168 = tpu.memref_slice %arg7[%dma_wait3A_166, %dma_wait3A_167] : memref<125x80xi32, #tpu.memory_space<vmem>> -> memref<1x80xi32, #tpu.memory_space<vmem>>
    %dma_wait3A_169 = tpu.memref_squeeze %dma_wait3A_168 : memref<1x80xi32, #tpu.memory_space<vmem>> -> memref<80xi32, #tpu.memory_space<vmem>>
    %dma_wait3A_170 = arith.constant 0 : i32
    %dma_wait3A_171 = arith.constant 0 : i32
    %dma_wait3A_172 = tpu.memref_slice %arg13[%dma_wait3A_170, %dma_wait3A_171] : memref<10000x128xbf16, #tpu.memory_space<vmem_shared>> -> memref<10000x128xbf16, #tpu.memory_space<vmem_shared>>
    tpu.wait_indirect_dma semaphore(%arg19 : memref<!tpu.dma_semaphore, #tpu.memory_space<semaphore_mem>>) src(%arg9 : memref<80x128xbf16, #tpu.memory_space<vmem>>) dst(%dma_wait3A_172 : memref<10000x128xbf16, #tpu.memory_space<vmem_shared>>)
    %dma_wait3A_173 = arith.constant 122 : i32
    %dma_wait3A_174 = arith.constant 0 : i32
    %dma_wait3A_175 = tpu.memref_slice %arg7[%dma_wait3A_173, %dma_wait3A_174] : memref<125x80xi32, #tpu.memory_space<vmem>> -> memref<1x80xi32, #tpu.memory_space<vmem>>
    %dma_wait3A_176 = tpu.memref_squeeze %dma_wait3A_175 : memref<1x80xi32, #tpu.memory_space<vmem>> -> memref<80xi32, #tpu.memory_space<vmem>>
    %dma_wait3A_177 = arith.constant 0 : i32
    %dma_wait3A_178 = arith.constant 0 : i32
    %dma_wait3A_179 = tpu.memref_slice %arg13[%dma_wait3A_177, %dma_wait3A_178] : memref<10000x128xbf16, #tpu.memory_space<vmem_shared>> -> memref<10000x128xbf16, #tpu.memory_space<vmem_shared>>
    tpu.wait_indirect_dma semaphore(%arg20 : memref<!tpu.dma_semaphore, #tpu.memory_space<semaphore_mem>>) src(%arg10 : memref<80x128xbf16, #tpu.memory_space<vmem>>) dst(%dma_wait3A_179 : memref<10000x128xbf16, #tpu.memory_space<vmem_shared>>)
    %dma_wait3A_180 = arith.constant 123 : i32
    %dma_wait3A_181 = arith.constant 0 : i32
    %dma_wait3A_182 = tpu.memref_slice %arg7[%dma_wait3A_180, %dma_wait3A_181] : memref<125x80xi32, #tpu.memory_space<vmem>> -> memref<1x80xi32, #tpu.memory_space<vmem>>
    %dma_wait3A_183 = tpu.memref_squeeze %dma_wait3A_182 : memref<1x80xi32, #tpu.memory_space<vmem>> -> memref<80xi32, #tpu.memory_space<vmem>>
    %dma_wait3A_184 = arith.constant 0 : i32
    %dma_wait3A_185 = arith.constant 0 : i32
    %dma_wait3A_186 = tpu.memref_slice %arg13[%dma_wait3A_184, %dma_wait3A_185] : memref<10000x128xbf16, #tpu.memory_space<vmem_shared>> -> memref<10000x128xbf16, #tpu.memory_space<vmem_shared>>
    tpu.wait_indirect_dma semaphore(%arg21 : memref<!tpu.dma_semaphore, #tpu.memory_space<semaphore_mem>>) src(%arg11 : memref<80x128xbf16, #tpu.memory_space<vmem>>) dst(%dma_wait3A_186 : memref<10000x128xbf16, #tpu.memory_space<vmem_shared>>)
    %dma_wait3A_187 = arith.constant 124 : i32
    %dma_wait3A_188 = arith.constant 0 : i32
    %dma_wait3A_189 = tpu.memref_slice %arg7[%dma_wait3A_187, %dma_wait3A_188] : memref<125x80xi32, #tpu.memory_space<vmem>> -> memref<1x80xi32, #tpu.memory_space<vmem>>
    %dma_wait3A_190 = tpu.memref_squeeze %dma_wait3A_189 : memref<1x80xi32, #tpu.memory_space<vmem>> -> memref<80xi32, #tpu.memory_space<vmem>>
    %dma_wait3A_191 = arith.constant 0 : i32
    %dma_wait3A_192 = arith.constant 0 : i32
    %dma_wait3A_193 = tpu.memref_slice %arg13[%dma_wait3A_191, %dma_wait3A_192] : memref<10000x128xbf16, #tpu.memory_space<vmem_shared>> -> memref<10000x128xbf16, #tpu.memory_space<vmem_shared>>
    tpu.wait_indirect_dma semaphore(%arg18 : memref<!tpu.dma_semaphore, #tpu.memory_space<semaphore_mem>>) src(%arg8 : memref<80x128xbf16, #tpu.memory_space<vmem>>) dst(%dma_wait3A_193 : memref<10000x128xbf16, #tpu.memory_space<vmem_shared>>)
    %barrier3A_194 = arith.constant 0 : index
    tpu.barrier barrier_id(%barrier3A_194)
    %mul3A_195 = arith.constant 624 : i32
    %mul3A_196 = arith.muli %arg1, %mul3A_195 : i32
    %eq3A_197 = arith.constant 0 : i32
    %eq3A_198 = arith.cmpi eq, %arg0, %eq3A_197 : i32
    %convert_element_type3A_199 = arith.extui %eq3A_198 : i1 to i32
    %cond3A_200 = arith.constant 0 : i32
    %cond3A_201 = arith.cmpi ne, %convert_element_type3A_199, %cond3A_200 : i32
    scf.if %cond3A_201 {
      "tpu.region"() ({
        %run_scoped3A = tpu.sem_alloc : memref<!tpu.dma_semaphore, #tpu.memory_space<semaphore_mem>>
        %dma_start3A_212 = arith.constant 0 : i32
        %dma_start3A_213 = tpu.memref_slice %arg4[%mul3A_196, %dma_start3A_212] : memref<10000x128xbf16, #tpu.memory_space<hbm>> -> memref<624x128xbf16, #tpu.memory_space<hbm>>
        %dma_start3A_214 = arith.constant 0 : i32
        %dma_start3A_215 = tpu.memref_slice %arg13[%mul3A_196, %dma_start3A_214] : memref<10000x128xbf16, #tpu.memory_space<vmem_shared>> -> memref<624x128xbf16, #tpu.memory_space<vmem_shared>>
        tpu.enqueue_dma source(%dma_start3A_215 : memref<624x128xbf16, #tpu.memory_space<vmem_shared>>) target(%dma_start3A_213 : memref<624x128xbf16, #tpu.memory_space<hbm>>) target_semaphore(%run_scoped3A : memref<!tpu.dma_semaphore, #tpu.memory_space<semaphore_mem>>)
        %dma_wait3A_216 = arith.constant 0 : i32
        %dma_wait3A_217 = tpu.memref_slice %arg4[%mul3A_196, %dma_wait3A_216] : memref<10000x128xbf16, #tpu.memory_space<hbm>> -> memref<624x128xbf16, #tpu.memory_space<hbm>>
        %dma_wait3A_218 = arith.constant 0 : i32
        %dma_wait3A_219 = tpu.memref_slice %arg13[%mul3A_196, %dma_wait3A_218] : memref<10000x128xbf16, #tpu.memory_space<vmem_shared>> -> memref<624x128xbf16, #tpu.memory_space<vmem_shared>>
        tpu.wait_dma2 semaphore(%run_scoped3A : memref<!tpu.dma_semaphore, #tpu.memory_space<semaphore_mem>>) src(%dma_wait3A_219 : memref<624x128xbf16, #tpu.memory_space<vmem_shared>>) dst(%dma_wait3A_217 : memref<624x128xbf16, #tpu.memory_space<hbm>>)
        tpu.yield
      }) : () -> ()
      %eq3A_207 = arith.constant 15 : i32
      %eq3A_208 = arith.cmpi eq, %arg1, %eq3A_207 : i32
      %convert_element_type3A_209 = arith.extui %eq3A_208 : i1 to i32
      %cond3A_210 = arith.constant 0 : i32
      %cond3A_211 = arith.cmpi ne, %convert_element_type3A_209, %cond3A_210 : i32
      scf.if %cond3A_211 {
        "tpu.region"() ({
          %run_scoped3A = tpu.sem_alloc : memref<!tpu.dma_semaphore, #tpu.memory_space<semaphore_mem>>
          %dma_start3A_212 = arith.constant 9984 : i32
          %dma_start3A_213 = arith.constant 0 : i32
          %dma_start3A_214 = tpu.memref_slice %arg4[%dma_start3A_212, %dma_start3A_213] : memref<10000x128xbf16, #tpu.memory_space<hbm>> -> memref<16x128xbf16, #tpu.memory_space<hbm>>
          %dma_start3A_215 = arith.constant 9984 : i32
          %dma_start3A_216 = arith.constant 0 : i32
          %dma_start3A_217 = tpu.memref_slice %arg13[%dma_start3A_215, %dma_start3A_216] : memref<10000x128xbf16, #tpu.memory_space<vmem_shared>> -> memref<16x128xbf16, #tpu.memory_space<vmem_shared>>
          tpu.enqueue_dma source(%dma_start3A_217 : memref<16x128xbf16, #tpu.memory_space<vmem_shared>>) target(%dma_start3A_214 : memref<16x128xbf16, #tpu.memory_space<hbm>>) target_semaphore(%run_scoped3A : memref<!tpu.dma_semaphore, #tpu.memory_space<semaphore_mem>>)
          %dma_wait3A_218 = arith.constant 9984 : i32
          %dma_wait3A_219 = arith.constant 0 : i32
          %dma_wait3A_220 = tpu.memref_slice %arg4[%dma_wait3A_218, %dma_wait3A_219] : memref<10000x128xbf16, #tpu.memory_space<hbm>> -> memref<16x128xbf16, #tpu.memory_space<hbm>>
          %dma_wait3A_221 = arith.constant 9984 : i32
          %dma_wait3A_222 = arith.constant 0 : i32
          %dma_wait3A_223 = tpu.memref_slice %arg13[%dma_wait3A_221, %dma_wait3A_222] : memref<10000x128xbf16, #tpu.memory_space<vmem_shared>> -> memref<16x128xbf16, #tpu.memory_space<vmem_shared>>
          tpu.wait_dma2 semaphore(%run_scoped3A : memref<!tpu.dma_semaphore, #tpu.memory_space<semaphore_mem>>) src(%dma_wait3A_223 : memref<16x128xbf16, #tpu.memory_space<vmem_shared>>) dst(%dma_wait3A_220 : memref<16x128xbf16, #tpu.memory_space<hbm>>)
          tpu.yield
        }) : () -> ()
      } else {
      }
    } else {
    }
    %eq3A_202 = arith.constant 1 : i32
    %eq3A_203 = arith.cmpi eq, %arg0, %eq3A_202 : i32
    %convert_element_type3A_204 = arith.extui %eq3A_203 : i1 to i32
    %cond3A_205 = arith.constant 0 : i32
    %cond3A_206 = arith.cmpi ne, %convert_element_type3A_204, %cond3A_205 : i32
    scf.if %cond3A_206 {
      "tpu.region"() ({
        %run_scoped3A = tpu.sem_alloc : memref<!tpu.dma_semaphore, #tpu.memory_space<semaphore_mem>>
        %dma_start3A_212 = arith.constant 0 : i32
        %dma_start3A_213 = tpu.memref_slice %arg5[%mul3A_196, %dma_start3A_212] : memref<10000x128xbf16, #tpu.memory_space<hbm>> -> memref<624x128xbf16, #tpu.memory_space<hbm>>
        %dma_start3A_214 = arith.constant 0 : i32
        %dma_start3A_215 = tpu.memref_slice %arg13[%mul3A_196, %dma_start3A_214] : memref<10000x128xbf16, #tpu.memory_space<vmem_shared>> -> memref<624x128xbf16, #tpu.memory_space<vmem_shared>>
        tpu.enqueue_dma source(%dma_start3A_215 : memref<624x128xbf16, #tpu.memory_space<vmem_shared>>) target(%dma_start3A_213 : memref<624x128xbf16, #tpu.memory_space<hbm>>) target_semaphore(%run_scoped3A : memref<!tpu.dma_semaphore, #tpu.memory_space<semaphore_mem>>)
        %dma_wait3A_216 = arith.constant 0 : i32
        %dma_wait3A_217 = tpu.memref_slice %arg5[%mul3A_196, %dma_wait3A_216] : memref<10000x128xbf16, #tpu.memory_space<hbm>> -> memref<624x128xbf16, #tpu.memory_space<hbm>>
        %dma_wait3A_218 = arith.constant 0 : i32
        %dma_wait3A_219 = tpu.memref_slice %arg13[%mul3A_196, %dma_wait3A_218] : memref<10000x128xbf16, #tpu.memory_space<vmem_shared>> -> memref<624x128xbf16, #tpu.memory_space<vmem_shared>>
        tpu.wait_dma2 semaphore(%run_scoped3A : memref<!tpu.dma_semaphore, #tpu.memory_space<semaphore_mem>>) src(%dma_wait3A_219 : memref<624x128xbf16, #tpu.memory_space<vmem_shared>>) dst(%dma_wait3A_217 : memref<624x128xbf16, #tpu.memory_space<hbm>>)
        tpu.yield
      }) : () -> ()
      %eq3A_207 = arith.constant 15 : i32
      %eq3A_208 = arith.cmpi eq, %arg1, %eq3A_207 : i32
      %convert_element_type3A_209 = arith.extui %eq3A_208 : i1 to i32
      %cond3A_210 = arith.constant 0 : i32
      %cond3A_211 = arith.cmpi ne, %convert_element_type3A_209, %cond3A_210 : i32
      scf.if %cond3A_211 {
        "tpu.region"() ({
          %run_scoped3A = tpu.sem_alloc : memref<!tpu.dma_semaphore, #tpu.memory_space<semaphore_mem>>
          %dma_start3A_212 = arith.constant 9984 : i32
          %dma_start3A_213 = arith.constant 0 : i32
          %dma_start3A_214 = tpu.memref_slice %arg5[%dma_start3A_212, %dma_start3A_213] : memref<10000x128xbf16, #tpu.memory_space<hbm>> -> memref<16x128xbf16, #tpu.memory_space<hbm>>
          %dma_start3A_215 = arith.constant 9984 : i32
          %dma_start3A_216 = arith.constant 0 : i32
          %dma_start3A_217 = tpu.memref_slice %arg13[%dma_start3A_215, %dma_start3A_216] : memref<10000x128xbf16, #tpu.memory_space<vmem_shared>> -> memref<16x128xbf16, #tpu.memory_space<vmem_shared>>
          tpu.enqueue_dma source(%dma_start3A_217 : memref<16x128xbf16, #tpu.memory_space<vmem_shared>>) target(%dma_start3A_214 : memref<16x128xbf16, #tpu.memory_space<hbm>>) target_semaphore(%run_scoped3A : memref<!tpu.dma_semaphore, #tpu.memory_space<semaphore_mem>>)
          %dma_wait3A_218 = arith.constant 9984 : i32
          %dma_wait3A_219 = arith.constant 0 : i32
          %dma_wait3A_220 = tpu.memref_slice %arg5[%dma_wait3A_218, %dma_wait3A_219] : memref<10000x128xbf16, #tpu.memory_space<hbm>> -> memref<16x128xbf16, #tpu.memory_space<hbm>>
          %dma_wait3A_221 = arith.constant 9984 : i32
          %dma_wait3A_222 = arith.constant 0 : i32
          %dma_wait3A_223 = tpu.memref_slice %arg13[%dma_wait3A_221, %dma_wait3A_222] : memref<10000x128xbf16, #tpu.memory_space<vmem_shared>> -> memref<16x128xbf16, #tpu.memory_space<vmem_shared>>
          tpu.wait_dma2 semaphore(%run_scoped3A : memref<!tpu.dma_semaphore, #tpu.memory_space<semaphore_mem>>) src(%dma_wait3A_223 : memref<16x128xbf16, #tpu.memory_space<vmem_shared>>) dst(%dma_wait3A_220 : memref<16x128xbf16, #tpu.memory_space<hbm>>)
          tpu.yield
        }) : () -> ()
      } else {
      }
    } else {
    }
    return
  }
}

module attributes {stable_mosaic.version = 14 : i64} {
  func.func @_mm_body(%arg0: i32, %arg1: memref<2000x128xf32, #tpu.memory_space<vmem>>, %arg2: memref<128x100xf32, #tpu.memory_space<vmem>>, %arg3: memref<1x100xf32, #tpu.memory_space<vmem>>, %arg4: memref<2000x128xbf16, #tpu.memory_space<vmem>>) attributes {dimension_semantics = [#tpu.dimension_semantics<arbitrary>], iteration_bounds = array<i64: 5>, scalar_prefetch = 0 : i64, scratch_operands = 0 : i64, tpu.core_type = #tpu.core_type<tc>, window_params = [{transform_indices = @transform_0, window_bounds = array<i64: 2000, 128>}, {pipeline_mode = #tpu.pipeline_mode<synchronous>, transform_indices = @transform_1, window_bounds = array<i64: 128, 100>}, {pipeline_mode = #tpu.pipeline_mode<synchronous>, transform_indices = @transform_2, window_bounds = array<i64: 1, 100>}, {transform_indices = @transform_3, window_bounds = array<i64: 2000, 128>}]} {
    %get3A = arith.constant 0 : index
    %get3A_0 = arith.constant 0 : index
    %get3A_1 = vector.load %arg1[%get3A, %get3A_0] : memref<2000x128xf32, #tpu.memory_space<vmem>>, vector<2000x128xf32>
    %get3A_2 = arith.constant 0 : index
    %get3A_3 = arith.constant 0 : index
    %get3A_4 = vector.load %arg2[%get3A_2, %get3A_3] : memref<128x100xf32, #tpu.memory_space<vmem>>, vector<128x100xf32>
    %dot_general3A = arith.constant dense<0.000000e+00> : vector<2000x100xf32>
    %dot_general3A_5 = tpu.matmul %get3A_1, %get3A_4, %dot_general3A {dimension_numbers = #tpu.dot_dimension_numbers<[1], [0], [0], [1], [0, 0, 1, 1], [], []>, transpose_lhs_hint = false} : vector<2000x128xf32>, vector<128x100xf32>, vector<2000x100xf32> -> vector<2000x100xf32>
    %get3A_6 = arith.constant 0 : index
    %get3A_7 = arith.constant 0 : index
    %get3A_8 = vector.load %arg3[%get3A_6, %get3A_7] : memref<1x100xf32, #tpu.memory_space<vmem>>, vector<1x100xf32>
    %add3A = vector.broadcast %get3A_8 : vector<1x100xf32> to vector<2000x100xf32>
    %add3A_9 = arith.addf %dot_general3A_5, %add3A : vector<2000x100xf32>
    %broadcast_in_dim3A = arith.constant 1.000000e+00 : f32
    %broadcast_in_dim3A_10 = vector.broadcast %broadcast_in_dim3A : f32 to vector<2000x1xf32>
    %broadcast_in_dim3A_11 = arith.constant 0.000000e+00 : f32
    %broadcast_in_dim3A_12 = vector.broadcast %broadcast_in_dim3A_11 : f32 to vector<2000x27xf32>
    %concatenate3A = tpu.concatenate %add3A_9, %broadcast_in_dim3A_10, %broadcast_in_dim3A_12 in 1 : vector<2000x100xf32>, vector<2000x1xf32>, vector<2000x27xf32> -> vector<2000x128xf32>
    %convert_element_type3A = arith.truncf %concatenate3A : vector<2000x128xf32> to vector<2000x128xbf16>
    %swap3A = arith.constant 0 : index
    %swap3A_13 = arith.constant 0 : index
    %swap3A_14 = vector.load %arg4[%swap3A, %swap3A_13] : memref<2000x128xbf16, #tpu.memory_space<vmem>>, vector<2000x128xbf16>
    tpu.vector_store %arg4[%swap3A, %swap3A_13], %convert_element_type3A {strides = array<i32>} : memref<2000x128xbf16, #tpu.memory_space<vmem>>, vector<2000x128xbf16>,
    return
  }
  func.func @transform_0(%arg0: i32) -> (i32, i32) {
    %c0_i32 = arith.constant 0 : i32
    %c0_i32_0 = arith.constant 0 : i32
    return %arg0, %c0_i32 : i32, i32
  }
  func.func @transform_1(%arg0: i32) -> (i32, i32) {
    %c0_i32 = arith.constant 0 : i32
    %c0_i32_0 = arith.constant 0 : i32
    %c0_i32_1 = arith.constant 0 : i32
    return %c0_i32, %c0_i32_0 : i32, i32
  }
  func.func @transform_2(%arg0: i32) -> (i32, i32) {
    %c0_i32 = arith.constant 0 : i32
    %c0_i32_0 = arith.constant 0 : i32
    %c0_i32_1 = arith.constant 0 : i32
    return %c0_i32, %c0_i32_0 : i32, i32
  }
  func.func @transform_3(%arg0: i32) -> (i32, i32) {
    %c0_i32 = arith.constant 0 : i32
    %c0_i32_0 = arith.constant 0 : i32
    return %arg0, %c0_i32 : i32, i32
  }
}

module attributes {stable_mosaic.version = 14 : i64} {
  func.func @_combine_mm_body(%arg0: i32, %arg1: memref<2000x128xbf16, #tpu.memory_space<vmem>>, %arg2: memref<2000x128xbf16, #tpu.memory_space<vmem>>, %arg3: memref<2000x128xbf16, #tpu.memory_space<vmem>>, %arg4: memref<100x20xf32, #tpu.memory_space<vmem>>, %arg5: memref<1x20xf32, #tpu.memory_space<vmem>>, %arg6: memref<2000x32xbf16, #tpu.memory_space<vmem>>) attributes {dimension_semantics = [#tpu.dimension_semantics<arbitrary>], iteration_bounds = array<i64: 5>, scalar_prefetch = 0 : i64, scratch_operands = 0 : i64, tpu.core_type = #tpu.core_type<tc>, window_params = [{transform_indices = @transform_0, window_bounds = array<i64: 2000, 128>}, {transform_indices = @transform_1, window_bounds = array<i64: 2000, 128>}, {transform_indices = @transform_2, window_bounds = array<i64: 2000, 128>}, {pipeline_mode = #tpu.pipeline_mode<synchronous>, transform_indices = @transform_3, window_bounds = array<i64: 100, 20>}, {pipeline_mode = #tpu.pipeline_mode<synchronous>, transform_indices = @transform_4, window_bounds = array<i64: 1, 20>}, {transform_indices = @transform_5, window_bounds = array<i64: 2000, 32>}]} {
    %get3A = arith.constant 0 : index
    %get3A_0 = arith.constant 0 : index
    %get3A_1 = vector.load %arg1[%get3A, %get3A_0] : memref<2000x128xbf16, #tpu.memory_space<vmem>>, vector<2000x128xbf16>
    %convert_element_type3A = arith.extf %get3A_1 : vector<2000x128xbf16> to vector<2000x128xf32>
    %get3A_2 = arith.constant 0 : index
    %get3A_3 = arith.constant 0 : index
    %get3A_4 = vector.load %arg2[%get3A_2, %get3A_3] : memref<2000x128xbf16, #tpu.memory_space<vmem>>, vector<2000x128xbf16>
    %convert_element_type3A_5 = arith.extf %get3A_4 : vector<2000x128xbf16> to vector<2000x128xf32>
    %add3A = arith.addf %convert_element_type3A, %convert_element_type3A_5 : vector<2000x128xf32>
    %slice3A = vector.extract_strided_slice %add3A {offsets = [0, 100], sizes = [2000, 1], strides = [1, 1]} : vector<2000x128xf32> to vector<2000x1xf32>
    %max3A = arith.constant 1.000000e+00 : f32
    %max3A_6 = vector.broadcast %max3A : f32 to vector<2000x1xf32>
    %max3A_7 = arith.maximumf %slice3A, %max3A_6 : vector<2000x1xf32>
    %div3A = vector.broadcast %max3A_7 : vector<2000x1xf32> to vector<2000x128xf32>
    %div3A_8 = arith.divf %add3A, %div3A : vector<2000x128xf32>
    %gt3A = arith.constant 0.000000e+00 : f32
    %gt3A_9 = vector.broadcast %gt3A : f32 to vector<2000x1xf32>
    %gt3A_10 = arith.cmpf ogt, %slice3A, %gt3A_9 : vector<2000x1xf32>
    %get3A_11 = arith.constant 0 : index
    %get3A_12 = arith.constant 0 : index
    %get3A_13 = vector.load %arg3[%get3A_11, %get3A_12] : memref<2000x128xbf16, #tpu.memory_space<vmem>>, vector<2000x128xbf16>
    %convert_element_type3A_14 = arith.extf %get3A_13 : vector<2000x128xbf16> to vector<2000x128xf32>
    %broadcast_in_dim3A = vector.shape_cast %gt3A_10 : vector<2000x1xi1> to vector<2000x1xi1>
    %broadcast_in_dim3A_15 = vector.broadcast %broadcast_in_dim3A : vector<2000x1xi1> to vector<2000x128xi1>
    %select_n3A = arith.select %broadcast_in_dim3A_15, %div3A_8, %convert_element_type3A_14 : vector<2000x128xi1>, vector<2000x128xf32>
    %max3A_16 = arith.constant 0.000000e+00 : f32
    %max3A_17 = vector.broadcast %max3A_16 : f32 to vector<2000x128xf32>
    %max3A_18 = arith.maximumf %select_n3A, %max3A_17 : vector<2000x128xf32>
    %slice3A_19 = vector.extract_strided_slice %max3A_18 {offsets = [0, 0], sizes = [2000, 100], strides = [1, 1]} : vector<2000x128xf32> to vector<2000x100xf32>
    %get3A_20 = arith.constant 0 : index
    %get3A_21 = arith.constant 0 : index
    %get3A_22 = vector.load %arg4[%get3A_20, %get3A_21] : memref<100x20xf32, #tpu.memory_space<vmem>>, vector<100x20xf32>
    %dot_general3A = arith.constant dense<0.000000e+00> : vector<2000x20xf32>
    %dot_general3A_23 = tpu.matmul %slice3A_19, %get3A_22, %dot_general3A {dimension_numbers = #tpu.dot_dimension_numbers<[1], [0], [0], [1], [0, 0, 1, 1], [], []>, transpose_lhs_hint = false} : vector<2000x100xf32>, vector<100x20xf32>, vector<2000x20xf32> -> vector<2000x20xf32>
    %get3A_24 = arith.constant 0 : index
    %get3A_25 = arith.constant 0 : index
    %get3A_26 = vector.load %arg5[%get3A_24, %get3A_25] : memref<1x20xf32, #tpu.memory_space<vmem>>, vector<1x20xf32>
    %add3A_27 = vector.broadcast %get3A_26 : vector<1x20xf32> to vector<2000x20xf32>
    %add3A_28 = arith.addf %dot_general3A_23, %add3A_27 : vector<2000x20xf32>
    %broadcast_in_dim3A_29 = arith.constant 1.000000e+00 : f32
    %broadcast_in_dim3A_30 = vector.broadcast %broadcast_in_dim3A_29 : f32 to vector<2000x1xf32>
    %broadcast_in_dim3A_31 = arith.constant 0.000000e+00 : f32
    %broadcast_in_dim3A_32 = vector.broadcast %broadcast_in_dim3A_31 : f32 to vector<2000x11xf32>
    %concatenate3A = tpu.concatenate %add3A_28, %broadcast_in_dim3A_30, %broadcast_in_dim3A_32 in 1 : vector<2000x20xf32>, vector<2000x1xf32>, vector<2000x11xf32> -> vector<2000x32xf32>
    %convert_element_type3A_33 = arith.truncf %concatenate3A : vector<2000x32xf32> to vector<2000x32xbf16>
    %swap3A = arith.constant 0 : index
    %swap3A_34 = arith.constant 0 : index
    %swap3A_35 = vector.load %arg6[%swap3A, %swap3A_34] : memref<2000x32xbf16, #tpu.memory_space<vmem>>, vector<2000x32xbf16>
    tpu.vector_store %arg6[%swap3A, %swap3A_34], %convert_element_type3A_33 {strides = array<i32>} : memref<2000x32xbf16, #tpu.memory_space<vmem>>, vector<2000x32xbf16>,
    return
  }
  func.func @transform_0(%arg0: i32) -> (i32, i32) {
    %c0_i32 = arith.constant 0 : i32
    %c0_i32_0 = arith.constant 0 : i32
    return %arg0, %c0_i32 : i32, i32
  }
  func.func @transform_1(%arg0: i32) -> (i32, i32) {
    %c0_i32 = arith.constant 0 : i32
    %c0_i32_0 = arith.constant 0 : i32
    return %arg0, %c0_i32 : i32, i32
  }
  func.func @transform_2(%arg0: i32) -> (i32, i32) {
    %c0_i32 = arith.constant 0 : i32
    %c0_i32_0 = arith.constant 0 : i32
    return %arg0, %c0_i32 : i32, i32
  }
  func.func @transform_3(%arg0: i32) -> (i32, i32) {
    %c0_i32 = arith.constant 0 : i32
    %c0_i32_0 = arith.constant 0 : i32
    %c0_i32_1 = arith.constant 0 : i32
    return %c0_i32, %c0_i32_0 : i32, i32
  }
  func.func @transform_4(%arg0: i32) -> (i32, i32) {
    %c0_i32 = arith.constant 0 : i32
    %c0_i32_0 = arith.constant 0 : i32
    %c0_i32_1 = arith.constant 0 : i32
    return %c0_i32, %c0_i32_0 : i32, i32
  }
  func.func @transform_5(%arg0: i32) -> (i32, i32) {
    %c0_i32 = arith.constant 0 : i32
    %c0_i32_0 = arith.constant 0 : i32
    return %arg0, %c0_i32 : i32, i32
  }
}

module attributes {stable_mosaic.version = 14 : i64} {
  func.func @_readout_head_body(%arg0: i32, %arg1: memref<2000x32xbf16, #tpu.memory_space<vmem>>, %arg2: memref<2000x32xbf16, #tpu.memory_space<vmem>>, %arg3: memref<2000x32xbf16, #tpu.memory_space<vmem>>, %arg4: memref<1x1x2000xi32, #tpu.memory_space<vmem>>, %arg5: memref<16x64xf32, #tpu.memory_space<vmem>>, %arg6: memref<20x64xf32, #tpu.memory_space<vmem>>, %arg7: memref<64x32xf32, #tpu.memory_space<vmem>>, %arg8: memref<1x32xf32, #tpu.memory_space<vmem>>, %arg9: memref<32x8xf32, #tpu.memory_space<vmem>>, %arg10: memref<1x8xf32, #tpu.memory_space<vmem>>, %arg11: memref<8x10xf32, #tpu.memory_space<vmem>>, %arg12: memref<1x10xf32, #tpu.memory_space<vmem>>, %arg13: memref<1x32xf32, #tpu.memory_space<vmem>>, %arg14: memref<1x32xf32, #tpu.memory_space<vmem>>, %arg15: memref<1x8xf32, #tpu.memory_space<vmem>>, %arg16: memref<1x8xf32, #tpu.memory_space<vmem>>, %arg17: memref<16x10xf32, #tpu.memory_space<vmem>>, %arg18: memref<16x32xf32, #tpu.memory_space<vmem>>) attributes {dimension_semantics = [#tpu.dimension_semantics<arbitrary>], iteration_bounds = array<i64: 5>, scalar_prefetch = 0 : i64, scratch_operands = 1 : i64, tpu.core_type = #tpu.core_type<tc>, window_params = [{transform_indices = @transform_0, window_bounds = array<i64: 2000, 32>}, {transform_indices = @transform_1, window_bounds = array<i64: 2000, 32>}, {transform_indices = @transform_2, window_bounds = array<i64: 2000, 32>}, {transform_indices = @transform_3, window_bounds = array<i64: 1, 1, 2000>}, {pipeline_mode = #tpu.pipeline_mode<synchronous>, transform_indices = @transform_4, window_bounds = array<i64: 16, 64>}, {pipeline_mode = #tpu.pipeline_mode<synchronous>, transform_indices = @transform_5, window_bounds = array<i64: 20, 64>}, {pipeline_mode = #tpu.pipeline_mode<synchronous>, transform_indices = @transform_6, window_bounds = array<i64: 64, 32>}, {pipeline_mode = #tpu.pipeline_mode<synchronous>, transform_indices = @transform_7, window_bounds = array<i64: 1, 32>}, {pipeline_mode = #tpu.pipeline_mode<synchronous>, transform_indices = @transform_8, window_bounds = array<i64: 32, 8>}, {pipeline_mode = #tpu.pipeline_mode<synchronous>, transform_indices = @transform_9, window_bounds = array<i64: 1, 8>}, {pipeline_mode = #tpu.pipeline_mode<synchronous>, transform_indices = @transform_10, window_bounds = array<i64: 8, 10>}, {pipeline_mode = #tpu.pipeline_mode<synchronous>, transform_indices = @transform_11, window_bounds = array<i64: 1, 10>}, {pipeline_mode = #tpu.pipeline_mode<synchronous>, transform_indices = @transform_12, window_bounds = array<i64: 1, 32>}, {pipeline_mode = #tpu.pipeline_mode<synchronous>, transform_indices = @transform_13, window_bounds = array<i64: 1, 32>}, {pipeline_mode = #tpu.pipeline_mode<synchronous>, transform_indices = @transform_14, window_bounds = array<i64: 1, 8>}, {pipeline_mode = #tpu.pipeline_mode<synchronous>, transform_indices = @transform_15, window_bounds = array<i64: 1, 8>}, {pipeline_mode = #tpu.pipeline_mode<synchronous>, transform_indices = @transform_16, window_bounds = array<i64: 16, 10>}]} {
    %eq3A = arith.constant 0 : i32
    %eq3A_0 = arith.cmpi eq, %arg0, %eq3A : i32
    %convert_element_type3A = arith.extui %eq3A_0 : i1 to i32
    %cond3A = arith.constant 0 : i32
    %cond3A_1 = arith.cmpi ne, %convert_element_type3A, %cond3A : i32
    scf.if %cond3A_1 {
      %broadcast_in_dim3A_44 = arith.constant 0.000000e+00 : f32
      %broadcast_in_dim3A_45 = vector.broadcast %broadcast_in_dim3A_44 : f32 to vector<16x32xf32>
      %swap3A_46 = arith.constant 0 : index
      %swap3A_47 = arith.constant 0 : index
      %swap3A_48 = vector.load %arg18[%swap3A_46, %swap3A_47] : memref<16x32xf32, #tpu.memory_space<vmem>>, vector<16x32xf32>
      tpu.vector_store %arg18[%swap3A_46, %swap3A_47], %broadcast_in_dim3A_45 {strides = array<i32>} : memref<16x32xf32, #tpu.memory_space<vmem>>, vector<16x32xf32>,
    } else {
    }
    %get3A = arith.constant 0 : index
    %get3A_2 = arith.constant 0 : index
    %get3A_3 = vector.load %arg1[%get3A, %get3A_2] : memref<2000x32xbf16, #tpu.memory_space<vmem>>, vector<2000x32xbf16>
    %convert_element_type3A_4 = arith.extf %get3A_3 : vector<2000x32xbf16> to vector<2000x32xf32>
    %get3A_5 = arith.constant 0 : index
    %get3A_6 = arith.constant 0 : index
    %get3A_7 = vector.load %arg2[%get3A_5, %get3A_6] : memref<2000x32xbf16, #tpu.memory_space<vmem>>, vector<2000x32xbf16>
    %convert_element_type3A_8 = arith.extf %get3A_7 : vector<2000x32xbf16> to vector<2000x32xf32>
    %add3A = arith.addf %convert_element_type3A_4, %convert_element_type3A_8 : vector<2000x32xf32>
    %slice3A = vector.extract_strided_slice %add3A {offsets = [0, 20], sizes = [2000, 1], strides = [1, 1]} : vector<2000x32xf32> to vector<2000x1xf32>
    %max3A = arith.constant 1.000000e+00 : f32
    %max3A_9 = vector.broadcast %max3A : f32 to vector<2000x1xf32>
    %max3A_10 = arith.maximumf %slice3A, %max3A_9 : vector<2000x1xf32>
    %div3A = vector.broadcast %max3A_10 : vector<2000x1xf32> to vector<2000x32xf32>
    %div3A_11 = arith.divf %add3A, %div3A : vector<2000x32xf32>
    %gt3A = arith.constant 0.000000e+00 : f32
    %gt3A_12 = vector.broadcast %gt3A : f32 to vector<2000x1xf32>
    %gt3A_13 = arith.cmpf ogt, %slice3A, %gt3A_12 : vector<2000x1xf32>
    %get3A_14 = arith.constant 0 : index
    %get3A_15 = arith.constant 0 : index
    %get3A_16 = vector.load %arg3[%get3A_14, %get3A_15] : memref<2000x32xbf16, #tpu.memory_space<vmem>>, vector<2000x32xbf16>
    %convert_element_type3A_17 = arith.extf %get3A_16 : vector<2000x32xbf16> to vector<2000x32xf32>
    %broadcast_in_dim3A = vector.shape_cast %gt3A_13 : vector<2000x1xi1> to vector<2000x1xi1>
    %broadcast_in_dim3A_18 = vector.broadcast %broadcast_in_dim3A : vector<2000x1xi1> to vector<2000x32xi1>
    %select_n3A = arith.select %broadcast_in_dim3A_18, %div3A_11, %convert_element_type3A_17 : vector<2000x32xi1>, vector<2000x32xf32>
    %max3A_19 = arith.constant 0.000000e+00 : f32
    %max3A_20 = vector.broadcast %max3A_19 : f32 to vector<2000x32xf32>
    %max3A_21 = arith.maximumf %select_n3A, %max3A_20 : vector<2000x32xf32>
    %get3A_22 = arith.constant 0 : index
    %get3A_23 = arith.constant 0 : index
    %get3A_24 = arith.constant 0 : index
    %get3A_25 = vector.load %arg4[%get3A_22, %get3A_23, %get3A_24] : memref<1x1x2000xi32, #tpu.memory_space<vmem>>, vector<1x1x2000xi32>
    %get3A_26 = vector.shape_cast %get3A_25 : vector<1x1x2000xi32> to vector<2000xi32>
    %iota3A = tpu.iota {dimensions = array<i32: 0>} : vector<16x2000xi32>
    %broadcast_in_dim3A_27 = vector.shape_cast %get3A_26 : vector<2000xi32> to vector<1x2000xi32>
    %eq3A_28 = vector.broadcast %broadcast_in_dim3A_27 : vector<1x2000xi32> to vector<16x2000xi32>
    %eq3A_29 = arith.cmpi eq, %eq3A_28, %iota3A : vector<16x2000xi32>
    %convert_element_type3A_30 = arith.extui %eq3A_29 : vector<16x2000xi1> to vector<16x2000xi32>
    %convert_element_type3A_31 = arith.sitofp %convert_element_type3A_30 : vector<16x2000xi32> to vector<16x2000xf32>
    %get3A_32 = arith.constant 0 : index
    %get3A_33 = arith.constant 0 : index
    %get3A_34 = vector.load %arg18[%get3A_32, %get3A_33] : memref<16x32xf32, #tpu.memory_space<vmem>>, vector<16x32xf32>
    %dot_general3A = arith.constant dense<0.000000e+00> : vector<16x32xf32>
    %dot_general3A_35 = tpu.matmul %convert_element_type3A_31, %max3A_21, %dot_general3A {dimension_numbers = #tpu.dot_dimension_numbers<[1], [0], [0], [1], [0, 0, 1, 1], [], []>, precision = #tpu.contract_precision<fp32>, transpose_lhs_hint = false} : vector<16x2000xf32>, vector<2000x32xf32>, vector<16x32xf32> -> vector<16x32xf32>
    %add3A_36 = arith.addf %get3A_34, %dot_general3A_35 : vector<16x32xf32>
    %swap3A = arith.constant 0 : index
    %swap3A_37 = arith.constant 0 : index
    %swap3A_38 = vector.load %arg18[%swap3A, %swap3A_37] : memref<16x32xf32, #tpu.memory_space<vmem>>, vector<16x32xf32>
    tpu.vector_store %arg18[%swap3A, %swap3A_37], %add3A_36 {strides = array<i32>} : memref<16x32xf32, #tpu.memory_space<vmem>>, vector<16x32xf32>,
    %eq3A_39 = arith.constant 4 : i32
    %eq3A_40 = arith.cmpi eq, %arg0, %eq3A_39 : i32
    %convert_element_type3A_41 = arith.extui %eq3A_40 : i1 to i32
    %cond3A_42 = arith.constant 0 : i32
    %cond3A_43 = arith.cmpi ne, %convert_element_type3A_41, %cond3A_42 : i32
    scf.if %cond3A_43 {
      %get3A_44 = arith.constant 0 : index
      %get3A_45 = arith.constant 0 : index
      %get3A_46 = vector.load %arg18[%get3A_44, %get3A_45] : memref<16x32xf32, #tpu.memory_space<vmem>>, vector<16x32xf32>
      %slice3A_47 = vector.extract_strided_slice %get3A_46 {offsets = [0, 20], sizes = [16, 1], strides = [1, 1]} : vector<16x32xf32> to vector<16x1xf32>
      %slice3A_48 = vector.extract_strided_slice %get3A_46 {offsets = [0, 0], sizes = [16, 20], strides = [1, 1]} : vector<16x32xf32> to vector<16x20xf32>
      %max3A_49 = arith.constant 1.000000e+00 : f32
      %max3A_50 = vector.broadcast %max3A_49 : f32 to vector<16x1xf32>
      %max3A_51 = arith.maximumf %slice3A_47, %max3A_50 : vector<16x1xf32>
      %div3A_52 = vector.broadcast %max3A_51 : vector<16x1xf32> to vector<16x20xf32>
      %div3A_53 = arith.divf %slice3A_48, %div3A_52 : vector<16x20xf32>
      %get3A_54 = arith.constant 0 : index
      %get3A_55 = arith.constant 0 : index
      %get3A_56 = vector.load %arg6[%get3A_54, %get3A_55] : memref<20x64xf32, #tpu.memory_space<vmem>>, vector<20x64xf32>
      %dot_general3A_57 = arith.constant dense<0.000000e+00> : vector<16x64xf32>
      %dot_general3A_58 = tpu.matmul %div3A_53, %get3A_56, %dot_general3A_57 {dimension_numbers = #tpu.dot_dimension_numbers<[1], [0], [0], [1], [0, 0, 1, 1], [], []>, transpose_lhs_hint = false} : vector<16x20xf32>, vector<20x64xf32>, vector<16x64xf32> -> vector<16x64xf32>
      %get3A_59 = arith.constant 0 : index
      %get3A_60 = arith.constant 0 : index
      %get3A_61 = vector.load %arg5[%get3A_59, %get3A_60] : memref<16x64xf32, #tpu.memory_space<vmem>>, vector<16x64xf32>
      %mul3A = arith.mulf %dot_general3A_58, %get3A_61 : vector<16x64xf32>
      %get3A_62 = arith.constant 0 : index
      %get3A_63 = arith.constant 0 : index
      %get3A_64 = vector.load %arg7[%get3A_62, %get3A_63] : memref<64x32xf32, #tpu.memory_space<vmem>>, vector<64x32xf32>
      %dot_general3A_65 = arith.constant dense<0.000000e+00> : vector<16x32xf32>
      %dot_general3A_66 = tpu.matmul %mul3A, %get3A_64, %dot_general3A_65 {dimension_numbers = #tpu.dot_dimension_numbers<[1], [0], [0], [1], [0, 0, 1, 1], [], []>, transpose_lhs_hint = false} : vector<16x64xf32>, vector<64x32xf32>, vector<16x32xf32> -> vector<16x32xf32>
      %get3A_67 = arith.constant 0 : index
      %get3A_68 = arith.constant 0 : index
      %get3A_69 = vector.load %arg8[%get3A_67, %get3A_68] : memref<1x32xf32, #tpu.memory_space<vmem>>, vector<1x32xf32>
      %add3A_70 = vector.broadcast %get3A_69 : vector<1x32xf32> to vector<16x32xf32>
      %add3A_71 = arith.addf %dot_general3A_66, %add3A_70 : vector<16x32xf32>
      %reduce_sum3A = arith.constant dense<0.000000e+00> : vector<32xf32>
      %reduce_sum3A_72 = vector.multi_reduction <add>, %add3A_71, %reduce_sum3A [0] : vector<16x32xf32> to vector<32xf32>
      %broadcast_in_dim3A_73 = vector.shape_cast %reduce_sum3A_72 : vector<32xf32> to vector<1x32xf32>
      %div3A_74 = arith.constant 1.600000e+01 : f32
      %div3A_75 = vector.broadcast %div3A_74 : f32 to vector<1x32xf32>
      %div3A_76 = arith.divf %broadcast_in_dim3A_73, %div3A_75 : vector<1x32xf32>
      %sub3A = vector.broadcast %div3A_76 : vector<1x32xf32> to vector<16x32xf32>
      %sub3A_77 = arith.subf %add3A_71, %sub3A : vector<16x32xf32>
      %integer_pow3A = arith.mulf %sub3A_77, %sub3A_77 : vector<16x32xf32>
      %reduce_sum3A_78 = arith.constant dense<0.000000e+00> : vector<32xf32>
      %reduce_sum3A_79 = vector.multi_reduction <add>, %integer_pow3A, %reduce_sum3A_78 [0] : vector<16x32xf32> to vector<32xf32>
      %broadcast_in_dim3A_80 = vector.shape_cast %reduce_sum3A_79 : vector<32xf32> to vector<1x32xf32>
      %div3A_81 = arith.constant 1.600000e+01 : f32
      %div3A_82 = vector.broadcast %div3A_81 : f32 to vector<1x32xf32>
      %div3A_83 = arith.divf %broadcast_in_dim3A_80, %div3A_82 : vector<1x32xf32>
      %get3A_84 = arith.constant 0 : index
      %get3A_85 = arith.constant 0 : index
      %get3A_86 = vector.load %arg13[%get3A_84, %get3A_85] : memref<1x32xf32, #tpu.memory_space<vmem>>, vector<1x32xf32>
      %sub3A_87 = vector.broadcast %div3A_76 : vector<1x32xf32> to vector<16x32xf32>
      %sub3A_88 = arith.subf %add3A_71, %sub3A_87 : vector<16x32xf32>
      %mul3A_89 = vector.broadcast %get3A_86 : vector<1x32xf32> to vector<16x32xf32>
      %mul3A_90 = arith.mulf %mul3A_89, %sub3A_88 : vector<16x32xf32>
      %add3A_91 = arith.constant 9.99999974E-6 : f32
      %add3A_92 = vector.broadcast %add3A_91 : f32 to vector<1x32xf32>
      %add3A_93 = arith.addf %div3A_83, %add3A_92 : vector<1x32xf32>
      %sqrt3A = math.sqrt %add3A_93 : vector<1x32xf32>
      %div3A_94 = vector.broadcast %sqrt3A : vector<1x32xf32> to vector<16x32xf32>
      %div3A_95 = arith.divf %mul3A_90, %div3A_94 : vector<16x32xf32>
      %get3A_96 = arith.constant 0 : index
      %get3A_97 = arith.constant 0 : index
      %get3A_98 = vector.load %arg14[%get3A_96, %get3A_97] : memref<1x32xf32, #tpu.memory_space<vmem>>, vector<1x32xf32>
      %add3A_99 = vector.broadcast %get3A_98 : vector<1x32xf32> to vector<16x32xf32>
      %add3A_100 = arith.addf %div3A_95, %add3A_99 : vector<16x32xf32>
      %max3A_101 = arith.constant 0.000000e+00 : f32
      %max3A_102 = vector.broadcast %max3A_101 : f32 to vector<16x32xf32>
      %max3A_103 = arith.maximumf %add3A_100, %max3A_102 : vector<16x32xf32>
      %get3A_104 = arith.constant 0 : index
      %get3A_105 = arith.constant 0 : index
      %get3A_106 = vector.load %arg9[%get3A_104, %get3A_105] : memref<32x8xf32, #tpu.memory_space<vmem>>, vector<32x8xf32>
      %dot_general3A_107 = arith.constant dense<0.000000e+00> : vector<16x8xf32>
      %dot_general3A_108 = tpu.matmul %max3A_103, %get3A_106, %dot_general3A_107 {dimension_numbers = #tpu.dot_dimension_numbers<[1], [0], [0], [1], [0, 0, 1, 1], [], []>, transpose_lhs_hint = false} : vector<16x32xf32>, vector<32x8xf32>, vector<16x8xf32> -> vector<16x8xf32>
      %get3A_109 = arith.constant 0 : index
      %get3A_110 = arith.constant 0 : index
      %get3A_111 = vector.load %arg10[%get3A_109, %get3A_110] : memref<1x8xf32, #tpu.memory_space<vmem>>, vector<1x8xf32>
      %add3A_112 = vector.broadcast %get3A_111 : vector<1x8xf32> to vector<16x8xf32>
      %add3A_113 = arith.addf %dot_general3A_108, %add3A_112 : vector<16x8xf32>
      %reduce_sum3A_114 = arith.constant dense<0.000000e+00> : vector<8xf32>
      %reduce_sum3A_115 = vector.multi_reduction <add>, %add3A_113, %reduce_sum3A_114 [0] : vector<16x8xf32> to vector<8xf32>
      %broadcast_in_dim3A_116 = vector.shape_cast %reduce_sum3A_115 : vector<8xf32> to vector<1x8xf32>
      %div3A_117 = arith.constant 1.600000e+01 : f32
      %div3A_118 = vector.broadcast %div3A_117 : f32 to vector<1x8xf32>
      %div3A_119 = arith.divf %broadcast_in_dim3A_116, %div3A_118 : vector<1x8xf32>
      %sub3A_120 = vector.broadcast %div3A_119 : vector<1x8xf32> to vector<16x8xf32>
      %sub3A_121 = arith.subf %add3A_113, %sub3A_120 : vector<16x8xf32>
      %integer_pow3A_122 = arith.mulf %sub3A_121, %sub3A_121 : vector<16x8xf32>
      %reduce_sum3A_123 = arith.constant dense<0.000000e+00> : vector<8xf32>
      %reduce_sum3A_124 = vector.multi_reduction <add>, %integer_pow3A_122, %reduce_sum3A_123 [0] : vector<16x8xf32> to vector<8xf32>
      %broadcast_in_dim3A_125 = vector.shape_cast %reduce_sum3A_124 : vector<8xf32> to vector<1x8xf32>
      %div3A_126 = arith.constant 1.600000e+01 : f32
      %div3A_127 = vector.broadcast %div3A_126 : f32 to vector<1x8xf32>
      %div3A_128 = arith.divf %broadcast_in_dim3A_125, %div3A_127 : vector<1x8xf32>
      %get3A_129 = arith.constant 0 : index
      %get3A_130 = arith.constant 0 : index
      %get3A_131 = vector.load %arg15[%get3A_129, %get3A_130] : memref<1x8xf32, #tpu.memory_space<vmem>>, vector<1x8xf32>
      %sub3A_132 = vector.broadcast %div3A_119 : vector<1x8xf32> to vector<16x8xf32>
      %sub3A_133 = arith.subf %add3A_113, %sub3A_132 : vector<16x8xf32>
      %mul3A_134 = vector.broadcast %get3A_131 : vector<1x8xf32> to vector<16x8xf32>
      %mul3A_135 = arith.mulf %mul3A_134, %sub3A_133 : vector<16x8xf32>
      %add3A_136 = arith.constant 9.99999974E-6 : f32
      %add3A_137 = vector.broadcast %add3A_136 : f32 to vector<1x8xf32>
      %add3A_138 = arith.addf %div3A_128, %add3A_137 : vector<1x8xf32>
      %sqrt3A_139 = math.sqrt %add3A_138 : vector<1x8xf32>
      %div3A_140 = vector.broadcast %sqrt3A_139 : vector<1x8xf32> to vector<16x8xf32>
      %div3A_141 = arith.divf %mul3A_135, %div3A_140 : vector<16x8xf32>
      %get3A_142 = arith.constant 0 : index
      %get3A_143 = arith.constant 0 : index
      %get3A_144 = vector.load %arg16[%get3A_142, %get3A_143] : memref<1x8xf32, #tpu.memory_space<vmem>>, vector<1x8xf32>
      %add3A_145 = vector.broadcast %get3A_144 : vector<1x8xf32> to vector<16x8xf32>
      %add3A_146 = arith.addf %div3A_141, %add3A_145 : vector<16x8xf32>
      %max3A_147 = arith.constant 0.000000e+00 : f32
      %max3A_148 = vector.broadcast %max3A_147 : f32 to vector<16x8xf32>
      %max3A_149 = arith.maximumf %add3A_146, %max3A_148 : vector<16x8xf32>
      %get3A_150 = arith.constant 0 : index
      %get3A_151 = arith.constant 0 : index
      %get3A_152 = vector.load %arg11[%get3A_150, %get3A_151] : memref<8x10xf32, #tpu.memory_space<vmem>>, vector<8x10xf32>
      %dot_general3A_153 = arith.constant dense<0.000000e+00> : vector<16x10xf32>
      %dot_general3A_154 = tpu.matmul %max3A_149, %get3A_152, %dot_general3A_153 {dimension_numbers = #tpu.dot_dimension_numbers<[1], [0], [0], [1], [0, 0, 1, 1], [], []>, transpose_lhs_hint = false} : vector<16x8xf32>, vector<8x10xf32>, vector<16x10xf32> -> vector<16x10xf32>
      %get3A_155 = arith.constant 0 : index
      %get3A_156 = arith.constant 0 : index
      %get3A_157 = vector.load %arg12[%get3A_155, %get3A_156] : memref<1x10xf32, #tpu.memory_space<vmem>>, vector<1x10xf32>
      %add3A_158 = vector.broadcast %get3A_157 : vector<1x10xf32> to vector<16x10xf32>
      %add3A_159 = arith.addf %dot_general3A_154, %add3A_158 : vector<16x10xf32>
      %swap3A_160 = arith.constant 0 : index
      %swap3A_161 = arith.constant 0 : index
      %swap3A_162 = vector.load %arg17[%swap3A_160, %swap3A_161] : memref<16x10xf32, #tpu.memory_space<vmem>>, vector<16x10xf32>
      tpu.vector_store %arg17[%swap3A_160, %swap3A_161], %add3A_159 {strides = array<i32>} : memref<16x10xf32, #tpu.memory_space<vmem>>, vector<16x10xf32>,
    } else {
    }
    return
  }
  func.func @transform_0(%arg0: i32) -> (i32, i32) {
    %c0_i32 = arith.constant 0 : i32
    %c0_i32_0 = arith.constant 0 : i32
    return %arg0, %c0_i32 : i32, i32
  }
  func.func @transform_1(%arg0: i32) -> (i32, i32) {
    %c0_i32 = arith.constant 0 : i32
    %c0_i32_0 = arith.constant 0 : i32
    return %arg0, %c0_i32 : i32, i32
  }
  func.func @transform_2(%arg0: i32) -> (i32, i32) {
    %c0_i32 = arith.constant 0 : i32
    %c0_i32_0 = arith.constant 0 : i32
    return %arg0, %c0_i32 : i32, i32
  }
  func.func @transform_3(%arg0: i32) -> (i32, i32, i32) {
    %c0_i32 = arith.constant 0 : i32
    %c0_i32_0 = arith.constant 0 : i32
    %c0_i32_1 = arith.constant 0 : i32
    return %arg0, %c0_i32, %c0_i32_0 : i32, i32, i32
  }
  func.func @transform_4(%arg0: i32) -> (i32, i32) {
    %c0_i32 = arith.constant 0 : i32
    %c0_i32_0 = arith.constant 0 : i32
    %c0_i32_1 = arith.constant 0 : i32
    return %c0_i32, %c0_i32_0 : i32, i32
  }
  func.func @transform_5(%arg0: i32) -> (i32, i32) {
    %c0_i32 = arith.constant 0 : i32
    %c0_i32_0 = arith.constant 0 : i32
    %c0_i32_1 = arith.constant 0 : i32
    return %c0_i32, %c0_i32_0 : i32, i32
  }
  func.func @transform_6(%arg0: i32) -> (i32, i32) {
    %c0_i32 = arith.constant 0 : i32
    %c0_i32_0 = arith.constant 0 : i32
    %c0_i32_1 = arith.constant 0 : i32
    return %c0_i32, %c0_i32_0 : i32, i32
  }
  func.func @transform_7(%arg0: i32) -> (i32, i32) {
    %c0_i32 = arith.constant 0 : i32
    %c0_i32_0 = arith.constant 0 : i32
    %c0_i32_1 = arith.constant 0 : i32
    return %c0_i32, %c0_i32_0 : i32, i32
  }
  func.func @transform_8(%arg0: i32) -> (i32, i32) {
    %c0_i32 = arith.constant 0 : i32
    %c0_i32_0 = arith.constant 0 : i32
    %c0_i32_1 = arith.constant 0 : i32
    return %c0_i32, %c0_i32_0 : i32, i32
  }
  func.func @transform_9(%arg0: i32) -> (i32, i32) {
    %c0_i32 = arith.constant 0 : i32
    %c0_i32_0 = arith.constant 0 : i32
    %c0_i32_1 = arith.constant 0 : i32
    return %c0_i32, %c0_i32_0 : i32, i32
  }
  func.func @transform_10(%arg0: i32) -> (i32, i32) {
    %c0_i32 = arith.constant 0 : i32
    %c0_i32_0 = arith.constant 0 : i32
    %c0_i32_1 = arith.constant 0 : i32
    return %c0_i32, %c0_i32_0 : i32, i32
  }
  func.func @transform_11(%arg0: i32) -> (i32, i32) {
    %c0_i32 = arith.constant 0 : i32
    %c0_i32_0 = arith.constant 0 : i32
    %c0_i32_1 = arith.constant 0 : i32
    return %c0_i32, %c0_i32_0 : i32, i32
  }
  func.func @transform_12(%arg0: i32) -> (i32, i32) {
    %c0_i32 = arith.constant 0 : i32
    %c0_i32_0 = arith.constant 0 : i32
    %c0_i32_1 = arith.constant 0 : i32
    return %c0_i32, %c0_i32_0 : i32, i32
  }
  func.func @transform_13(%arg0: i32) -> (i32, i32) {
    %c0_i32 = arith.constant 0 : i32
    %c0_i32_0 = arith.constant 0 : i32
    %c0_i32_1 = arith.constant 0 : i32
    return %c0_i32, %c0_i32_0 : i32, i32
  }
  func.func @transform_14(%arg0: i32) -> (i32, i32) {
    %c0_i32 = arith.constant 0 : i32
    %c0_i32_0 = arith.constant 0 : i32
    %c0_i32_1 = arith.constant 0 : i32
    return %c0_i32, %c0_i32_0 : i32, i32
  }
  func.func @transform_15(%arg0: i32) -> (i32, i32) {
    %c0_i32 = arith.constant 0 : i32
    %c0_i32_0 = arith.constant 0 : i32
    %c0_i32_1 = arith.constant 0 : i32
    return %c0_i32, %c0_i32_0 : i32, i32
  }
  func.func @transform_16(%arg0: i32) -> (i32, i32) {
    %c0_i32 = arith.constant 0 : i32
    %c0_i32_0 = arith.constant 0 : i32
    %c0_i32_1 = arith.constant 0 : i32
    return %c0_i32, %c0_i32_0 : i32, i32
  }
}

</mosaic_0001>

<sc_bundles>
// kernel: kernel.10.cloned.1.call-start
scs
__scs_entry_jumppad:
0x0: {  	(pc) =	sbr.rel $0x88, $3  }
0x1: {  	(tag) =	ssettag $0x0;
	lr =	simm.s32 $0x1  }
0x2: {  	[smem:$0x3F8E] =	sst lr;
	_ =	strace $0xD0000000  }
0x3: {  	_ = 	snop  }
0x4: {  	_ = 	snop  }
0x5: {  	_ = 	snop  }
0x6: {  	_ = 	snop  }
0x7: {  	_ = 	snop  }
__scs_overlays_trampoline_lowered:
0x8: {  	[smem:$0x3F9D] =	sst s0  }
0x9: {  	[smem:$0x3F9E] =	sst s1  }
0xa: {  	[smem:$0x3F9F] =	sst s2  }
0xb: {  	[smem:$0x3FA0] =	sst s3  }
0xc: {  	[smem:$0x3FA1] =	sst s4  }
0xd: {  	[smem:$0x3FA2] =	sst s5  }
0xe: {  	[smem:$0x3FA3] =	sst s6  }
0xf: {  	[smem:$0x3FA4] =	sst s7  }
0x10: {  	[smem:$0x3FA5] =	sst s8  }
0x11: {  	[smem:$0x3FA6] =	sst s9;
	s0 =	simm.s32 @!p0 $0x0  }
0x12: {  	s1 =	sld [smem:$0x3F8C];
	s0 =	simm.s32 @p0 $0x1  }
0x13: {  	[smem:$0x3FA7] =	sst s0;
	s0 =	simm.s32 @!p1 $0x0  }
0x14: {  	s2 =	sld [smem:$0x3F8B];
	s0 =	simm.s32 @p1 $0x1  }
0x15: {  	[smem:$0x3FA8] =	sst s0;
	s0 =	simm.s32 @!p2 $0x0  }
0x16: {  	s3 =	sld [smem:$0x3FDB];
	s0 =	simm.s32 @p2 $0x1  }
0x17: {  	s4 =	simm.s32 $0x1BF5;
	[smem:$0x3FAA] =	sst s0  }
0x18: {  	s0 =	sld [smem:$0x3F8D];
	_ =	swait.ge [sflag:s4], $0x0  }
0x19: {  	s7 =	sld [smem:$0x3F8E]  }
0x1a: {  	s8 =	sadd.s32 $0xFFFFE003, lr  }
0x1b: {  	s9 =	sadd.s32 $0xFFFFFEF7, lr;
	s5 =	simm.s32 $0xFFFFFFFF;
	p2 =	slt.u32 s8, $0xFFFFF086  }
0x1c: {  	p1 =	slt.u32 s9, $0xF7A;
	s5 =	simm.s32 @!p2 $0x0  }
0x1d: {  	s5 =	simm.s32 @p1 $0x1;
	p0 =	seq.s32 s7, s2  }
0x1e: {  	s7 =	smul.u32 @!p0 $0xF7A, s2;
	p2 =	seq.s32 @!p0 s5, $0x0  }
0x1f: {  	s9 =	smul.u32 $0xF7A, s1;
	s8 =	simm.s32 @!p0 $0x1BF5;
	p2 =	por !p2, p0  }
0x20: {  	[sflag:s8] =	ssyncset.s32 @!p0 $0xFFFFF086;
	s6 =	sadd.s32 @!p0 s3, s7;
	s7 =	simm.s32 @!p0 $0x108  }
0x21: {  	s3 =	sadd.s32 s3, s9;
	s6 =	sadd.s32 @!p0 $0x88, s6;
	s7 =	simm.s32 @p2 $0x1082  }
0x22: {  	[simem:s7], [sflag:s8] =	dma.local @!p0 [hbm:s6], $0xF7A  }
0x23: {  	s9 =	sor.u32 $0xD0000000, s2;
	s6 =	simm.s32 $0x108;
	_ =	swait.ge @!p0 [sflag:s8], $0x0  }
0x24: {  	s3 =	sadd.s32 $0x88, s3;
	s6 =	simm.s32 @!p1 $0x1082;
	[sflag:s4] =	ssyncset.s32 $0xFFFFF086  }
0x25: {  	[simem:s6], [sflag:s4] =	dma.local [hbm:s3], $0xF7A  }
0x26: {  	[smem:$0x3F8E] =	sst s1;
	(tag) =	ssettag s2;
	_ =	strace s9  }
0x27: {  	s1 =	sld [smem:$0x3F9E]  }
0x28: {  	s2 =	sld [smem:$0x3F9F]  }
0x29: {  	s4 =	sld [smem:$0x3FA1]  }
0x2a: {  	p0 =	seq.s32 s5, $0x0;
	s5 =	sld [smem:$0x3FA2]  }
0x2b: {  	s6 =	sld [smem:$0x3FA3]  }
0x2c: {  	s7 =	sld [smem:$0x3FA4]  }
0x2d: {  	s3 =	simm.s32 $0x108;
	s8 =	sld [smem:$0x3FA5]  }
0x2e: {  	s3 =	simm.s32 @!p0 $0x1082;
	s9 =	sld [smem:$0x3FA6]  }
0x2f: {  	lr =	sadd.s32 s0, s3;
	s0 =	sld [smem:$0x3F9D]  }
0x30: {  	s3 =	sld [smem:$0x3FA0]  }
0x31: {  	[smem:$0x3FA9] =	sst s10  }
0x32: {  	s10 =	sld [smem:$0x3FA7];
	_ =	sdelay $0x3  }
0x33: {  	p0 =	seq.s32 s10, $0x1;
	s10 =	sld [smem:$0x3FA9];
	_ =	sdelay $0x3  }
0x34: {  	[smem:$0x3FA9] =	sst s10  }
0x35: {  	s10 =	sld [smem:$0x3FA8];
	_ =	sdelay $0x3  }
0x36: {  	p1 =	seq.s32 s10, $0x1;
	s10 =	sld [smem:$0x3FA9];
	_ =	sdelay $0x3  }
0x37: {  	[smem:$0x3FA9] =	sst s10  }
0x38: {  	s10 =	sld [smem:$0x3FAA]  }
0x39: {  	_ = 	snop;
	(pc) =	sbr.ind lr, $3  }
0x3a: {  	_ = 	snop  }
0x3b: {  	_ = 	snop  }
0x3c: {  	p2 =	seq.s32 s10, $0x1;
	s10 =	sld [smem:$0x3FA9]  }
0x3d: {  	_ =	shalt  }
0x3e: {  	_ =	shalt  }
0x3f: {  	_ =	shalt  }
0x40: {  	_ =	shalt  }
0x41: {  	_ =	shalt  }
0x42: {  	_ =	shalt  }
0x43: {  	_ =	shalt  }
0x44: {  	_ =	shalt  }
0x45: {  	_ =	shalt  }
0x46: {  	_ =	shalt  }
0x47: {  	_ =	shalt  }
0x48: {  	_ =	shalt  }
0x49: {  	_ =	shalt  }
0x4a: {  	_ =	shalt  }
0x4b: {  	_ =	shalt  }
0x4c: {  	_ =	shalt  }
0x4d: {  	_ =	shalt  }
0x4e: {  	_ =	shalt  }
0x4f: {  	_ =	shalt  }
0x50: {  	_ =	shalt  }
0x51: {  	_ =	shalt  }
0x52: {  	_ =	shalt  }
0x53: {  	_ =	shalt  }
0x54: {  	_ =	shalt  }
0x55: {  	_ =	shalt  }
0x56: {  	_ =	shalt  }
0x57: {  	_ =	shalt  }
0x58: {  	_ =	shalt  }
0x59: {  	_ =	shalt  }
0x5a: {  	_ =	shalt  }
0x5b: {  	_ =	shalt  }
0x5c: {  	_ =	shalt  }
0x5d: {  	_ =	shalt  }
0x5e: {  	_ =	shalt  }
0x5f: {  	_ =	shalt  }
0x60: {  	_ =	shalt  }
0x61: {  	_ =	shalt  }
0x62: {  	_ =	shalt  }
0x63: {  	_ =	shalt  }
0x64: {  	_ =	shalt  }
0x65: {  	_ =	shalt  }
0x66: {  	_ =	shalt  }
0x67: {  	_ =	shalt  }
0x68: {  	_ =	shalt  }
0x69: {  	_ =	shalt  }
0x6a: {  	_ =	shalt  }
0x6b: {  	_ =	shalt  }
0x6c: {  	_ =	shalt  }
0x6d: {  	_ =	shalt  }
0x6e: {  	_ =	shalt  }
0x6f: {  	_ =	shalt  }
0x70: {  	_ =	shalt  }
0x71: {  	_ =	shalt  }
0x72: {  	_ =	shalt  }
0x73: {  	_ =	shalt  }
0x74: {  	_ =	shalt  }
0x75: {  	_ =	shalt  }
0x76: {  	_ =	shalt  }
0x77: {  	_ =	shalt  }
0x78: {  	_ =	shalt  }
0x79: {  	_ =	shalt  }
0x7a: {  	_ =	shalt  }
0x7b: {  	_ =	shalt  }
0x7c: {  	_ =	shalt  }
0x7d: {  	_ =	shalt  }
0x7e: {  	_ =	shalt  }
0x7f: {  	_ =	shalt  }
0x80: {  	_ =	shalt  }
0x81: {  	_ =	shalt  }
0x82: {  	_ =	shalt  }
0x83: {  	_ =	shalt  }
0x84: {  	_ =	shalt  }
0x85: {  	_ =	shalt  }
0x86: {  	_ =	shalt  }
0x87: {  	_ =	shalt  }
.Lfunc_end0:
.L_simem_size_0:
called_computation.1_lowered:
.L_overlay_start_0:
0x88: {  	s2 =	sld [smem:$0x3FD9]  }
0x89: {  	s3 =	sld [smem:$0x3FFE];
	_ =	sdelay $0x1  }
0x8a: {  	s1 =	srdreg.scid  }
0x8b: {  	s0 =	sand.u32 $0x1, s1  }
0x8c: {  	s16 =	sshll.u32 s0, $0xA;
	s2 =	sadd.s32 s3, s2  }
0x8d: {  	s2 =	sadd.s32 s2, s16  }
0x8e: {  	[smem:$0x3FB5] =	sst s2  }
0x8f: {  	_ = 	snop  }
0x90: {  	(tm) =	ssettm $0x1  }
0x91: {  	s17 =	sld [smem:$0x3FFB];
	_ =	sdelay $0x3  }
0x92: {  	_ =	strace s17  }
0x93: {  	s2 =	sld [smem:$0x3FFC];
	_ =	sdelay $0x3  }
0x94: {  	_ =	strace s2  }
0x95: {  	s2 =	sld [smem:$0x3FFD];
	_ =	sdelay $0x3  }
0x96: {  	_ =	strace s2  }
0x97: {  	_ =	strace $0x8FFFFFFF  }
0x98: {  	s18 =	sld [smem:$0x3FDB];
	_ =	sdelay $0x1  }
0x99: {  	s19 =	simm.s32 $_scs_section_size  }
0x9a: {  	s4 =	simm.s32 $_size__tile_overlayer_lowered;
	s5 =	simm.s32 $_tile_overlayer_lowered  }
0x9b: {  	s22 =	simm.s32 $0x1BFF;
	s21 =	sshll.u32 s5, $0x1;
	s2 =	sadd.s32 s19, s18  }
0x9c: {  	s6 =	simm.s32 $0x0;
	s20 =	sshll.u32 s4, $0x1;
	s4 =	sadd.s32 s21, s2  }
0x9d: {  	[timem:s6], [sflag:s22] =	dma.local [hbm:s4], s20  }
0x9e: {  	_ =	swait.ge [sflag:s22], s20  }
0x9f: {  	s3 =	ssub.s32 $0x0, s20;
	[sflag:s22] =	ssyncset.done $0x0  }
0xa0: {  	[sflag:s22] =	ssyncadd.s32 s3;
	_ =	sdelay $0x1  }
0xa1: {  	s23 =	simm.s32 $0x1B8B  }
0xa2: {  	_ =	swait.ge [sflag:s23], $0x1  }
0xa3: {  	[sflag:s23] =	ssyncset.done $0x0  }
0xa4: {  	s25 =	simm.s32 $0x1B8E;
	s24 =	sld [smem:$0x3FFE];
	[sflag:s23] =	ssyncadd.s32 $0xFFFFFFFF  }
0xa5: {  	s26 =	simm.s32 $execute0_lowered;
	[smem:$0x3FD2] =	sst s25  }
0xa6: {  	s4 =	sshll.u32 s26, $0x1;
	_ =	strace $0x80000049;
	[dreg:$0x1] =	wrdreg $0xFFFFFFFF  }
0xa7: {  	s28 =	simm.s32 $_size_execute0_lowered;
	s2 =	sadd.s32 s2, s4;
	[dreg:$0x0] =	wrdreg $0x0  }
0xa8: {  	s4 =	sshll.u32 s28, $0x1;
	[dreg:$0x2] =	wrdreg s2  }
0xa9: {  	[dreg:$0x3] =	wrdreg s4  }
0xaa: {  	[dreg:$0x4] =	wrdreg $0xC0  }
0xab: {  	_ =	task [dreg:s6], $0x5FFFF  }
0xac: {  	[dreg:$0x1] =	wrdreg $0xFFFFFFFF  }
0xad: {  	[dreg:$0x0] =	wrdreg $0x60  }
0xae: {  	[dreg:$0x2] =	wrdreg s24  }
0xaf: {  	[dreg:$0x3] =	wrdreg $0x65200  }
0xb0: {  	[dreg:$0x4] =	wrdreg $0x9  }
0xb1: {  	_ =	task.clear_ibuf [dreg:s6], $0x5FFFF;
	_ =	strace $0x90000049  }
0xb2: {  	s29 =	simm.s32 $0x9;
	_ =	strace $0x8000004B  }
0xb3: {  	_ =	swait.ge [sflag:s29], $0x1  }
0xb4: {  	[sflag:s29] =	ssyncadd.s32 $0xFFFFFFFF  }
0xb5: {  	_ =	strace $0x9000004B  }
0xb6: {  	_ =	sfence  }
0xb7: {  	s30 =	sld [smem:$0x0];
	_ =	sdelay $0x2  }
0xb8: {  	s31 =	sshll.u32 s1, $0xD;
	s1 =	sshrl.u32 s1, $0x2  }
0xb9: {  	s3 =	sand.u32 $0x4000, s31;
	s1 =	sadd.s32 s1, s30  }
0xba: {  	s0 =	sor.u32 s3, s0;
	s1 =	sshll.u32 s1, $0x11  }
0xbb: {  	s0 =	sor.u32 s1, s0  }
0xbc: {  	s0 =	sadd.s32 $0x8F2B, s0  }
0xbd: {  	[sflag:s0] =	ssyncadd.remote.s32 $0x1  }
0xbe: {  	_ =	sfence.sel $0xFFFF  }
0xbf: {  	[dreg:$0x0] =	wrdreg $0xFFFFFFFF;
	(pc) =	sbr.abs _section_cstart, $3  }
0xc0: {  	[dreg:$0x1] =	wrdreg $0xFFFFFFFF  }
0xc1: {  	_ =	task.clear_ibuf [dreg:s6], $0x2FFFF;
	_ =	strace $0x9FFFFFFF  }
0xc2: {  	(tm) =	ssettm $0x7FFFFFFF  }
0xc3: {  	_ =	shalt  }
tec
execute0_lowered:
.L_overlay_start_1:
0x0: {  	(tag) =	ssettag $0x1  }
0x1: {  	s0 =	srdreg.scid;
	s1 =	rddreg [dreg:$0x0]  }
0x2: {  	s2 =	rddreg [dreg:$0x1];
	s8 =	stileid.u32  }
0x3: {  	s3 =	simm.s32 $0x0;
	s28 =	simm.s32 $0x2710;
	s29 =	simm.s32 $0x6220  }
0x4: {  	s30 =	simm.s32 $0x9;
	s31 =	simm.s32 $0x1;
	s12 =	simm.s32 $0x4E20  }
0x5: {  	s0 =	sand.u32 $0x1, s0;
	[smem:$0x7FF] =	sst s3;
	s15 =	smul.u32 $0x4E00, s8  }
0x6: {  	s10 =	sadd.s32 $0xD800, s1;
	s11 =	sadd.s32 $0x8800, s1;
	s17 =	smul.u32 $0x9C00, s8  }
0x7: {  	s9 =	sadd.s32 $0x27000, s2;
	p1 =	sne.s32 s8, $0xF;
	p2 =	seq.s32 s8, $0xF  }
0x8: {  	s4 =	sshll.u32 s0, $0x4;
	_ =	strace $0x8000004A;
	[dreg:$0x3] =	wrdreg s10  }
0x9: {  	s6 =	ssub.s32 $0x2, s0;
	p0 =	seq.s32 s0, $0x1;
	[dreg:$0x4] =	wrdreg s11  }
0xa: {  	s4 =	sor.u32 s8, s4;
	s7 =	sshrl.u32 s6, $0x1;
	s18 =	sshrl.u32 s15, $0x4  }
0xb: {  	s8 =	simm.s32 $0x3;
	s5 =	smul.u32 $0x2710, s4;
	s4 =	sadd.s32 $0x3800, s1  }
0xc: {  	s14 =	ssub.s32 s6, s7;
	s19 =	sadd.s32 s10, s18;
	s6 =	sshrl.u32 s15, $0x1  }
0xd: {  	s0 =	sadd.s32 s11, s18;
	s10 =	simm.s32 $0x50;
	s7 =	simm.s32 $0x5  }
0xe: {  	s11 =	simm.s32 $0x6;
	[dreg:$0x7] =	wrdreg s19;
	s5 =	sshrl.u32 s5, $0x3  }
0xf: {  	s6 =	sadd.s32 s6, s2;
	[dreg:$0x9] =	wrdreg s0;
	s5 =	sadd.s32 s5, s1  }
0x10: {  	[dreg:$0x8] =	wrdreg s6;
	s16 =	sadd.s32 $0x17200, s5;
	s5 =	sadd.s32 $0x20E40, s5  }
0x11: {  	s20 =	smax.u32 s14, $0x1;
	[dreg:$0x6] =	wrdreg s5;
	s5 =	sshrl.u32 s17, $0x2  }
0x12: {  	s15 =	simm.s32 $0x7;
	[dreg:$0xa] =	wrdreg s20;
	s13 =	sadd.s32 s5, s2  }
0x13: {  	s0 =	simm.s32 $0x2;
	[dreg:$0x5] =	wrdreg s16;
	s21 =	sadd.s32 $0x300, s13  }
0x14: {  	s14 =	simm.s32 $0x4;
	s22 =	sadd.s32 $0x600, s13;
	[dreg:$0xb] =	wrdreg s21  }
0x15: {  	s6 =	simm.s32 $0x5820;
	s23 =	sadd.s32 $0x900, s13;
	[dreg:$0xc] =	wrdreg s22  }
0x16: {  	s1 =	simm.s32 $0x5D20;
	s24 =	sadd.s32 $0xC00, s13;
	[dreg:$0xd] =	wrdreg s23  }
.Ltmp0:
0x17: {  	s25 =	sadd.s32 $0xF00, s13;
	[dreg:$0xe] =	wrdreg s24;
	(pc) =	sbr.rel .LBB2_1-.Ltmp0, $4  }
0x18: {  	s16 =	simm.s32 $0x8;
	s26 =	sadd.s32 $0x1200, s13;
	[dreg:$0xf] =	wrdreg s25  }
0x19: {  	s17 =	simm.s32 $0x0;
	s5 =	simm.s32 $0x5320;
	[dreg:$0x10] =	wrdreg s26  }
0x1a: {  	s21 =	sadd.s32 $0x1500, s13;
	s22 =	sadd.s32 $0x1800, s13;
	s23 =	sadd.s32 $0x1B00, s13  }
0x1b: {  	v0 =	vimm.bf16 $0.0e+00;
	s24 =	sadd.s32 $0x1E00, s13;
	s25 =	sadd.s32 $0x2100, s13;
	s26 =	sadd.s32 $0x2400, s13  }
.LBB2_6:
0x1c: {  	s19 =	sadd.s32 $0x4E00, s19;
	s20 =	sshrl.u32 s9, $0x3  }
0x1d: {  	[hbm:s19], [sflag:s18] =	dma.local [spmem:s20], $0x20  }
0x1e: {  	_ =	swait.ge [sflag:s30], $0x20  }
0x1f: {  	[sflag:s30] =	ssyncset.done $0x0  }
0x20: {  	[sflag:s30] =	ssyncadd.s32 $0xFFFFFFE0  }
.LBB2_7:
0x21: {  	s17 =	sadd.s32 $0x1, s17;
	s18 =	rddreg [dreg:$0xa]  }
0x22: {  	p3 =	sne.s32 s17, s18  }
.Ltmp1:
0x23: {  	_ = 	snop;
	(pc) =	sbr.rel @!p3 .LBB2_8-.Ltmp1, $1  }
0x24: {  	_ =	sdelay $0x3  }
.LBB2_1:
0x25: {  	s18 =	rddreg [dreg:$0x5]  }
0x26: {  	[tilespmem:s3], [sflag:$0x1] =	stream.linear.gather [hbm4b:s18+s3], $0x2710, $0x38;
	[tilespmem:$0x8C30] =	vst v63  }
0x27: {  	s19 =	rddreg [dreg:$0x6]  }
0x28: {  	[tilespmem:s28], [sflag:$0x2] =	stream.linear.gather [hbm4b:s19+s3], $0x2710, $0x38;
	[tilespmem:$0x8C30] =	vst v63  }
0x29: {  	[tilespmem:$0x6220] =	vst v0  }
0x2a: {  	[tilespmem:$0x6230] =	vst v0  }
0x2b: {  	[tilespmem:$0x6240] =	vst v0  }
0x2c: {  	[tilespmem:$0x6250] =	vst v0  }
0x2d: {  	[tilespmem:$0x6260] =	vst v0  }
0x2e: {  	[tilespmem:$0x6270] =	vst v0  }
0x2f: {  	[tilespmem:$0x6280] =	vst v0  }
0x30: {  	[tilespmem:$0x6290] =	vst v0  }
0x31: {  	[tilespmem:$0x62A0] =	vst v0  }
0x32: {  	[tilespmem:$0x62B0] =	vst v0  }
0x33: {  	[tilespmem:$0x62C0] =	vst v0  }
0x34: {  	[tilespmem:$0x62D0] =	vst v0  }
0x35: {  	[tilespmem:$0x62E0] =	vst v0  }
0x36: {  	[tilespmem:$0x62F0] =	vst v0  }
0x37: {  	[tilespmem:$0x6300] =	vst v0  }
0x38: {  	[tilespmem:$0x6310] =	vst v0  }
0x39: {  	[tilespmem:$0x6320] =	vst v0  }
0x3a: {  	[tilespmem:$0x6330] =	vst v0  }
0x3b: {  	[tilespmem:$0x6340] =	vst v0  }
0x3c: {  	[tilespmem:$0x6350] =	vst v0  }
0x3d: {  	[tilespmem:$0x6360] =	vst v0  }
0x3e: {  	[tilespmem:$0x6370] =	vst v0  }
0x3f: {  	[tilespmem:$0x6380] =	vst v0  }
0x40: {  	[tilespmem:$0x6390] =	vst v0  }
0x41: {  	[tilespmem:$0x63A0] =	vst v0  }
0x42: {  	[tilespmem:$0x63B0] =	vst v0  }
0x43: {  	[tilespmem:$0x63C0] =	vst v0  }
0x44: {  	[tilespmem:$0x63D0] =	vst v0  }
0x45: {  	[tilespmem:$0x63E0] =	vst v0  }
0x46: {  	[tilespmem:$0x63F0] =	vst v0  }
0x47: {  	[tilespmem:$0x6400] =	vst v0  }
0x48: {  	[tilespmem:$0x6410] =	vst v0  }
0x49: {  	[tilespmem:$0x6420] =	vst v0  }
0x4a: {  	[tilespmem:$0x6430] =	vst v0  }
0x4b: {  	[tilespmem:$0x6440] =	vst v0  }
0x4c: {  	[tilespmem:$0x6450] =	vst v0  }
0x4d: {  	[tilespmem:$0x6460] =	vst v0  }
0x4e: {  	[tilespmem:$0x6470] =	vst v0  }
0x4f: {  	[tilespmem:$0x6480] =	vst v0  }
0x50: {  	[tilespmem:$0x6490] =	vst v0  }
0x51: {  	[tilespmem:$0x64A0] =	vst v0  }
0x52: {  	[tilespmem:$0x64B0] =	vst v0  }
0x53: {  	[tilespmem:$0x64C0] =	vst v0  }
0x54: {  	[tilespmem:$0x64D0] =	vst v0  }
0x55: {  	[tilespmem:$0x64E0] =	vst v0  }
0x56: {  	[tilespmem:$0x64F0] =	vst v0  }
0x57: {  	[tilespmem:$0x6500] =	vst v0  }
0x58: {  	[tilespmem:$0x6510] =	vst v0  }
0x59: {  	[spmem:s13] =	stream.linear.scatter [tilespmem:s29], [sflag:$0x9], $0x300, $0x38;
	[tilespmem:$0x8C30] =	vst v63  }
0x5a: {  	_ =	swait.ge [sflag:s30], $0x300  }
0x5b: {  	[sflag:s30] =	ssyncset.done $0x0  }
0x5c: {  	s20 =	rddreg [dreg:$0xb];
	[sflag:s30] =	ssyncadd.s32 $0xFFFFFD00  }
0x5d: {  	[spmem:s20] =	stream.linear.scatter [tilespmem:s29], [sflag:$0x9], $0x300, $0x38;
	[tilespmem:$0x8C30] =	vst v63  }
0x5e: {  	_ =	swait.ge [sflag:s30], $0x300  }
0x5f: {  	[sflag:s30] =	ssyncset.done $0x0  }
0x60: {  	s19 =	rddreg [dreg:$0xc];
	[sflag:s30] =	ssyncadd.s32 $0xFFFFFD00  }
0x61: {  	[spmem:s19] =	stream.linear.scatter [tilespmem:s29], [sflag:$0x9], $0x300, $0x38;
	[tilespmem:$0x8C30] =	vst v63  }
0x62: {  	_ =	swait.ge [sflag:s30], $0x300  }
0x63: {  	[sflag:s30] =	ssyncset.done $0x0  }
0x64: {  	s20 =	rddreg [dreg:$0xd];
	[sflag:s30] =	ssyncadd.s32 $0xFFFFFD00  }
0x65: {  	[spmem:s20] =	stream.linear.scatter [tilespmem:s29], [sflag:$0x9], $0x300, $0x38;
	[tilespmem:$0x8C30] =	vst v63  }
0x66: {  	_ =	swait.ge [sflag:s30], $0x300  }
0x67: {  	[sflag:s30] =	ssyncset.done $0x0  }
0x68: {  	s19 =	rddreg [dreg:$0xe];
	[sflag:s30] =	ssyncadd.s32 $0xFFFFFD00  }
0x69: {  	[spmem:s19] =	stream.linear.scatter [tilespmem:s29], [sflag:$0x9], $0x300, $0x38;
	[tilespmem:$0x8C30] =	vst v63  }
0x6a: {  	_ =	swait.ge [sflag:s30], $0x300  }
0x6b: {  	[sflag:s30] =	ssyncset.done $0x0  }
0x6c: {  	s20 =	rddreg [dreg:$0xf];
	[sflag:s30] =	ssyncadd.s32 $0xFFFFFD00  }
0x6d: {  	[spmem:s20] =	stream.linear.scatter [tilespmem:s29], [sflag:$0x9], $0x300, $0x38;
	[tilespmem:$0x8C30] =	vst v63  }
0x6e: {  	_ =	swait.ge [sflag:s30], $0x300  }
0x6f: {  	[sflag:s30] =	ssyncset.done $0x0  }
0x70: {  	s19 =	rddreg [dreg:$0x10];
	[sflag:s30] =	ssyncadd.s32 $0xFFFFFD00  }
0x71: {  	[spmem:s19] =	stream.linear.scatter [tilespmem:s29], [sflag:$0x9], $0x300, $0x38;
	[tilespmem:$0x8C30] =	vst v63  }
0x72: {  	_ =	swait.ge [sflag:s30], $0x300  }
0x73: {  	[sflag:s30] =	ssyncset.done $0x0  }
0x74: {  	[sflag:s30] =	ssyncadd.s32 $0xFFFFFD00  }
0x75: {  	[spmem:s21] =	stream.linear.scatter [tilespmem:s29], [sflag:$0x9], $0x300, $0x38;
	[tilespmem:$0x8C30] =	vst v63  }
0x76: {  	_ =	swait.ge [sflag:s30], $0x300  }
0x77: {  	[sflag:s30] =	ssyncset.done $0x0  }
0x78: {  	[sflag:s30] =	ssyncadd.s32 $0xFFFFFD00  }
0x79: {  	[spmem:s22] =	stream.linear.scatter [tilespmem:s29], [sflag:$0x9], $0x300, $0x38;
	[tilespmem:$0x8C30] =	vst v63  }
0x7a: {  	_ =	swait.ge [sflag:s30], $0x300  }
0x7b: {  	[sflag:s30] =	ssyncset.done $0x0  }
0x7c: {  	[sflag:s30] =	ssyncadd.s32 $0xFFFFFD00  }
0x7d: {  	[spmem:s23] =	stream.linear.scatter [tilespmem:s29], [sflag:$0x9], $0x300, $0x38;
	[tilespmem:$0x8C30] =	vst v63  }
0x7e: {  	_ =	swait.ge [sflag:s30], $0x300  }
0x7f: {  	[sflag:s30] =	ssyncset.done $0x0  }
0x80: {  	[sflag:s30] =	ssyncadd.s32 $0xFFFFFD00  }
0x81: {  	[spmem:s24] =	stream.linear.scatter [tilespmem:s29], [sflag:$0x9], $0x300, $0x38;
	[tilespmem:$0x8C30] =	vst v63  }
0x82: {  	_ =	swait.ge [sflag:s30], $0x300  }
0x83: {  	[sflag:s30] =	ssyncset.done $0x0  }
0x84: {  	[sflag:s30] =	ssyncadd.s32 $0xFFFFFD00  }
0x85: {  	[spmem:s25] =	stream.linear.scatter [tilespmem:s29], [sflag:$0x9], $0x300, $0x38;
	[tilespmem:$0x8C30] =	vst v63  }
0x86: {  	_ =	swait.ge [sflag:s30], $0x300  }
0x87: {  	[sflag:s30] =	ssyncset.done $0x0  }
0x88: {  	[sflag:s30] =	ssyncadd.s32 $0xFFFFFD00  }
0x89: {  	[spmem:s26] =	stream.linear.scatter [tilespmem:s29], [sflag:$0x9], $0x300, $0x38;
	[tilespmem:$0x8C30] =	vst v63  }
0x8a: {  	_ =	swait.ge [sflag:s30], $0x300  }
0x8b: {  	[sflag:s30] =	ssyncset.done $0x0  }
0x8c: {  	s18 =	simm.s32 @!p1 $0x6220;
	[sflag:s30] =	ssyncadd.s32 $0xFFFFFD00  }
0x8d: {  	[spmem:s9] =	stream.linear.scatter @!p1 [tilespmem:s18], [sflag:$0x9], $0x100, $0x38;
	[tilespmem:$0x8C30] =	vst v63  }
0x8e: {  	s18 =	simm.s32 @!p1 $0x9  }
0x8f: {  	_ =	swait.ge @!p1 [sflag:s18], $0x100  }
0x90: {  	[sflag:s18] =	ssyncset.done @!p1 $0x0  }
0x91: {  	[sflag:s18] =	ssyncadd.s32 @!p1 $0xFFFFFF00  }
0x92: {  	_ =	swait.ge [sflag:s31], $0x2710  }
0x93: {  	[sflag:s31] =	ssyncset.done $0x0  }
0x94: {  	[sflag:s31] =	ssyncadd.s32 $0xFFFFD8F0  }
0x95: {  	_ =	swait.ge [sflag:s0], $0x2710  }
0x96: {  	[sflag:s0] =	ssyncset.done $0x0  }
0x97: {  	[sflag:s0] =	ssyncadd.s32 $0xFFFFD8F0  }
0x98: {  	[bflag:$0x0] =	sbarrier.arrive $0xFFFF  }
0x99: {  	[tilespmem:s12], [sflag:$0x1] =	stream.indirect.gather [hbm4b:s4+s10], $0x10, s3, s10, $0xb8;
	[tilespmem:$0x8C30] =	vst v63  }
0x9a: {  	_ = 	snop  }
0x9b: {  	[tilespmem:s5], [sflag:$0x2] =	stream.indirect.gather [hbm4b:s4+s10], $0x10, s10, s10, $0xb8;
	[tilespmem:$0x8C30] =	vst v63  }
0x9c: {  	s20 =	simm.s32 $0xA0  }
0x9d: {  	[tilespmem:s6], [sflag:$0x3] =	stream.indirect.gather [hbm4b:s4+s10], $0x10, s20, s10, $0xb8;
	[tilespmem:$0x8C30] =	vst v63  }
0x9e: {  	_ =	swait.ge [sflag:s31], $0x500  }
0x9f: {  	[sflag:s31] =	ssyncset.done $0x0  }
0xa0: {  	[sflag:s31] =	ssyncadd.s32 $0xFFFFFB00  }
0xa1: {  	[spmem:s2] =	stream.indirect.scatter.add.bf16 [tilespmem:s12], [sflag:$0x5], $0x10, s28, s10, $0xb8;
	[tilespmem:$0x8C30] =	vst v63  }
0xa2: {  	s19 =	simm.s32 $0xF0  }
0xa3: {  	[tilespmem:s1], [sflag:$0x4] =	stream.indirect.gather [hbm4b:s4+s10], $0x10, s19, s10, $0xb8;
	[tilespmem:$0x8C30] =	vst v63  }
0xa4: {  	_ =	swait.ge [sflag:s0], $0x500  }
0xa5: {  	[sflag:s0] =	ssyncset.done $0x0  }
0xa6: {  	s20 =	simm.s32 $0x2760;
	[sflag:s0] =	ssyncadd.s32 $0xFFFFFB00  }
0xa7: {  	[spmem:s2] =	stream.indirect.scatter.add.bf16 [tilespmem:s5], [sflag:$0x6], $0x10, s20, s10, $0xb8;
	[tilespmem:$0x8C30] =	vst v63  }
0xa8: {  	_ =	swait.ge [sflag:s7], $0x500  }
0xa9: {  	[sflag:s7] =	ssyncset.done $0x0  }
0xaa: {  	s19 =	simm.s32 $0x140;
	[sflag:s7] =	ssyncadd.s32 $0xFFFFFB00  }
0xab: {  	[tilespmem:s12], [sflag:$0x1] =	stream.indirect.gather [hbm4b:s4+s10], $0x10, s19, s10, $0xb8;
	[tilespmem:$0x8C30] =	vst v63  }
0xac: {  	_ =	swait.ge [sflag:s8], $0x500  }
0xad: {  	[sflag:s8] =	ssyncset.done $0x0  }
0xae: {  	s20 =	simm.s32 $0x27B0;
	[sflag:s8] =	ssyncadd.s32 $0xFFFFFB00  }
0xaf: {  	[spmem:s2] =	stream.indirect.scatter.add.bf16 [tilespmem:s6], [sflag:$0x7], $0x10, s20, s10, $0xb8;
	[tilespmem:$0x8C30] =	vst v63  }
0xb0: {  	_ =	swait.ge [sflag:s11], $0x500  }
0xb1: {  	[sflag:s11] =	ssyncset.done $0x0  }
0xb2: {  	s19 =	simm.s32 $0x190;
	[sflag:s11] =	ssyncadd.s32 $0xFFFFFB00  }
0xb3: {  	[tilespmem:s5], [sflag:$0x2] =	stream.indirect.gather [hbm4b:s4+s10], $0x10, s19, s10, $0xb8;
	[tilespmem:$0x8C30] =	vst v63  }
0xb4: {  	_ =	swait.ge [sflag:s14], $0x500  }
0xb5: {  	[sflag:s14] =	ssyncset.done $0x0  }
0xb6: {  	s20 =	simm.s32 $0x2800;
	[sflag:s14] =	ssyncadd.s32 $0xFFFFFB00  }
0xb7: {  	[spmem:s2] =	stream.indirect.scatter.add.bf16 [tilespmem:s1], [sflag:$0x8], $0x10, s20, s10, $0xb8;
	[tilespmem:$0x8C30] =	vst v63  }
0xb8: {  	_ =	swait.ge [sflag:s15], $0x500  }
0xb9: {  	[sflag:s15] =	ssyncset.done $0x0  }
0xba: {  	s19 =	simm.s32 $0x1E0;
	[sflag:s15] =	ssyncadd.s32 $0xFFFFFB00  }
0xbb: {  	[tilespmem:s6], [sflag:$0x3] =	stream.indirect.gather [hbm4b:s4+s10], $0x10, s19, s10, $0xb8;
	[tilespmem:$0x8C30] =	vst v63  }
0xbc: {  	_ =	swait.ge [sflag:s31], $0x500  }
0xbd: {  	[sflag:s31] =	ssyncset.done $0x0  }
0xbe: {  	s20 =	simm.s32 $0x2850;
	[sflag:s31] =	ssyncadd.s32 $0xFFFFFB00  }
0xbf: {  	[spmem:s2] =	stream.indirect.scatter.add.bf16 [tilespmem:s12], [sflag:$0x5], $0x10, s20, s10, $0xb8;
	[tilespmem:$0x8C30] =	vst v63  }
0xc0: {  	_ =	swait.ge [sflag:s16], $0x500  }
0xc1: {  	[sflag:s16] =	ssyncset.done $0x0  }
0xc2: {  	s18 =	simm.s32 $0x500;
	s19 =	simm.s32 $0x230;
	[sflag:s16] =	ssyncadd.s32 $0xFFFFFB00  }
.LBB2_2:
0xc3: {  	[tilespmem:s1], [sflag:$0x4] =	stream.indirect.gather [hbm4b:s4+s10], $0x10, s19, s10, $0xb8;
	[tilespmem:$0x8C30] =	vst v63  }
0xc4: {  	s19 =	smov.u32 s18  }
0xc5: {  	p3 =	sne.s32 s18, $0x9100;
	s18 =	sadd.s32 $0x500, s18;
	_ =	swait.ge [sflag:s0], $0x500  }
0xc6: {  	s19 =	sshra.s32 s19, $0x2;
	[sflag:s0] =	ssyncset.done $0x0  }
0xc7: {  	s20 =	sadd.s32 $0x2760, s19;
	[sflag:s0] =	ssyncadd.s32 $0xFFFFFB00  }
0xc8: {  	[spmem:s2] =	stream.indirect.scatter.add.bf16 [tilespmem:s5], [sflag:$0x6], $0x10, s20, s10, $0xb8;
	[tilespmem:$0x8C30] =	vst v63  }
0xc9: {  	_ =	swait.ge [sflag:s7], $0x500  }
0xca: {  	[sflag:s7] =	ssyncset.done $0x0  }
0xcb: {  	s20 =	sadd.s32 $0x140, s19;
	[sflag:s7] =	ssyncadd.s32 $0xFFFFFB00  }
0xcc: {  	[tilespmem:s12], [sflag:$0x1] =	stream.indirect.gather [hbm4b:s4+s10], $0x10, s20, s10, $0xb8;
	[tilespmem:$0x8C30] =	vst v63  }
0xcd: {  	_ =	swait.ge [sflag:s8], $0x500  }
0xce: {  	[sflag:s8] =	ssyncset.done $0x0  }
0xcf: {  	s20 =	sadd.s32 $0x27B0, s19;
	[sflag:s8] =	ssyncadd.s32 $0xFFFFFB00  }
0xd0: {  	[spmem:s2] =	stream.indirect.scatter.add.bf16 [tilespmem:s6], [sflag:$0x7], $0x10, s20, s10, $0xb8;
	[tilespmem:$0x8C30] =	vst v63  }
0xd1: {  	_ =	swait.ge [sflag:s11], $0x500  }
0xd2: {  	[sflag:s11] =	ssyncset.done $0x0  }
0xd3: {  	s20 =	sadd.s32 $0x190, s19;
	[sflag:s11] =	ssyncadd.s32 $0xFFFFFB00  }
0xd4: {  	[tilespmem:s5], [sflag:$0x2] =	stream.indirect.gather [hbm4b:s4+s10], $0x10, s20, s10, $0xb8;
	[tilespmem:$0x8C30] =	vst v63  }
0xd5: {  	_ =	swait.ge [sflag:s14], $0x500  }
0xd6: {  	[sflag:s14] =	ssyncset.done $0x0  }
0xd7: {  	s20 =	sadd.s32 $0x2800, s19;
	[sflag:s14] =	ssyncadd.s32 $0xFFFFFB00  }
0xd8: {  	[spmem:s2] =	stream.indirect.scatter.add.bf16 [tilespmem:s1], [sflag:$0x8], $0x10, s20, s10, $0xb8;
	[tilespmem:$0x8C30] =	vst v63  }
0xd9: {  	_ =	swait.ge [sflag:s15], $0x500  }
0xda: {  	[sflag:s15] =	ssyncset.done $0x0  }
0xdb: {  	s20 =	sadd.s32 $0x1E0, s19;
	[sflag:s15] =	ssyncadd.s32 $0xFFFFFB00  }
0xdc: {  	[tilespmem:s6], [sflag:$0x3] =	stream.indirect.gather [hbm4b:s4+s10], $0x10, s20, s10, $0xb8;
	[tilespmem:$0x8C30] =	vst v63  }
0xdd: {  	_ =	swait.ge [sflag:s31], $0x500  }
0xde: {  	[sflag:s31] =	ssyncset.done $0x0  }
.Ltmp2:
0xdf: {  	s20 =	sadd.s32 $0x2850, s19;
	[sflag:s31] =	ssyncadd.s32 $0xFFFFFB00;
	(pc) =	sbr.rel @p3 .LBB2_2-.Ltmp2, $4  }
0xe0: {  	[spmem:s2] =	stream.indirect.scatter.add.bf16 [tilespmem:s12], [sflag:$0x5], $0x10, s20, s10, $0xb8;
	[tilespmem:$0x8C30] =	vst v63  }
0xe1: {  	_ =	swait.ge [sflag:s16], $0x500  }
0xe2: {  	[sflag:s16] =	ssyncset.done $0x0  }
0xe3: {  	s19 =	sadd.s32 $0x230, s19;
	[sflag:s16] =	ssyncadd.s32 $0xFFFFFB00  }
0xe4: {  	[tilespmem:s1], [sflag:$0x4] =	stream.indirect.gather [hbm4b:s4+s10], $0x10, s19, s10, $0xb8;
	[tilespmem:$0x8C30] =	vst v63  }
0xe5: {  	_ =	swait.ge [sflag:s0], $0x500  }
0xe6: {  	[sflag:s0] =	ssyncset.done $0x0  }
0xe7: {  	s18 =	simm.s32 $0x4CE0;
	[sflag:s0] =	ssyncadd.s32 $0xFFFFFB00  }
0xe8: {  	[spmem:s2] =	stream.indirect.scatter.add.bf16 [tilespmem:s5], [sflag:$0x6], $0x10, s18, s10, $0xb8;
	[tilespmem:$0x8C30] =	vst v63  }
0xe9: {  	_ =	swait.ge [sflag:s7], $0x500  }
0xea: {  	[sflag:s7] =	ssyncset.done $0x0  }
0xeb: {  	s20 =	simm.s32 $0x26C0;
	[sflag:s7] =	ssyncadd.s32 $0xFFFFFB00  }
0xec: {  	[tilespmem:s12], [sflag:$0x1] =	stream.indirect.gather [hbm4b:s4+s10], $0x10, s20, s10, $0xb8;
	[tilespmem:$0x8C30] =	vst v63  }
0xed: {  	_ =	swait.ge [sflag:s8], $0x500  }
0xee: {  	[sflag:s8] =	ssyncset.done $0x0  }
0xef: {  	s19 =	simm.s32 $0x4D30;
	[sflag:s8] =	ssyncadd.s32 $0xFFFFFB00  }
0xf0: {  	[spmem:s2] =	stream.indirect.scatter.add.bf16 [tilespmem:s6], [sflag:$0x7], $0x10, s19, s10, $0xb8;
	[tilespmem:$0x8C30] =	vst v63  }
0xf1: {  	_ =	swait.ge [sflag:s14], $0x500  }
0xf2: {  	[sflag:s14] =	ssyncset.done $0x0  }
0xf3: {  	s20 =	simm.s32 $0x4D80;
	[sflag:s14] =	ssyncadd.s32 $0xFFFFFB00  }
0xf4: {  	[spmem:s2] =	stream.indirect.scatter.add.bf16 [tilespmem:s1], [sflag:$0x8], $0x10, s20, s10, $0xb8;
	[tilespmem:$0x8C30] =	vst v63  }
0xf5: {  	_ =	swait.ge [sflag:s31], $0x500  }
0xf6: {  	[sflag:s31] =	ssyncset.done $0x0  }
0xf7: {  	s19 =	simm.s32 $0x4DD0;
	[sflag:s31] =	ssyncadd.s32 $0xFFFFFB00  }
0xf8: {  	[spmem:s2] =	stream.indirect.scatter.add.bf16 [tilespmem:s12], [sflag:$0x5], $0x10, s19, s10, $0xb8;
	[tilespmem:$0x8C30] =	vst v63  }
0xf9: {  	_ =	swait.ge [sflag:s11], $0x500  }
0xfa: {  	[sflag:s11] =	ssyncset.done $0x0  }
0xfb: {  	[sflag:s11] =	ssyncadd.s32 $0xFFFFFB00  }
0xfc: {  	_ =	swait.ge [sflag:s15], $0x500  }
0xfd: {  	[sflag:s15] =	ssyncset.done $0x0  }
0xfe: {  	[sflag:s15] =	ssyncadd.s32 $0xFFFFFB00  }
0xff: {  	_ =	swait.ge [sflag:s16], $0x500  }
0x100: {  	[sflag:s16] =	ssyncset.done $0x0  }
0x101: {  	[sflag:s16] =	ssyncadd.s32 $0xFFFFFB00  }
0x102: {  	_ =	swait.ge [sflag:s7], $0x500  }
.Ltmp3:
0x103: {  	[sflag:s7] =	ssyncset.done $0x0;
	(pc) =	sbr.rel @!p0 .LBB2_4-.Ltmp3, $4  }
0x104: {  	[sflag:s7] =	ssyncadd.s32 $0xFFFFFB00  }
0x105: {  	s20 =	stileid.u32;
	[bflag:$0x0] =	sbarrier.arrive $0xFFFF  }
0x106: {  	s20 =	sshll.u32 s20, $0x6;
	s19 =	rddreg [dreg:$0x8]  }
0x107: {  	s18 =	sor.u32 $0x1C09, s20;
	s19 =	sshrl.u32 s19, $0x3  }
0x108: {  	s18 =	sor.u32 $0x1C09, s20;
	s20 =	rddreg [dreg:$0x9]  }
0x109: {  	[hbm:s20], [sflag:s18] =	dma.local [spmem:s19], $0x4E0  }
.Ltmp4:
0x10a: {  	_ = 	snop;
	(pc) =	sbr.rel @p1 .LBB2_7-.Ltmp4, $4  }
.Ltmp5:
0x10b: {  	_ = 	snop;
	(pc) =	sbr.rel @!p1 .LBB2_6-.Ltmp5, $4  }
0x10c: {  	_ =	swait.ge [sflag:s30], $0x4E0  }
0x10d: {  	[sflag:s30] =	ssyncset.done $0x0  }
0x10e: {  	s19 =	rddreg [dreg:$0x4];
	[sflag:s30] =	ssyncadd.s32 $0xFFFFFB20  }
0x10f: {  	_ = 	snop  }
.LBB2_4:
0x110: {  	s20 =	rddreg [dreg:$0x7]  }
0x111: {  	[hbm:s20], [sflag:s18] =	dma.local [spmem:s19], $0x4E0  }
.Ltmp6:
0x112: {  	_ = 	snop;
	(pc) =	sbr.rel @p2 .LBB2_6-.Ltmp6, $4  }
.Ltmp7:
0x113: {  	_ = 	snop;
	(pc) =	sbr.rel @!p2 .LBB2_7-.Ltmp7, $4  }
0x114: {  	_ =	swait.ge [sflag:s30], $0x4E0  }
0x115: {  	[sflag:s30] =	ssyncset.done $0x0  }
0x116: {  	s19 =	rddreg [dreg:$0x3];
	[sflag:s30] =	ssyncadd.s32 $0xFFFFFB20  }
0x117: {  	_ = 	snop  }
.LBB2_8:
0x118: {  	_ =	sfence.sel $0x180000  }
0x119: {  	[bflag:$0x0] =	sbarrier.arrive $0xFFFF  }
0x11a: {  	_ =	strace $0x9000004A  }
0x11b: {  	s0 =	stileid.u32;
	[bflag:$0x2] =	sbarrier.arrive $0xFFFF  }
0x11c: {  	p0 =	sne.s32 s0, $0x0;
	s0 =	rddreg [dreg:$0x2]  }
0x11d: {  	s0 =	sadd.s32 @!p0 $0x100000, s0  }
0x11e: {  	[sflag:s0] =	ssyncadd.tile.s32 @!p0 $0x1;
	_ =	shalt  }
.Lfunc_end2:
_tile_overlayer_lowered:
.L_overlay_start_2:
0x11f: {  	(tag) =	ssettag $0x2  }
0x120: {  	s0 =	rddreg [dreg:$0x0];
	s2 =	stileid.u32  }
0x121: {  	s1 =	rddreg [dreg:$0x1];
	p0 =	sne.s32 s2, $0x0  }
0x122: {  	s3 =	rddreg [dreg:$0x2];
	[bflag:$0x3] =	sbarrier.arrive $0xFFFF;
	s2 =	simm.s32 @!p0 $0x1C09  }
0x123: {  	[timem:s3], [sflag:s2] =	dma.local @!p0 [hbm:s0], s1  }
0x124: {  	s0 =	simm.s32 @!p0 $0x9  }
0x125: {  	_ =	swait.ge @!p0 [sflag:s0], s1  }
0x126: {  	s1 =	ssub.s32 @!p0 $0x0, s1;
	[sflag:s0] =	ssyncset.done @!p0 $0x0  }
0x127: {  	[sflag:s0] =	ssyncadd.s32 @!p0 s1  }
0x128: {  	[bflag:$0x3] =	sbarrier.arrive $0xFFFF  }
0x129: {  	_ =	shalt  }

// kernel: kernel.7.cloned.1.call-start
scs
__scs_entry_jumppad:
0x0: {  	(pc) =	sbr.rel $0x88, $3  }
0x1: {  	(tag) =	ssettag $0x0;
	lr =	simm.s32 $0x1  }
0x2: {  	[smem:$0x3F8E] =	sst lr;
	_ =	strace $0xD0000000  }
0x3: {  	_ = 	snop  }
0x4: {  	_ = 	snop  }
0x5: {  	_ = 	snop  }
0x6: {  	_ = 	snop  }
0x7: {  	_ = 	snop  }
__scs_overlays_trampoline_lowered:
0x8: {  	[smem:$0x3F9D] =	sst s0  }
0x9: {  	[smem:$0x3F9E] =	sst s1  }
0xa: {  	[smem:$0x3F9F] =	sst s2  }
0xb: {  	[smem:$0x3FA0] =	sst s3  }
0xc: {  	[smem:$0x3FA1] =	sst s4  }
0xd: {  	[smem:$0x3FA2] =	sst s5  }
0xe: {  	[smem:$0x3FA3] =	sst s6  }
0xf: {  	[smem:$0x3FA4] =	sst s7  }
0x10: {  	[smem:$0x3FA5] =	sst s8  }
0x11: {  	[smem:$0x3FA6] =	sst s9;
	s0 =	simm.s32 @!p0 $0x0  }
0x12: {  	s1 =	sld [smem:$0x3F8C];
	s0 =	simm.s32 @p0 $0x1  }
0x13: {  	[smem:$0x3FA7] =	sst s0;
	s0 =	simm.s32 @!p1 $0x0  }
0x14: {  	s2 =	sld [smem:$0x3F8B];
	s0 =	simm.s32 @p1 $0x1  }
0x15: {  	[smem:$0x3FA8] =	sst s0;
	s0 =	simm.s32 @!p2 $0x0  }
0x16: {  	s3 =	sld [smem:$0x3FDB];
	s0 =	simm.s32 @p2 $0x1  }
0x17: {  	s4 =	simm.s32 $0x1BF5;
	[smem:$0x3FAA] =	sst s0  }
0x18: {  	s0 =	sld [smem:$0x3F8D];
	_ =	swait.ge [sflag:s4], $0x0  }
0x19: {  	s7 =	sld [smem:$0x3F8E]  }
0x1a: {  	s8 =	sadd.s32 $0xFFFFE003, lr  }
0x1b: {  	s9 =	sadd.s32 $0xFFFFFEF7, lr;
	s5 =	simm.s32 $0xFFFFFFFF;
	p2 =	slt.u32 s8, $0xFFFFF086  }
0x1c: {  	p1 =	slt.u32 s9, $0xF7A;
	s5 =	simm.s32 @!p2 $0x0  }
0x1d: {  	s5 =	simm.s32 @p1 $0x1;
	p0 =	seq.s32 s7, s2  }
0x1e: {  	s7 =	smul.u32 @!p0 $0xF7A, s2;
	p2 =	seq.s32 @!p0 s5, $0x0  }
0x1f: {  	s9 =	smul.u32 $0xF7A, s1;
	s8 =	simm.s32 @!p0 $0x1BF5;
	p2 =	por !p2, p0  }
0x20: {  	[sflag:s8] =	ssyncset.s32 @!p0 $0xFFFFF086;
	s6 =	sadd.s32 @!p0 s3, s7;
	s7 =	simm.s32 @!p0 $0x108  }
0x21: {  	s3 =	sadd.s32 s3, s9;
	s6 =	sadd.s32 @!p0 $0x88, s6;
	s7 =	simm.s32 @p2 $0x1082  }
0x22: {  	[simem:s7], [sflag:s8] =	dma.local @!p0 [hbm:s6], $0xF7A  }
0x23: {  	s9 =	sor.u32 $0xD0000000, s2;
	s6 =	simm.s32 $0x108;
	_ =	swait.ge @!p0 [sflag:s8], $0x0  }
0x24: {  	s3 =	sadd.s32 $0x88, s3;
	s6 =	simm.s32 @!p1 $0x1082;
	[sflag:s4] =	ssyncset.s32 $0xFFFFF086  }
0x25: {  	[simem:s6], [sflag:s4] =	dma.local [hbm:s3], $0xF7A  }
0x26: {  	[smem:$0x3F8E] =	sst s1;
	(tag) =	ssettag s2;
	_ =	strace s9  }
0x27: {  	s1 =	sld [smem:$0x3F9E]  }
0x28: {  	s2 =	sld [smem:$0x3F9F]  }
0x29: {  	s4 =	sld [smem:$0x3FA1]  }
0x2a: {  	p0 =	seq.s32 s5, $0x0;
	s5 =	sld [smem:$0x3FA2]  }
0x2b: {  	s6 =	sld [smem:$0x3FA3]  }
0x2c: {  	s7 =	sld [smem:$0x3FA4]  }
0x2d: {  	s3 =	simm.s32 $0x108;
	s8 =	sld [smem:$0x3FA5]  }
0x2e: {  	s3 =	simm.s32 @!p0 $0x1082;
	s9 =	sld [smem:$0x3FA6]  }
0x2f: {  	lr =	sadd.s32 s0, s3;
	s0 =	sld [smem:$0x3F9D]  }
0x30: {  	s3 =	sld [smem:$0x3FA0]  }
0x31: {  	[smem:$0x3FA9] =	sst s10  }
0x32: {  	s10 =	sld [smem:$0x3FA7];
	_ =	sdelay $0x3  }
0x33: {  	p0 =	seq.s32 s10, $0x1;
	s10 =	sld [smem:$0x3FA9];
	_ =	sdelay $0x3  }
0x34: {  	[smem:$0x3FA9] =	sst s10  }
0x35: {  	s10 =	sld [smem:$0x3FA8];
	_ =	sdelay $0x3  }
0x36: {  	p1 =	seq.s32 s10, $0x1;
	s10 =	sld [smem:$0x3FA9];
	_ =	sdelay $0x3  }
0x37: {  	[smem:$0x3FA9] =	sst s10  }
0x38: {  	s10 =	sld [smem:$0x3FAA]  }
0x39: {  	_ = 	snop;
	(pc) =	sbr.ind lr, $3  }
0x3a: {  	_ = 	snop  }
0x3b: {  	_ = 	snop  }
0x3c: {  	p2 =	seq.s32 s10, $0x1;
	s10 =	sld [smem:$0x3FA9]  }
0x3d: {  	_ =	shalt  }
0x3e: {  	_ =	shalt  }
0x3f: {  	_ =	shalt  }
0x40: {  	_ =	shalt  }
0x41: {  	_ =	shalt  }
0x42: {  	_ =	shalt  }
0x43: {  	_ =	shalt  }
0x44: {  	_ =	shalt  }
0x45: {  	_ =	shalt  }
0x46: {  	_ =	shalt  }
0x47: {  	_ =	shalt  }
0x48: {  	_ =	shalt  }
0x49: {  	_ =	shalt  }
0x4a: {  	_ =	shalt  }
0x4b: {  	_ =	shalt  }
0x4c: {  	_ =	shalt  }
0x4d: {  	_ =	shalt  }
0x4e: {  	_ =	shalt  }
0x4f: {  	_ =	shalt  }
0x50: {  	_ =	shalt  }
0x51: {  	_ =	shalt  }
0x52: {  	_ =	shalt  }
0x53: {  	_ =	shalt  }
0x54: {  	_ =	shalt  }
0x55: {  	_ =	shalt  }
0x56: {  	_ =	shalt  }
0x57: {  	_ =	shalt  }
0x58: {  	_ =	shalt  }
0x59: {  	_ =	shalt  }
0x5a: {  	_ =	shalt  }
0x5b: {  	_ =	shalt  }
0x5c: {  	_ =	shalt  }
0x5d: {  	_ =	shalt  }
0x5e: {  	_ =	shalt  }
0x5f: {  	_ =	shalt  }
0x60: {  	_ =	shalt  }
0x61: {  	_ =	shalt  }
0x62: {  	_ =	shalt  }
0x63: {  	_ =	shalt  }
0x64: {  	_ =	shalt  }
0x65: {  	_ =	shalt  }
0x66: {  	_ =	shalt  }
0x67: {  	_ =	shalt  }
0x68: {  	_ =	shalt  }
0x69: {  	_ =	shalt  }
0x6a: {  	_ =	shalt  }
0x6b: {  	_ =	shalt  }
0x6c: {  	_ =	shalt  }
0x6d: {  	_ =	shalt  }
0x6e: {  	_ =	shalt  }
0x6f: {  	_ =	shalt  }
0x70: {  	_ =	shalt  }
0x71: {  	_ =	shalt  }
0x72: {  	_ =	shalt  }
0x73: {  	_ =	shalt  }
0x74: {  	_ =	shalt  }
0x75: {  	_ =	shalt  }
0x76: {  	_ =	shalt  }
0x77: {  	_ =	shalt  }
0x78: {  	_ =	shalt  }
0x79: {  	_ =	shalt  }
0x7a: {  	_ =	shalt  }
0x7b: {  	_ =	shalt  }
0x7c: {  	_ =	shalt  }
0x7d: {  	_ =	shalt  }
0x7e: {  	_ =	shalt  }
0x7f: {  	_ =	shalt  }
0x80: {  	_ =	shalt  }
0x81: {  	_ =	shalt  }
0x82: {  	_ =	shalt  }
0x83: {  	_ =	shalt  }
0x84: {  	_ =	shalt  }
0x85: {  	_ =	shalt  }
0x86: {  	_ =	shalt  }
0x87: {  	_ =	shalt  }
.Lfunc_end0:
.L_simem_size_0:
called_computation_lowered:
.L_overlay_start_0:
0x88: {  	s2 =	sld [smem:$0x3FD9]  }
0x89: {  	s3 =	sld [smem:$0x3FFE];
	_ =	sdelay $0x1  }
0x8a: {  	s1 =	srdreg.scid  }
0x8b: {  	s0 =	sand.u32 $0x1, s1  }
0x8c: {  	s16 =	sshll.u32 s0, $0xA;
	s2 =	sadd.s32 s3, s2  }
0x8d: {  	s2 =	sadd.s32 s2, s16  }
0x8e: {  	[smem:$0x3FB5] =	sst s2  }
0x8f: {  	_ = 	snop  }
0x90: {  	(tm) =	ssettm $0x1  }
0x91: {  	s17 =	sld [smem:$0x3FFB];
	_ =	sdelay $0x3  }
0x92: {  	_ =	strace s17  }
0x93: {  	s2 =	sld [smem:$0x3FFC];
	_ =	sdelay $0x3  }
0x94: {  	_ =	strace s2  }
0x95: {  	s2 =	sld [smem:$0x3FFD];
	_ =	sdelay $0x3  }
0x96: {  	_ =	strace s2  }
0x97: {  	_ =	strace $0x8FFFFFFF  }
0x98: {  	s18 =	sld [smem:$0x3FDB];
	_ =	sdelay $0x1  }
0x99: {  	s19 =	simm.s32 $_scs_section_size  }
0x9a: {  	s4 =	simm.s32 $_size__tile_overlayer_lowered;
	s5 =	simm.s32 $_tile_overlayer_lowered  }
0x9b: {  	s22 =	simm.s32 $0x1BFF;
	s21 =	sshll.u32 s5, $0x1;
	s2 =	sadd.s32 s19, s18  }
0x9c: {  	s6 =	simm.s32 $0x0;
	s20 =	sshll.u32 s4, $0x1;
	s4 =	sadd.s32 s21, s2  }
0x9d: {  	[timem:s6], [sflag:s22] =	dma.local [hbm:s4], s20  }
0x9e: {  	_ =	swait.ge [sflag:s22], s20  }
0x9f: {  	s3 =	ssub.s32 $0x0, s20;
	[sflag:s22] =	ssyncset.done $0x0  }
0xa0: {  	[sflag:s22] =	ssyncadd.s32 s3;
	_ =	sdelay $0x1  }
0xa1: {  	s23 =	simm.s32 $0x1B8B  }
0xa2: {  	_ =	swait.ge [sflag:s23], $0x1  }
0xa3: {  	[sflag:s23] =	ssyncset.done $0x0  }
0xa4: {  	s25 =	simm.s32 $0x1B8E;
	s24 =	sld [smem:$0x3FFE];
	[sflag:s23] =	ssyncadd.s32 $0xFFFFFFFF  }
0xa5: {  	s26 =	simm.s32 $execute0_lowered;
	[smem:$0x3FD2] =	sst s25  }
0xa6: {  	s4 =	sshll.u32 s26, $0x1;
	_ =	strace $0x80000046;
	[dreg:$0x1] =	wrdreg $0xFFFFFFFF  }
0xa7: {  	s28 =	simm.s32 $_size_execute0_lowered;
	s2 =	sadd.s32 s2, s4;
	[dreg:$0x0] =	wrdreg $0x0  }
0xa8: {  	s4 =	sshll.u32 s28, $0x1;
	[dreg:$0x2] =	wrdreg s2  }
0xa9: {  	[dreg:$0x3] =	wrdreg s4  }
0xaa: {  	[dreg:$0x4] =	wrdreg $0xC0  }
0xab: {  	_ =	task [dreg:s6], $0x5FFFF  }
0xac: {  	[dreg:$0x1] =	wrdreg $0xFFFFFFFF  }
0xad: {  	[dreg:$0x0] =	wrdreg $0x60  }
0xae: {  	[dreg:$0x2] =	wrdreg s24  }
0xaf: {  	[dreg:$0x3] =	wrdreg $0xAA200  }
0xb0: {  	[dreg:$0x4] =	wrdreg $0x9  }
0xb1: {  	_ =	task.clear_ibuf [dreg:s6], $0x5FFFF;
	_ =	strace $0x90000046  }
0xb2: {  	s29 =	simm.s32 $0x9;
	_ =	strace $0x80000048  }
0xb3: {  	_ =	swait.ge [sflag:s29], $0x1  }
0xb4: {  	[sflag:s29] =	ssyncadd.s32 $0xFFFFFFFF  }
0xb5: {  	_ =	strace $0x90000048  }
0xb6: {  	_ =	sfence  }
0xb7: {  	s30 =	sld [smem:$0x0];
	_ =	sdelay $0x2  }
0xb8: {  	s31 =	sshll.u32 s1, $0xD;
	s1 =	sshrl.u32 s1, $0x2  }
0xb9: {  	s3 =	sand.u32 $0x4000, s31;
	s1 =	sadd.s32 s1, s30  }
0xba: {  	s0 =	sor.u32 s3, s0;
	s1 =	sshll.u32 s1, $0x11  }
0xbb: {  	s0 =	sor.u32 s1, s0  }
0xbc: {  	s0 =	sadd.s32 $0x8F2B, s0  }
0xbd: {  	[sflag:s0] =	ssyncadd.remote.s32 $0x1  }
0xbe: {  	_ =	sfence.sel $0xFFFF  }
0xbf: {  	[dreg:$0x0] =	wrdreg $0xFFFFFFFF;
	(pc) =	sbr.abs _section_cstart, $3  }
0xc0: {  	[dreg:$0x1] =	wrdreg $0xFFFFFFFF  }
0xc1: {  	_ =	task.clear_ibuf [dreg:s6], $0x2FFFF;
	_ =	strace $0x9FFFFFFF  }
0xc2: {  	(tm) =	ssettm $0x7FFFFFFF  }
0xc3: {  	_ =	shalt  }
tec
execute0_lowered:
.L_overlay_start_1:
0x0: {  	(tag) =	ssettag $0x1  }
0x1: {  	s1 =	rddreg [dreg:$0x0]  }
0x2: {  	s0 =	srdreg.scid;
	s2 =	rddreg [dreg:$0x1]  }
0x3: {  	s7 =	stileid.u32;
	s4 =	simm.s32 $0x0;
	s28 =	simm.s32 $0x2710  }
0x4: {  	s29 =	simm.s32 $0x9E20;
	s30 =	simm.s32 $0x9;
	s31 =	simm.s32 $0x1  }
0x5: {  	s12 =	simm.s32 $0x4E20;
	s11 =	simm.s32 $0x4;
	s14 =	simm.s32 $0x7  }
0x6: {  	s0 =	sand.u32 $0x1, s0;
	[smem:$0x7FF] =	sst s4;
	s4 =	sadd.s32 $0x3800, s1  }
0x7: {  	s8 =	sadd.s32 $0x3E600, s1;
	s10 =	sadd.s32 $0x2AC00, s1;
	s16 =	smul.u32 $0x13800, s7  }
0x8: {  	s18 =	smul.u32 $0x27000, s7;
	s9 =	sadd.s32 $0x9C000, s2;
	p1 =	sne.s32 s7, $0xF  }
0x9: {  	p2 =	seq.s32 s7, $0xF;
	s3 =	sshll.u32 s0, $0x4;
	_ =	strace $0x80000047  }
0xa: {  	s5 =	ssub.s32 $0x2, s0;
	p0 =	seq.s32 s0, $0x1;
	[dreg:$0x3] =	wrdreg s8  }
0xb: {  	[dreg:$0x4] =	wrdreg s10;
	s3 =	sor.u32 s7, s3;
	s6 =	sshrl.u32 s5, $0x1  }
0xc: {  	s19 =	sshrl.u32 s16, $0x4;
	s7 =	simm.s32 $0x3;
	s3 =	smul.u32 $0x2710, s3  }
0xd: {  	s15 =	ssub.s32 s5, s6;
	s20 =	sadd.s32 s8, s19;
	s5 =	sshrl.u32 s16, $0x1  }
0xe: {  	s0 =	sadd.s32 s10, s19;
	s10 =	simm.s32 $0x50;
	s6 =	simm.s32 $0x7620  }
0xf: {  	s8 =	simm.s32 $0x6;
	s16 =	simm.s32 $0x0;
	[dreg:$0x7] =	wrdreg s20  }
0x10: {  	s5 =	sadd.s32 s5, s2;
	[dreg:$0x9] =	wrdreg s0;
	s3 =	sshrl.u32 s3, $0x3  }
0x11: {  	s21 =	smax.u32 s15, $0x1;
	s0 =	simm.s32 $0x2;
	s3 =	sadd.s32 s3, s1  }
0x12: {  	[dreg:$0x8] =	wrdreg s5;
	s17 =	sadd.s32 $0x17200, s3;
	s3 =	sadd.s32 $0x20E40, s3  }
0x13: {  	s15 =	simm.s32 $0x8;
	[dreg:$0x6] =	wrdreg s3;
	s3 =	sshrl.u32 s18, $0x2  }
0x14: {  	[dreg:$0xa] =	wrdreg s21;
	s5 =	simm.s32 $0x6220;
	s13 =	sadd.s32 s3, s2  }
0x15: {  	s1 =	simm.s32 $0x8A20;
	[dreg:$0x5] =	wrdreg s17;
	s22 =	sadd.s32 $0xC00, s13  }
0x16: {  	s3 =	simm.s32 $0x5;
	s23 =	sadd.s32 $0x1800, s13;
	[dreg:$0xb] =	wrdreg s22  }
.Ltmp0:
0x17: {  	s24 =	sadd.s32 $0x2400, s13;
	[dreg:$0xc] =	wrdreg s23;
	(pc) =	sbr.rel .LBB2_1-.Ltmp0, $4  }
0x18: {  	s25 =	sadd.s32 $0x3000, s13;
	s26 =	sadd.s32 $0x3C00, s13;
	[dreg:$0xd] =	wrdreg s24  }
0x19: {  	s20 =	sadd.s32 $0x4800, s13;
	s21 =	sadd.s32 $0x5400, s13;
	[dreg:$0xe] =	wrdreg s25  }
0x1a: {  	[dreg:$0xf] =	wrdreg s26;
	s22 =	sadd.s32 $0x6000, s13;
	s23 =	sadd.s32 $0x6C00, s13  }
0x1b: {  	v0 =	vimm.bf16 $0.0e+00;
	s24 =	sadd.s32 $0x7800, s13;
	s25 =	sadd.s32 $0x8400, s13;
	s26 =	sadd.s32 $0x9000, s13  }
.LBB2_8:
0x1c: {  	s18 =	sadd.s32 $0x13800, s18;
	s19 =	sshrl.u32 s9, $0x3  }
0x1d: {  	[hbm:s18], [sflag:s17] =	dma.local [spmem:s19], $0x80  }
0x1e: {  	_ =	swait.ge [sflag:s30], $0x80  }
0x1f: {  	[sflag:s30] =	ssyncset.done $0x0  }
0x20: {  	[sflag:s30] =	ssyncadd.s32 $0xFFFFFF80  }
.LBB2_9:
0x21: {  	s16 =	sadd.s32 $0x1, s16;
	s17 =	rddreg [dreg:$0xa]  }
0x22: {  	p3 =	sne.s32 s16, s17  }
.Ltmp1:
0x23: {  	_ = 	snop;
	(pc) =	sbr.rel @!p3 .LBB2_10-.Ltmp1, $1  }
0x24: {  	_ =	sdelay $0x3  }
.LBB2_1:
0x25: {  	s17 =	simm.s32 $0x0;
	s18 =	rddreg [dreg:$0x5]  }
0x26: {  	[tilespmem:s17], [sflag:$0x1] =	stream.linear.gather [hbm4b:s18+s17], $0x2710, $0x38;
	[tilespmem:$0x14660] =	vst v63  }
0x27: {  	s19 =	rddreg [dreg:$0x6]  }
0x28: {  	[tilespmem:s28], [sflag:$0x2] =	stream.linear.gather [hbm4b:s19+s17], $0x2710, $0x38;
	[tilespmem:$0x14660] =	vst v63  }
0x29: {  	s18 =	simm.s32 $0x100;
	s17 =	simm.s32 $0x0  }
.LBB2_2:
0x2a: {  	p3 =	sne.s32 s18, $0x2F00;
	[tilespmem:s17+$0x9E50] =	vst v0;
	s19 =	smov.u32 s18;
	s18 =	sadd.s32 $0x100, s18  }
.Ltmp2:
0x2b: {  	[tilespmem:s17+$0x9E40] =	vst v0;
	(pc) =	sbr.rel @p3 .LBB2_2-.Ltmp2, $3  }
0x2c: {  	[tilespmem:s17+$0x9E20] =	vst v0  }
0x2d: {  	[tilespmem:s17+$0x9E30] =	vst v0;
	_ =	sdelay $0x1  }
0x2e: {  	s17 =	sshra.s32 s19, $0x2  }
0x2f: {  	[tilespmem:s17+$0x9E50] =	vst v0  }
0x30: {  	[tilespmem:s17+$0x9E40] =	vst v0  }
0x31: {  	[tilespmem:s17+$0x9E20] =	vst v0  }
0x32: {  	[tilespmem:s17+$0x9E30] =	vst v0  }
0x33: {  	[spmem:s13] =	stream.linear.scatter [tilespmem:s29], [sflag:$0x9], $0xC00, $0x38;
	[tilespmem:$0x14660] =	vst v63  }
0x34: {  	_ =	swait.ge [sflag:s30], $0xC00  }
0x35: {  	[sflag:s30] =	ssyncset.done $0x0  }
0x36: {  	s19 =	rddreg [dreg:$0xb];
	[sflag:s30] =	ssyncadd.s32 $0xFFFFF400  }
0x37: {  	[spmem:s19] =	stream.linear.scatter [tilespmem:s29], [sflag:$0x9], $0xC00, $0x38;
	[tilespmem:$0x14660] =	vst v63  }
0x38: {  	_ =	swait.ge [sflag:s30], $0xC00  }
0x39: {  	[sflag:s30] =	ssyncset.done $0x0  }
0x3a: {  	s18 =	rddreg [dreg:$0xc];
	[sflag:s30] =	ssyncadd.s32 $0xFFFFF400  }
0x3b: {  	[spmem:s18] =	stream.linear.scatter [tilespmem:s29], [sflag:$0x9], $0xC00, $0x38;
	[tilespmem:$0x14660] =	vst v63  }
0x3c: {  	_ =	swait.ge [sflag:s30], $0xC00  }
0x3d: {  	[sflag:s30] =	ssyncset.done $0x0  }
0x3e: {  	s19 =	rddreg [dreg:$0xd];
	[sflag:s30] =	ssyncadd.s32 $0xFFFFF400  }
0x3f: {  	[spmem:s19] =	stream.linear.scatter [tilespmem:s29], [sflag:$0x9], $0xC00, $0x38;
	[tilespmem:$0x14660] =	vst v63  }
0x40: {  	_ =	swait.ge [sflag:s30], $0xC00  }
0x41: {  	[sflag:s30] =	ssyncset.done $0x0  }
0x42: {  	s18 =	rddreg [dreg:$0xe];
	[sflag:s30] =	ssyncadd.s32 $0xFFFFF400  }
0x43: {  	[spmem:s18] =	stream.linear.scatter [tilespmem:s29], [sflag:$0x9], $0xC00, $0x38;
	[tilespmem:$0x14660] =	vst v63  }
0x44: {  	_ =	swait.ge [sflag:s30], $0xC00  }
0x45: {  	[sflag:s30] =	ssyncset.done $0x0  }
0x46: {  	s19 =	rddreg [dreg:$0xf];
	[sflag:s30] =	ssyncadd.s32 $0xFFFFF400  }
0x47: {  	[spmem:s19] =	stream.linear.scatter [tilespmem:s29], [sflag:$0x9], $0xC00, $0x38;
	[tilespmem:$0x14660] =	vst v63  }
0x48: {  	_ =	swait.ge [sflag:s30], $0xC00  }
0x49: {  	[sflag:s30] =	ssyncset.done $0x0  }
0x4a: {  	[sflag:s30] =	ssyncadd.s32 $0xFFFFF400  }
0x4b: {  	[spmem:s20] =	stream.linear.scatter [tilespmem:s29], [sflag:$0x9], $0xC00, $0x38;
	[tilespmem:$0x14660] =	vst v63  }
0x4c: {  	_ =	swait.ge [sflag:s30], $0xC00  }
0x4d: {  	[sflag:s30] =	ssyncset.done $0x0  }
0x4e: {  	[sflag:s30] =	ssyncadd.s32 $0xFFFFF400  }
0x4f: {  	[spmem:s21] =	stream.linear.scatter [tilespmem:s29], [sflag:$0x9], $0xC00, $0x38;
	[tilespmem:$0x14660] =	vst v63  }
0x50: {  	_ =	swait.ge [sflag:s30], $0xC00  }
0x51: {  	[sflag:s30] =	ssyncset.done $0x0  }
0x52: {  	[sflag:s30] =	ssyncadd.s32 $0xFFFFF400  }
0x53: {  	[spmem:s22] =	stream.linear.scatter [tilespmem:s29], [sflag:$0x9], $0xC00, $0x38;
	[tilespmem:$0x14660] =	vst v63  }
0x54: {  	_ =	swait.ge [sflag:s30], $0xC00  }
0x55: {  	[sflag:s30] =	ssyncset.done $0x0  }
0x56: {  	[sflag:s30] =	ssyncadd.s32 $0xFFFFF400  }
0x57: {  	[spmem:s23] =	stream.linear.scatter [tilespmem:s29], [sflag:$0x9], $0xC00, $0x38;
	[tilespmem:$0x14660] =	vst v63  }
0x58: {  	_ =	swait.ge [sflag:s30], $0xC00  }
0x59: {  	[sflag:s30] =	ssyncset.done $0x0  }
0x5a: {  	[sflag:s30] =	ssyncadd.s32 $0xFFFFF400  }
0x5b: {  	[spmem:s24] =	stream.linear.scatter [tilespmem:s29], [sflag:$0x9], $0xC00, $0x38;
	[tilespmem:$0x14660] =	vst v63  }
0x5c: {  	_ =	swait.ge [sflag:s30], $0xC00  }
0x5d: {  	[sflag:s30] =	ssyncset.done $0x0  }
0x5e: {  	[sflag:s30] =	ssyncadd.s32 $0xFFFFF400  }
0x5f: {  	[spmem:s25] =	stream.linear.scatter [tilespmem:s29], [sflag:$0x9], $0xC00, $0x38;
	[tilespmem:$0x14660] =	vst v63  }
0x60: {  	_ =	swait.ge [sflag:s30], $0xC00  }
0x61: {  	[sflag:s30] =	ssyncset.done $0x0  }
0x62: {  	[sflag:s30] =	ssyncadd.s32 $0xFFFFF400  }
0x63: {  	[spmem:s26] =	stream.linear.scatter [tilespmem:s29], [sflag:$0x9], $0xC00, $0x38;
	[tilespmem:$0x14660] =	vst v63  }
0x64: {  	_ =	swait.ge [sflag:s30], $0xC00  }
0x65: {  	[sflag:s30] =	ssyncset.done $0x0  }
0x66: {  	s17 =	simm.s32 @!p1 $0x9E20;
	[sflag:s30] =	ssyncadd.s32 $0xFFFFF400  }
0x67: {  	[spmem:s9] =	stream.linear.scatter @!p1 [tilespmem:s17], [sflag:$0x9], $0x400, $0x38;
	[tilespmem:$0x14660] =	vst v63  }
0x68: {  	s17 =	simm.s32 @!p1 $0x9  }
0x69: {  	_ =	swait.ge @!p1 [sflag:s17], $0x400  }
0x6a: {  	[sflag:s17] =	ssyncset.done @!p1 $0x0  }
0x6b: {  	[sflag:s17] =	ssyncadd.s32 @!p1 $0xFFFFFC00  }
0x6c: {  	_ =	swait.ge [sflag:s31], $0x2710  }
0x6d: {  	[sflag:s31] =	ssyncset.done $0x0  }
0x6e: {  	[sflag:s31] =	ssyncadd.s32 $0xFFFFD8F0  }
0x6f: {  	_ =	swait.ge [sflag:s0], $0x2710  }
0x70: {  	[sflag:s0] =	ssyncset.done $0x0  }
0x71: {  	[sflag:s0] =	ssyncadd.s32 $0xFFFFD8F0  }
0x72: {  	s18 =	simm.s32 $0x0;
	[bflag:$0x0] =	sbarrier.arrive $0xFFFF  }
0x73: {  	[tilespmem:s12], [sflag:$0x1] =	stream.indirect.gather [hbm4b:s4+s10], $0x40, s18, s10, $0xb8;
	[tilespmem:$0x14660] =	vst v63  }
0x74: {  	_ = 	snop  }
0x75: {  	[tilespmem:s5], [sflag:$0x2] =	stream.indirect.gather [hbm4b:s4+s10], $0x40, s10, s10, $0xb8;
	[tilespmem:$0x14660] =	vst v63  }
0x76: {  	s19 =	simm.s32 $0xA0  }
0x77: {  	[tilespmem:s6], [sflag:$0x3] =	stream.indirect.gather [hbm4b:s4+s10], $0x40, s19, s10, $0xb8;
	[tilespmem:$0x14660] =	vst v63  }
0x78: {  	_ =	swait.ge [sflag:s31], $0x1400  }
0x79: {  	[sflag:s31] =	ssyncset.done $0x0  }
0x7a: {  	[sflag:s31] =	ssyncadd.s32 $0xFFFFEC00  }
0x7b: {  	[spmem:s2] =	stream.indirect.scatter.add.bf16 [tilespmem:s12], [sflag:$0x5], $0x40, s28, s10, $0xb8;
	[tilespmem:$0x14660] =	vst v63  }
0x7c: {  	s18 =	simm.s32 $0xF0  }
0x7d: {  	[tilespmem:s1], [sflag:$0x4] =	stream.indirect.gather [hbm4b:s4+s10], $0x40, s18, s10, $0xb8;
	[tilespmem:$0x14660] =	vst v63  }
0x7e: {  	_ =	swait.ge [sflag:s0], $0x1400  }
0x7f: {  	[sflag:s0] =	ssyncset.done $0x0  }
0x80: {  	s19 =	simm.s32 $0x2760;
	[sflag:s0] =	ssyncadd.s32 $0xFFFFEC00  }
0x81: {  	[spmem:s2] =	stream.indirect.scatter.add.bf16 [tilespmem:s5], [sflag:$0x6], $0x40, s19, s10, $0xb8;
	[tilespmem:$0x14660] =	vst v63  }
0x82: {  	_ =	swait.ge [sflag:s3], $0x1400  }
0x83: {  	[sflag:s3] =	ssyncset.done $0x0  }
0x84: {  	s18 =	simm.s32 $0x140;
	[sflag:s3] =	ssyncadd.s32 $0xFFFFEC00  }
0x85: {  	[tilespmem:s12], [sflag:$0x1] =	stream.indirect.gather [hbm4b:s4+s10], $0x40, s18, s10, $0xb8;
	[tilespmem:$0x14660] =	vst v63  }
0x86: {  	_ =	swait.ge [sflag:s7], $0x1400  }
0x87: {  	[sflag:s7] =	ssyncset.done $0x0  }
0x88: {  	s19 =	simm.s32 $0x27B0;
	[sflag:s7] =	ssyncadd.s32 $0xFFFFEC00  }
0x89: {  	[spmem:s2] =	stream.indirect.scatter.add.bf16 [tilespmem:s6], [sflag:$0x7], $0x40, s19, s10, $0xb8;
	[tilespmem:$0x14660] =	vst v63  }
0x8a: {  	_ =	swait.ge [sflag:s8], $0x1400  }
0x8b: {  	[sflag:s8] =	ssyncset.done $0x0  }
0x8c: {  	s18 =	simm.s32 $0x190;
	[sflag:s8] =	ssyncadd.s32 $0xFFFFEC00  }
0x8d: {  	[tilespmem:s5], [sflag:$0x2] =	stream.indirect.gather [hbm4b:s4+s10], $0x40, s18, s10, $0xb8;
	[tilespmem:$0x14660] =	vst v63  }
0x8e: {  	_ =	swait.ge [sflag:s11], $0x1400  }
0x8f: {  	[sflag:s11] =	ssyncset.done $0x0  }
0x90: {  	s19 =	simm.s32 $0x2800;
	[sflag:s11] =	ssyncadd.s32 $0xFFFFEC00  }
0x91: {  	[spmem:s2] =	stream.indirect.scatter.add.bf16 [tilespmem:s1], [sflag:$0x8], $0x40, s19, s10, $0xb8;
	[tilespmem:$0x14660] =	vst v63  }
0x92: {  	_ =	swait.ge [sflag:s14], $0x1400  }
0x93: {  	[sflag:s14] =	ssyncset.done $0x0  }
0x94: {  	s18 =	simm.s32 $0x1E0;
	[sflag:s14] =	ssyncadd.s32 $0xFFFFEC00  }
0x95: {  	[tilespmem:s6], [sflag:$0x3] =	stream.indirect.gather [hbm4b:s4+s10], $0x40, s18, s10, $0xb8;
	[tilespmem:$0x14660] =	vst v63  }
0x96: {  	_ =	swait.ge [sflag:s31], $0x1400  }
0x97: {  	[sflag:s31] =	ssyncset.done $0x0  }
0x98: {  	s19 =	simm.s32 $0x2850;
	[sflag:s31] =	ssyncadd.s32 $0xFFFFEC00  }
0x99: {  	[spmem:s2] =	stream.indirect.scatter.add.bf16 [tilespmem:s12], [sflag:$0x5], $0x40, s19, s10, $0xb8;
	[tilespmem:$0x14660] =	vst v63  }
0x9a: {  	_ =	swait.ge [sflag:s15], $0x1400  }
0x9b: {  	[sflag:s15] =	ssyncset.done $0x0  }
0x9c: {  	s17 =	simm.s32 $0x500;
	s18 =	simm.s32 $0x230;
	[sflag:s15] =	ssyncadd.s32 $0xFFFFEC00  }
.LBB2_4:
0x9d: {  	[tilespmem:s1], [sflag:$0x4] =	stream.indirect.gather [hbm4b:s4+s10], $0x40, s18, s10, $0xb8;
	[tilespmem:$0x14660] =	vst v63  }
0x9e: {  	s18 =	smov.u32 s17  }
0x9f: {  	p3 =	sne.s32 s17, $0x9100;
	s17 =	sadd.s32 $0x500, s17;
	_ =	swait.ge [sflag:s0], $0x1400  }
0xa0: {  	s18 =	sshra.s32 s18, $0x2;
	[sflag:s0] =	ssyncset.done $0x0  }
0xa1: {  	s19 =	sadd.s32 $0x2760, s18;
	[sflag:s0] =	ssyncadd.s32 $0xFFFFEC00  }
0xa2: {  	[spmem:s2] =	stream.indirect.scatter.add.bf16 [tilespmem:s5], [sflag:$0x6], $0x40, s19, s10, $0xb8;
	[tilespmem:$0x14660] =	vst v63  }
0xa3: {  	_ =	swait.ge [sflag:s3], $0x1400  }
0xa4: {  	[sflag:s3] =	ssyncset.done $0x0  }
0xa5: {  	s19 =	sadd.s32 $0x140, s18;
	[sflag:s3] =	ssyncadd.s32 $0xFFFFEC00  }
0xa6: {  	[tilespmem:s12], [sflag:$0x1] =	stream.indirect.gather [hbm4b:s4+s10], $0x40, s19, s10, $0xb8;
	[tilespmem:$0x14660] =	vst v63  }
0xa7: {  	_ =	swait.ge [sflag:s7], $0x1400  }
0xa8: {  	[sflag:s7] =	ssyncset.done $0x0  }
0xa9: {  	s19 =	sadd.s32 $0x27B0, s18;
	[sflag:s7] =	ssyncadd.s32 $0xFFFFEC00  }
0xaa: {  	[spmem:s2] =	stream.indirect.scatter.add.bf16 [tilespmem:s6], [sflag:$0x7], $0x40, s19, s10, $0xb8;
	[tilespmem:$0x14660] =	vst v63  }
0xab: {  	_ =	swait.ge [sflag:s8], $0x1400  }
0xac: {  	[sflag:s8] =	ssyncset.done $0x0  }
0xad: {  	s19 =	sadd.s32 $0x190, s18;
	[sflag:s8] =	ssyncadd.s32 $0xFFFFEC00  }
0xae: {  	[tilespmem:s5], [sflag:$0x2] =	stream.indirect.gather [hbm4b:s4+s10], $0x40, s19, s10, $0xb8;
	[tilespmem:$0x14660] =	vst v63  }
0xaf: {  	_ =	swait.ge [sflag:s11], $0x1400  }
0xb0: {  	[sflag:s11] =	ssyncset.done $0x0  }
0xb1: {  	s19 =	sadd.s32 $0x2800, s18;
	[sflag:s11] =	ssyncadd.s32 $0xFFFFEC00  }
0xb2: {  	[spmem:s2] =	stream.indirect.scatter.add.bf16 [tilespmem:s1], [sflag:$0x8], $0x40, s19, s10, $0xb8;
	[tilespmem:$0x14660] =	vst v63  }
0xb3: {  	_ =	swait.ge [sflag:s14], $0x1400  }
0xb4: {  	[sflag:s14] =	ssyncset.done $0x0  }
0xb5: {  	s19 =	sadd.s32 $0x1E0, s18;
	[sflag:s14] =	ssyncadd.s32 $0xFFFFEC00  }
0xb6: {  	[tilespmem:s6], [sflag:$0x3] =	stream.indirect.gather [hbm4b:s4+s10], $0x40, s19, s10, $0xb8;
	[tilespmem:$0x14660] =	vst v63  }
0xb7: {  	_ =	swait.ge [sflag:s31], $0x1400  }
0xb8: {  	[sflag:s31] =	ssyncset.done $0x0  }
.Ltmp3:
0xb9: {  	s19 =	sadd.s32 $0x2850, s18;
	[sflag:s31] =	ssyncadd.s32 $0xFFFFEC00;
	(pc) =	sbr.rel @p3 .LBB2_4-.Ltmp3, $4  }
0xba: {  	[spmem:s2] =	stream.indirect.scatter.add.bf16 [tilespmem:s12], [sflag:$0x5], $0x40, s19, s10, $0xb8;
	[tilespmem:$0x14660] =	vst v63  }
0xbb: {  	_ =	swait.ge [sflag:s15], $0x1400  }
0xbc: {  	[sflag:s15] =	ssyncset.done $0x0  }
0xbd: {  	s18 =	sadd.s32 $0x230, s18;
	[sflag:s15] =	ssyncadd.s32 $0xFFFFEC00  }
0xbe: {  	[tilespmem:s1], [sflag:$0x4] =	stream.indirect.gather [hbm4b:s4+s10], $0x40, s18, s10, $0xb8;
	[tilespmem:$0x14660] =	vst v63  }
0xbf: {  	_ =	swait.ge [sflag:s0], $0x1400  }
0xc0: {  	[sflag:s0] =	ssyncset.done $0x0  }
0xc1: {  	s17 =	simm.s32 $0x4CE0;
	[sflag:s0] =	ssyncadd.s32 $0xFFFFEC00  }
0xc2: {  	[spmem:s2] =	stream.indirect.scatter.add.bf16 [tilespmem:s5], [sflag:$0x6], $0x40, s17, s10, $0xb8;
	[tilespmem:$0x14660] =	vst v63  }
0xc3: {  	_ =	swait.ge [sflag:s3], $0x1400  }
0xc4: {  	[sflag:s3] =	ssyncset.done $0x0  }
0xc5: {  	s19 =	simm.s32 $0x26C0;
	[sflag:s3] =	ssyncadd.s32 $0xFFFFEC00  }
0xc6: {  	[tilespmem:s12], [sflag:$0x1] =	stream.indirect.gather [hbm4b:s4+s10], $0x40, s19, s10, $0xb8;
	[tilespmem:$0x14660] =	vst v63  }
0xc7: {  	_ =	swait.ge [sflag:s7], $0x1400  }
0xc8: {  	[sflag:s7] =	ssyncset.done $0x0  }
0xc9: {  	s18 =	simm.s32 $0x4D30;
	[sflag:s7] =	ssyncadd.s32 $0xFFFFEC00  }
0xca: {  	[spmem:s2] =	stream.indirect.scatter.add.bf16 [tilespmem:s6], [sflag:$0x7], $0x40, s18, s10, $0xb8;
	[tilespmem:$0x14660] =	vst v63  }
0xcb: {  	_ =	swait.ge [sflag:s11], $0x1400  }
0xcc: {  	[sflag:s11] =	ssyncset.done $0x0  }
0xcd: {  	s19 =	simm.s32 $0x4D80;
	[sflag:s11] =	ssyncadd.s32 $0xFFFFEC00  }
0xce: {  	[spmem:s2] =	stream.indirect.scatter.add.bf16 [tilespmem:s1], [sflag:$0x8], $0x40, s19, s10, $0xb8;
	[tilespmem:$0x14660] =	vst v63  }
0xcf: {  	_ =	swait.ge [sflag:s31], $0x1400  }
0xd0: {  	[sflag:s31] =	ssyncset.done $0x0  }
0xd1: {  	s18 =	simm.s32 $0x4DD0;
	[sflag:s31] =	ssyncadd.s32 $0xFFFFEC00  }
0xd2: {  	[spmem:s2] =	stream.indirect.scatter.add.bf16 [tilespmem:s12], [sflag:$0x5], $0x40, s18, s10, $0xb8;
	[tilespmem:$0x14660] =	vst v63  }
0xd3: {  	_ =	swait.ge [sflag:s8], $0x1400  }
0xd4: {  	[sflag:s8] =	ssyncset.done $0x0  }
0xd5: {  	[sflag:s8] =	ssyncadd.s32 $0xFFFFEC00  }
0xd6: {  	_ =	swait.ge [sflag:s14], $0x1400  }
0xd7: {  	[sflag:s14] =	ssyncset.done $0x0  }
0xd8: {  	[sflag:s14] =	ssyncadd.s32 $0xFFFFEC00  }
0xd9: {  	_ =	swait.ge [sflag:s15], $0x1400  }
0xda: {  	[sflag:s15] =	ssyncset.done $0x0  }
0xdb: {  	[sflag:s15] =	ssyncadd.s32 $0xFFFFEC00  }
0xdc: {  	_ =	swait.ge [sflag:s3], $0x1400  }
.Ltmp4:
0xdd: {  	[sflag:s3] =	ssyncset.done $0x0;
	(pc) =	sbr.rel @!p0 .LBB2_6-.Ltmp4, $4  }
0xde: {  	[sflag:s3] =	ssyncadd.s32 $0xFFFFEC00  }
0xdf: {  	s19 =	stileid.u32;
	[bflag:$0x0] =	sbarrier.arrive $0xFFFF  }
0xe0: {  	s19 =	sshll.u32 s19, $0x6;
	s18 =	rddreg [dreg:$0x8]  }
0xe1: {  	s17 =	sor.u32 $0x1C09, s19;
	s18 =	sshrl.u32 s18, $0x3  }
0xe2: {  	s17 =	sor.u32 $0x1C09, s19;
	s19 =	rddreg [dreg:$0x9]  }
0xe3: {  	[hbm:s19], [sflag:s17] =	dma.local [spmem:s18], $0x1380  }
.Ltmp5:
0xe4: {  	_ = 	snop;
	(pc) =	sbr.rel @p1 .LBB2_9-.Ltmp5, $4  }
.Ltmp6:
0xe5: {  	_ = 	snop;
	(pc) =	sbr.rel @!p1 .LBB2_8-.Ltmp6, $4  }
0xe6: {  	_ =	swait.ge [sflag:s30], $0x1380  }
0xe7: {  	[sflag:s30] =	ssyncset.done $0x0  }
0xe8: {  	s18 =	rddreg [dreg:$0x4];
	[sflag:s30] =	ssyncadd.s32 $0xFFFFEC80  }
0xe9: {  	_ = 	snop  }
.LBB2_6:
0xea: {  	s19 =	rddreg [dreg:$0x7]  }
0xeb: {  	[hbm:s19], [sflag:s17] =	dma.local [spmem:s18], $0x1380  }
.Ltmp7:
0xec: {  	_ = 	snop;
	(pc) =	sbr.rel @p2 .LBB2_8-.Ltmp7, $4  }
.Ltmp8:
0xed: {  	_ = 	snop;
	(pc) =	sbr.rel @!p2 .LBB2_9-.Ltmp8, $4  }
0xee: {  	_ =	swait.ge [sflag:s30], $0x1380  }
0xef: {  	[sflag:s30] =	ssyncset.done $0x0  }
0xf0: {  	s18 =	rddreg [dreg:$0x3];
	[sflag:s30] =	ssyncadd.s32 $0xFFFFEC80  }
0xf1: {  	_ = 	snop  }
.LBB2_10:
0xf2: {  	_ =	sfence.sel $0x180000  }
0xf3: {  	[bflag:$0x0] =	sbarrier.arrive $0xFFFF  }
0xf4: {  	_ =	strace $0x90000047  }
0xf5: {  	s0 =	stileid.u32;
	[bflag:$0x2] =	sbarrier.arrive $0xFFFF  }
0xf6: {  	p0 =	sne.s32 s0, $0x0;
	s0 =	rddreg [dreg:$0x2]  }
0xf7: {  	s0 =	sadd.s32 @!p0 $0x100000, s0  }
0xf8: {  	[sflag:s0] =	ssyncadd.tile.s32 @!p0 $0x1;
	_ =	shalt  }
.Lfunc_end2:
_tile_overlayer_lowered:
.L_overlay_start_2:
0xf9: {  	(tag) =	ssettag $0x2  }
0xfa: {  	s0 =	rddreg [dreg:$0x0];
	s2 =	stileid.u32  }
0xfb: {  	s1 =	rddreg [dreg:$0x1];
	p0 =	sne.s32 s2, $0x0  }
0xfc: {  	s3 =	rddreg [dreg:$0x2];
	[bflag:$0x3] =	sbarrier.arrive $0xFFFF;
	s2 =	simm.s32 @!p0 $0x1C09  }
0xfd: {  	[timem:s3], [sflag:s2] =	dma.local @!p0 [hbm:s0], s1  }
0xfe: {  	s0 =	simm.s32 @!p0 $0x9  }
0xff: {  	_ =	swait.ge @!p0 [sflag:s0], s1  }
0x100: {  	s1 =	ssub.s32 @!p0 $0x0, s1;
	[sflag:s0] =	ssyncset.done @!p0 $0x0  }
0x101: {  	[sflag:s0] =	ssyncadd.s32 @!p0 s1  }
0x102: {  	[bflag:$0x3] =	sbarrier.arrive $0xFFFF  }
0x103: {  	_ =	shalt  }

</sc_bundles>
